<compile_context>
chip_gen: v7x
topology: tpu7x:2x2x1
jax: 0.10.2.dev20260603
libtpu: 0.0.44.dev20260713+nightly
codegen_flags: <defaults>
</compile_context>

<pallas_src>
import jax
import jax.numpy as jnp
from jax import lax
from jax.experimental import pallas as pl
from jax.experimental.pallas import tpu as pltpu
from jax.experimental.pallas import tpu_sc as plsc

N_NODES = 10000
N_REL = 4
DIM = 128
N_EDGES = 320000

NC = 2
NS = 16
L = 16

CHUNK = 128
SLAB = 16
E_PAD = 327680
ROWS2D = E_PAD // CHUNK
K_HIST = 40960
HCHUNK = K_HIST // NS
ACC_ROWS = 10240

A_ROWS = ROWS2D // NS
A_SLABS = A_ROWS // SLAB
C_ROWS = ROWS2D // (NC * NS)
C_ROWS0 = 152
C_ROWS1 = (ROWS2D - NS * C_ROWS0) // NS
D_ROWS = ACC_ROWS // NS


def _sc_body(emb, srcs, dsts, typs, parts,
             dv16, tv16, kv16, sv16, onesv, wbuf0, wbuf1, hv, rows0, rows1,
             hist, accum, sem, sem_e0, sem_e1, sem_w0, sem_w1):
    wbuf = wbuf0
    rows = rows0
    c = lax.axis_index("c")
    s = lax.axis_index("s")

    with jax.named_scope("pZ"):
        def zh(i, _):
            hv[pl.ds(i * L, L)] = jnp.zeros((L,), jnp.float32)
            return ()
        lax.fori_loop(0, HCHUNK // L, zh, ())
        pltpu.sync_copy(hv, hist.at[pl.ds(s * HCHUNK, HCHUNK)])

        def zrow(i, _):
            for g in range(DIM // L):
                rows[i, pl.ds(g * L, L)] = jnp.zeros((L,), jnp.float32)
            return ()
        lax.fori_loop(0, CHUNK, zrow, ())
        acc_base = s * D_ROWS
        for b in range(D_ROWS // CHUNK):
            pltpu.sync_copy(rows,
                            accum.at[pl.ds(acc_base + b * CHUNK, CHUNK), :])

        def ob(i, _):
            onesv[pl.ds(i * L, L)] = jnp.ones((L,), jnp.float32)
            return ()
        lax.fori_loop(0, CHUNK // L, ob, ())

        plsc.subcore_barrier()

    def phase_a(sl, _):
        row0 = s * A_ROWS + sl * SLAB
        pltpu.sync_copy(dsts.at[pl.ds(row0, SLAB), :], dv16)
        pltpu.sync_copy(typs.at[pl.ds(row0, SLAB), :], tv16)

        def keyrow(r, _):
            for g in range(CHUNK // L):
                d = dv16[r, pl.ds(g * L, L)]
                t = tv16[r, pl.ds(g * L, L)]
                kv16[r, pl.ds(g * L, L)] = d * N_REL + t
            return ()
        lax.fori_loop(0, SLAB, keyrow, ())

        descs = []
        for r in range(SLAB):
            descs.append(
                pltpu.async_copy(onesv, hist.at[kv16.at[r]], sem, add=True))
        for d in descs:
            d.wait()
        return ()
    with jax.named_scope("pA"):
        lax.fori_loop(0, A_SLABS, phase_a, ())

        plsc.subcore_barrier()

    with jax.named_scope("pB"):
        pltpu.sync_copy(hist.at[pl.ds(s * HCHUNK, HCHUNK)], hv)

        def inv_b(i, _):
            h = hv[pl.ds(i * L, L)]
            hv[pl.ds(i * L, L)] = 1.0 / jnp.maximum(h, 1.0)
            return ()
        lax.fori_loop(0, HCHUNK // L, inv_b, ())
        pltpu.sync_copy(hv, hist.at[pl.ds(s * HCHUNK, HCHUNK)])

        plsc.subcore_barrier()

    rows_c0 = NS * C_ROWS0
    crow0 = jnp.where(c == 0, s * C_ROWS0, rows_c0 + s * C_ROWS1)
    n_slabs = jnp.where(c == 0, C_ROWS0 // SLAB, C_ROWS1 // SLAB)

    def stage_slab(sl):
        row0 = crow0 + sl * SLAB
        pltpu.sync_copy(srcs.at[pl.ds(row0, SLAB), :], sv16)
        pltpu.sync_copy(dsts.at[pl.ds(row0, SLAB), :], dv16)
        pltpu.sync_copy(typs.at[pl.ds(row0, SLAB), :], tv16)

        def keyrow(r, _):
            for g in range(CHUNK // L):
                d = dv16[r, pl.ds(g * L, L)]
                t = tv16[r, pl.ds(g * L, L)]
                kv16[r, pl.ds(g * L, L)] = d * N_REL + t
            return ()
        lax.fori_loop(0, SLAB, keyrow, ())

    def c_slab(sl, _):
        stage_slab(sl)

        H = CHUNK // 2

        def issue(r, rbuf, wbuf_, sem_e, sem_w):
            pltpu.async_copy(hist.at[kv16.at[r]], wbuf_, sem_w)
            pltpu.async_copy(emb.at[sv16.at[r]], rbuf, sem_e)

        def drain(rbuf, wbuf_, sem_e, sem_w):
            pltpu.make_async_copy(emb.at[pl.ds(0, CHUNK), :], rbuf,
                                  sem_e).wait()
            pltpu.make_async_copy(emb.at[0, pl.ds(0, CHUNK)], wbuf_,
                                  sem_w).wait()

        def process(r, rbuf, wbuf_):
            def scale_row(i, _):
                w = plsc.load_gather(wbuf_, [jnp.full((L,), i, jnp.int32)])
                for g in range(DIM // L):
                    rbuf[i, pl.ds(g * L, L)] = rbuf[i, pl.ds(g * L, L)] * w
                return ()
            lax.fori_loop(0, CHUNK, scale_row, ())
            pltpu.sync_copy(rbuf, accum.at[dv16.at[r]], add=True)

        issue(0, rows0, wbuf0, sem_e0, sem_w0)

        def edge_pair(p, _):
            r0 = p * 2
            issue(r0 + 1, rows1, wbuf1, sem_e1, sem_w1)
            drain(rows0, wbuf0, sem_e0, sem_w0)
            process(r0, rows0, wbuf0)

            @pl.when(r0 + 2 < SLAB)
            def _():
                issue(r0 + 2, rows0, wbuf0, sem_e0, sem_w0)
            drain(rows1, wbuf1, sem_e1, sem_w1)
            process(r0 + 1, rows1, wbuf1)
            return ()
        lax.fori_loop(0, SLAB // 2, edge_pair, ())
        return ()
    with jax.named_scope("pC"):
        lax.fori_loop(0, n_slabs, c_slab, ())

        plsc.subcore_barrier()

    with jax.named_scope("pD"):
        orow0 = s * D_ROWS
        for b in range(D_ROWS // CHUNK):
            pltpu.sync_copy(accum.at[pl.ds(orow0 + b * CHUNK, CHUNK), :],
                            rows)
            pltpu.sync_copy(rows,
                            parts.at[c, pl.ds(orow0 + b * CHUNK, CHUNK), :])


def _tc_add_kernel(p_ref, o_ref):
    o_ref[...] = p_ref[0] + p_ref[1]


def _tc_prep_kernel(ei_ref, et_ref, s_ref, d_ref, t_ref):
    pad = E_PAD - N_EDGES
    s_ref[pl.ds(0, N_EDGES)] = ei_ref[0, :]
    s_ref[pl.ds(N_EDGES, pad)] = jnp.zeros((pad,), jnp.int32)
    d_ref[pl.ds(0, N_EDGES)] = ei_ref[1, :]
    d_ref[pl.ds(N_EDGES, pad)] = jnp.full((pad,), N_NODES, jnp.int32)
    t_ref[pl.ds(0, N_EDGES)] = et_ref[...]
    t_ref[pl.ds(N_EDGES, pad)] = jnp.zeros((pad,), jnp.int32)


def kernel(entity_emb, edge_index, edge_type):
    srcs, dsts, typs = pl.pallas_call(
        _tc_prep_kernel,
        out_shape=[jax.ShapeDtypeStruct((E_PAD,), jnp.int32)] * 3,
    )(edge_index, edge_type)
    srcs = srcs.reshape(ROWS2D, CHUNK)
    dsts = dsts.reshape(ROWS2D, CHUNK)
    typs = typs.reshape(ROWS2D, CHUNK)

    mesh = plsc.VectorSubcoreMesh(core_axis_name="c", subcore_axis_name="s")
    sc_fn = pl.kernel(
        _sc_body,
        out_type=jax.ShapeDtypeStruct((NC, ACC_ROWS, DIM), jnp.float32),
        mesh=mesh,
        compiler_params=pltpu.CompilerParams(needs_layout_passes=False),
        scratch_types=[
            pltpu.VMEM((SLAB, CHUNK), jnp.int32),
            pltpu.VMEM((SLAB, CHUNK), jnp.int32),
            pltpu.VMEM((SLAB, CHUNK), jnp.int32),
            pltpu.VMEM((SLAB, CHUNK), jnp.int32),
            pltpu.VMEM((CHUNK,), jnp.float32),
            pltpu.VMEM((CHUNK,), jnp.float32),
            pltpu.VMEM((CHUNK,), jnp.float32),
            pltpu.VMEM((HCHUNK,), jnp.float32),
            pltpu.VMEM((CHUNK, DIM), jnp.float32),
            pltpu.VMEM((CHUNK, DIM), jnp.float32),
            pltpu.VMEM_SHARED((K_HIST,), jnp.float32),
            pltpu.VMEM_SHARED((ACC_ROWS, DIM), jnp.float32),
            pltpu.SemaphoreType.DMA,
            pltpu.SemaphoreType.DMA,
            pltpu.SemaphoreType.DMA,
            pltpu.SemaphoreType.DMA,
            pltpu.SemaphoreType.DMA,
        ],
    )
    parts = sc_fn(entity_emb, srcs, dsts, typs)

    out = pl.pallas_call(
        _tc_add_kernel,
        out_shape=jax.ShapeDtypeStruct((N_NODES, DIM), jnp.float32),
        grid=(10,),
        in_specs=[pl.BlockSpec((NC, N_NODES // 10, DIM),
                               lambda i: (0, i, 0))],
        out_specs=pl.BlockSpec((N_NODES // 10, DIM), lambda i: (i, 0)),
    )(parts)
    return out

# --- scband reference (transcript-rebuilt; emitter-appended) ---
"""Pipeline reference for scband-neighbor-ecoder-16647293239299 (READ-ONLY COPY).

The authoritative reference and input builder live on the scoring server;
editing this copy changes nothing except your own understanding.
"""

import jax, jax.numpy as jnp
import numpy as np

N_NODES = 10000
N_REL = 4
DIM = 128
N_EDGES = 320000


def setup_inputs(seed: int = 0) -> dict:
    key = jax.random.key(seed)
    k1, k2, k3 = jax.random.split(key, 3)
    entity_emb = jax.random.normal(k1, (N_NODES, DIM), dtype=jnp.float32)
    edge_index = jax.random.randint(k2, (2, N_EDGES), 0, N_NODES, dtype=jnp.int32)
    edge_type = jax.random.randint(k3, (N_EDGES,), 0, N_REL, dtype=jnp.int32)
    return {"entity_emb": entity_emb, "edge_index": edge_index, "edge_type": edge_type}


def reference(entity_emb, edge_index, edge_type):
    # Faithful translation of Neighbor_Ecoder.forward:
    # for each relation etype i: mean-aggregate src 'node' features onto dst
    # (DGL copy_u + mean; nodes with no in-edges of that etype get 0),
    # then sum the per-relation aggregates.
    src = edge_index[0]
    dst = edge_index[1]
    src_feat = entity_emb[src]  # gather [E, DIM]
    out = jnp.zeros_like(entity_emb)
    for r in range(N_REL):
        w = (edge_type == r).astype(entity_emb.dtype)  # [E]
        msg = src_feat * w[:, None]
        s = jax.ops.segment_sum(msg, dst, num_segments=N_NODES)  # [N, DIM]
        cnt = jax.ops.segment_sum(w, dst, num_segments=N_NODES)  # [N]
        mean_r = s / jnp.maximum(cnt, 1.0)[:, None]  # cnt==0 -> s==0 -> mean 0 (DGL semantics)
        out = out + mean_r
    return out

if __name__ == "__main__":
    import jax
    _d = setup_inputs()
    print(jax.jit(kernel)(*tuple(_d.values())))

</pallas_src>

<mosaic_0001>
#map = affine_map<(d0, d1) -> (0, 0)>
#map1 = affine_map<(d0, d1) -> (0, 0, 0)>
module attributes {stable_mosaic.version = 14 : i64} {
  func.func @_sc_body(%arg0: i32, %arg1: i32, %arg2: memref<10000x128xf32, #tpu.memory_space<hbm>>, %arg3: memref<2560x128xi32, #tpu.memory_space<hbm>>, %arg4: memref<2560x128xi32, #tpu.memory_space<hbm>>, %arg5: memref<2560x128xi32, #tpu.memory_space<hbm>>, %arg6: memref<2x10240x128xf32, #tpu.memory_space<hbm>>, %arg7: memref<16x128xi32, #tpu.memory_space<vmem>>, %arg8: memref<16x128xi32, #tpu.memory_space<vmem>>, %arg9: memref<16x128xi32, #tpu.memory_space<vmem>>, %arg10: memref<16x128xi32, #tpu.memory_space<vmem>>, %arg11: memref<128xf32, #tpu.memory_space<vmem>>, %arg12: memref<128xf32, #tpu.memory_space<vmem>>, %arg13: memref<128xf32, #tpu.memory_space<vmem>>, %arg14: memref<2560xf32, #tpu.memory_space<vmem>>, %arg15: memref<128x128xf32, #tpu.memory_space<vmem>>, %arg16: memref<128x128xf32, #tpu.memory_space<vmem>>, %arg17: memref<40960xf32, #tpu.memory_space<vmem_shared>>, %arg18: memref<10240x128xf32, #tpu.memory_space<vmem_shared>>, %arg19: memref<!tpu.dma_semaphore, #tpu.memory_space<semaphore_mem>>, %arg20: memref<!tpu.dma_semaphore, #tpu.memory_space<semaphore_mem>>, %arg21: memref<!tpu.dma_semaphore, #tpu.memory_space<semaphore_mem>>, %arg22: memref<!tpu.dma_semaphore, #tpu.memory_space<semaphore_mem>>, %arg23: memref<!tpu.dma_semaphore, #tpu.memory_space<semaphore_mem>>) attributes {dimension_semantics = [#tpu.dimension_semantics<core_parallel>, #tpu.dimension_semantics<subcore_parallel>], iteration_bounds = array<i64: 2, 16>, scalar_prefetch = 0 : i64, scratch_operands = 17 : i64, tpu.core_type = #tpu.core_type<sc_vector_subcore>, window_params = [{transform_indices = #map}, {transform_indices = #map}, {transform_indices = #map}, {transform_indices = #map}, {transform_indices = #map1}]} {
    "tpu.trace_start"() <{level = 10 : i32, message = "pZ"}> : () -> ()
    %scan3A = arith.constant 0 : i32
    %scan3A_0 = arith.constant 160 : i32
    %scan3A_1 = arith.addi %scan3A, %scan3A_0 : i32
    %scan3A_2 = arith.constant 1 : i32
    scf.for %scan3A_84 = %scan3A to %scan3A_1 step %scan3A_2  : i32 {
      %broadcast_in_dim3A = arith.constant 0.000000e+00 : f32
      %broadcast_in_dim3A_85 = vector.broadcast %broadcast_in_dim3A : f32 to vector<16xf32>
      %mul3A_86 = arith.constant 16 : i32
      %mul3A_87 = arith.muli %scan3A_84, %mul3A_86 : i32
      %swap3A = arith.index_cast %mul3A_87 : i32 to index
      %swap3A_88 = tpu.vector_load %arg14[%swap3A] {strides = array<i32>} : memref<2560xf32, #tpu.memory_space<vmem>>, vector<16xf32>,
      tpu.vector_store %arg14[%swap3A], %broadcast_in_dim3A_85 {strides = array<i32>} : memref<2560xf32, #tpu.memory_space<vmem>>, vector<16xf32>,
    }
    %scan3A_3 = arith.constant 160 : i32
    %mul3A = arith.constant 2560 : i32
    %mul3A_4 = arith.muli %arg1, %mul3A : i32
    "tpu.region"() ({
      %run_scoped3A = tpu.sem_alloc : memref<!tpu.dma_semaphore, #tpu.memory_space<semaphore_mem>>
      %dma_start3A = tpu.memref_slice %arg17[%mul3A_4] : memref<40960xf32, #tpu.memory_space<vmem_shared>> -> memref<2560xf32, #tpu.memory_space<vmem_shared>>
      %dma_start3A_84 = tpu.memref_slice %arg17[%mul3A_4] : memref<40960xf32, #tpu.memory_space<vmem_shared>> -> memref<2560xf32, #tpu.memory_space<vmem_shared>>
      tpu.enqueue_dma source(%arg14 : memref<2560xf32, #tpu.memory_space<vmem>>) target(%dma_start3A_84 : memref<2560xf32, #tpu.memory_space<vmem_shared>>) target_semaphore(%run_scoped3A : memref<!tpu.dma_semaphore, #tpu.memory_space<semaphore_mem>>)
      %dma_wait3A = tpu.memref_slice %arg17[%mul3A_4] : memref<40960xf32, #tpu.memory_space<vmem_shared>> -> memref<2560xf32, #tpu.memory_space<vmem_shared>>
      %dma_wait3A_85 = tpu.memref_slice %arg17[%mul3A_4] : memref<40960xf32, #tpu.memory_space<vmem_shared>> -> memref<2560xf32, #tpu.memory_space<vmem_shared>>
      tpu.wait_dma2 semaphore(%run_scoped3A : memref<!tpu.dma_semaphore, #tpu.memory_space<semaphore_mem>>) src(%arg14 : memref<2560xf32, #tpu.memory_space<vmem>>) dst(%dma_wait3A_85 : memref<2560xf32, #tpu.memory_space<vmem_shared>>)
      tpu.yield
    }) : () -> ()
    %scan3A_5 = arith.constant 0 : i32
    %scan3A_6 = arith.constant 128 : i32
    %scan3A_7 = arith.addi %scan3A_5, %scan3A_6 : i32
    %scan3A_8 = arith.constant 1 : i32
    scf.for %scan3A_84 = %scan3A_5 to %scan3A_7 step %scan3A_8  : i32 {
      %broadcast_in_dim3A = arith.constant 0.000000e+00 : f32
      %broadcast_in_dim3A_85 = vector.broadcast %broadcast_in_dim3A : f32 to vector<16xf32>
      %swap3A = arith.index_cast %scan3A_84 : i32 to index
      %swap3A_86 = arith.constant 0 : index
      %swap3A_87 = tpu.vector_load %arg15[%swap3A, %swap3A_86] {strides = array<i32>} : memref<128x128xf32, #tpu.memory_space<vmem>>, vector<16xf32>,
      tpu.vector_store %arg15[%swap3A, %swap3A_86], %broadcast_in_dim3A_85 {strides = array<i32>} : memref<128x128xf32, #tpu.memory_space<vmem>>, vector<16xf32>,
      %broadcast_in_dim3A_88 = arith.constant 0.000000e+00 : f32
      %broadcast_in_dim3A_89 = vector.broadcast %broadcast_in_dim3A_88 : f32 to vector<16xf32>
      %swap3A_90 = arith.index_cast %scan3A_84 : i32 to index
      %swap3A_91 = arith.constant 16 : index
      %swap3A_92 = tpu.vector_load %arg15[%swap3A_90, %swap3A_91] {strides = array<i32>} : memref<128x128xf32, #tpu.memory_space<vmem>>, vector<16xf32>,
      tpu.vector_store %arg15[%swap3A_90, %swap3A_91], %broadcast_in_dim3A_89 {strides = array<i32>} : memref<128x128xf32, #tpu.memory_space<vmem>>, vector<16xf32>,
      %broadcast_in_dim3A_93 = arith.constant 0.000000e+00 : f32
      %broadcast_in_dim3A_94 = vector.broadcast %broadcast_in_dim3A_93 : f32 to vector<16xf32>
      %swap3A_95 = arith.index_cast %scan3A_84 : i32 to index
      %swap3A_96 = arith.constant 32 : index
      %swap3A_97 = tpu.vector_load %arg15[%swap3A_95, %swap3A_96] {strides = array<i32>} : memref<128x128xf32, #tpu.memory_space<vmem>>, vector<16xf32>,
      tpu.vector_store %arg15[%swap3A_95, %swap3A_96], %broadcast_in_dim3A_94 {strides = array<i32>} : memref<128x128xf32, #tpu.memory_space<vmem>>, vector<16xf32>,
      %broadcast_in_dim3A_98 = arith.constant 0.000000e+00 : f32
      %broadcast_in_dim3A_99 = vector.broadcast %broadcast_in_dim3A_98 : f32 to vector<16xf32>
      %swap3A_100 = arith.index_cast %scan3A_84 : i32 to index
      %swap3A_101 = arith.constant 48 : index
      %swap3A_102 = tpu.vector_load %arg15[%swap3A_100, %swap3A_101] {strides = array<i32>} : memref<128x128xf32, #tpu.memory_space<vmem>>, vector<16xf32>,
      tpu.vector_store %arg15[%swap3A_100, %swap3A_101], %broadcast_in_dim3A_99 {strides = array<i32>} : memref<128x128xf32, #tpu.memory_space<vmem>>, vector<16xf32>,
      %broadcast_in_dim3A_103 = arith.constant 0.000000e+00 : f32
      %broadcast_in_dim3A_104 = vector.broadcast %broadcast_in_dim3A_103 : f32 to vector<16xf32>
      %swap3A_105 = arith.index_cast %scan3A_84 : i32 to index
      %swap3A_106 = arith.constant 64 : index
      %swap3A_107 = tpu.vector_load %arg15[%swap3A_105, %swap3A_106] {strides = array<i32>} : memref<128x128xf32, #tpu.memory_space<vmem>>, vector<16xf32>,
      tpu.vector_store %arg15[%swap3A_105, %swap3A_106], %broadcast_in_dim3A_104 {strides = array<i32>} : memref<128x128xf32, #tpu.memory_space<vmem>>, vector<16xf32>,
      %broadcast_in_dim3A_108 = arith.constant 0.000000e+00 : f32
      %broadcast_in_dim3A_109 = vector.broadcast %broadcast_in_dim3A_108 : f32 to vector<16xf32>
      %swap3A_110 = arith.index_cast %scan3A_84 : i32 to index
      %swap3A_111 = arith.constant 80 : index
      %swap3A_112 = tpu.vector_load %arg15[%swap3A_110, %swap3A_111] {strides = array<i32>} : memref<128x128xf32, #tpu.memory_space<vmem>>, vector<16xf32>,
      tpu.vector_store %arg15[%swap3A_110, %swap3A_111], %broadcast_in_dim3A_109 {strides = array<i32>} : memref<128x128xf32, #tpu.memory_space<vmem>>, vector<16xf32>,
      %broadcast_in_dim3A_113 = arith.constant 0.000000e+00 : f32
      %broadcast_in_dim3A_114 = vector.broadcast %broadcast_in_dim3A_113 : f32 to vector<16xf32>
      %swap3A_115 = arith.index_cast %scan3A_84 : i32 to index
      %swap3A_116 = arith.constant 96 : index
      %swap3A_117 = tpu.vector_load %arg15[%swap3A_115, %swap3A_116] {strides = array<i32>} : memref<128x128xf32, #tpu.memory_space<vmem>>, vector<16xf32>,
      tpu.vector_store %arg15[%swap3A_115, %swap3A_116], %broadcast_in_dim3A_114 {strides = array<i32>} : memref<128x128xf32, #tpu.memory_space<vmem>>, vector<16xf32>,
      %broadcast_in_dim3A_118 = arith.constant 0.000000e+00 : f32
      %broadcast_in_dim3A_119 = vector.broadcast %broadcast_in_dim3A_118 : f32 to vector<16xf32>
      %swap3A_120 = arith.index_cast %scan3A_84 : i32 to index
      %swap3A_121 = arith.constant 112 : index
      %swap3A_122 = tpu.vector_load %arg15[%swap3A_120, %swap3A_121] {strides = array<i32>} : memref<128x128xf32, #tpu.memory_space<vmem>>, vector<16xf32>,
      tpu.vector_store %arg15[%swap3A_120, %swap3A_121], %broadcast_in_dim3A_119 {strides = array<i32>} : memref<128x128xf32, #tpu.memory_space<vmem>>, vector<16xf32>,
    }
    %scan3A_9 = arith.constant 128 : i32
    %mul3A_10 = arith.constant 640 : i32
    %mul3A_11 = arith.muli %arg1, %mul3A_10 : i32
    %add3A = arith.constant 0 : i32
    %add3A_12 = arith.addi %mul3A_11, %add3A : i32
    "tpu.region"() ({
      %run_scoped3A = tpu.sem_alloc : memref<!tpu.dma_semaphore, #tpu.memory_space<semaphore_mem>>
      %dma_start3A = arith.constant 0 : i32
      %dma_start3A_84 = tpu.memref_slice %arg18[%add3A_12, %dma_start3A] : memref<10240x128xf32, #tpu.memory_space<vmem_shared>> -> memref<128x128xf32, #tpu.memory_space<vmem_shared>>
      %dma_start3A_85 = arith.constant 0 : i32
      %dma_start3A_86 = tpu.memref_slice %arg18[%add3A_12, %dma_start3A_85] : memref<10240x128xf32, #tpu.memory_space<vmem_shared>> -> memref<128x128xf32, #tpu.memory_space<vmem_shared>>
      tpu.enqueue_dma source(%arg15 : memref<128x128xf32, #tpu.memory_space<vmem>>) target(%dma_start3A_86 : memref<128x128xf32, #tpu.memory_space<vmem_shared>>) target_semaphore(%run_scoped3A : memref<!tpu.dma_semaphore, #tpu.memory_space<semaphore_mem>>)
      %dma_wait3A = arith.constant 0 : i32
      %dma_wait3A_87 = tpu.memref_slice %arg18[%add3A_12, %dma_wait3A] : memref<10240x128xf32, #tpu.memory_space<vmem_shared>> -> memref<128x128xf32, #tpu.memory_space<vmem_shared>>
      %dma_wait3A_88 = arith.constant 0 : i32
      %dma_wait3A_89 = tpu.memref_slice %arg18[%add3A_12, %dma_wait3A_88] : memref<10240x128xf32, #tpu.memory_space<vmem_shared>> -> memref<128x128xf32, #tpu.memory_space<vmem_shared>>
      tpu.wait_dma2 semaphore(%run_scoped3A : memref<!tpu.dma_semaphore, #tpu.memory_space<semaphore_mem>>) src(%arg15 : memref<128x128xf32, #tpu.memory_space<vmem>>) dst(%dma_wait3A_89 : memref<128x128xf32, #tpu.memory_space<vmem_shared>>)
      tpu.yield
    }) : () -> ()
    %add3A_13 = arith.constant 128 : i32
    %add3A_14 = arith.addi %mul3A_11, %add3A_13 : i32
    "tpu.region"() ({
      %run_scoped3A = tpu.sem_alloc : memref<!tpu.dma_semaphore, #tpu.memory_space<semaphore_mem>>
      %dma_start3A = arith.constant 0 : i32
      %dma_start3A_84 = tpu.memref_slice %arg18[%add3A_14, %dma_start3A] : memref<10240x128xf32, #tpu.memory_space<vmem_shared>> -> memref<128x128xf32, #tpu.memory_space<vmem_shared>>
      %dma_start3A_85 = arith.constant 0 : i32
      %dma_start3A_86 = tpu.memref_slice %arg18[%add3A_14, %dma_start3A_85] : memref<10240x128xf32, #tpu.memory_space<vmem_shared>> -> memref<128x128xf32, #tpu.memory_space<vmem_shared>>
      tpu.enqueue_dma source(%arg15 : memref<128x128xf32, #tpu.memory_space<vmem>>) target(%dma_start3A_86 : memref<128x128xf32, #tpu.memory_space<vmem_shared>>) target_semaphore(%run_scoped3A : memref<!tpu.dma_semaphore, #tpu.memory_space<semaphore_mem>>)
      %dma_wait3A = arith.constant 0 : i32
      %dma_wait3A_87 = tpu.memref_slice %arg18[%add3A_14, %dma_wait3A] : memref<10240x128xf32, #tpu.memory_space<vmem_shared>> -> memref<128x128xf32, #tpu.memory_space<vmem_shared>>
      %dma_wait3A_88 = arith.constant 0 : i32
      %dma_wait3A_89 = tpu.memref_slice %arg18[%add3A_14, %dma_wait3A_88] : memref<10240x128xf32, #tpu.memory_space<vmem_shared>> -> memref<128x128xf32, #tpu.memory_space<vmem_shared>>
      tpu.wait_dma2 semaphore(%run_scoped3A : memref<!tpu.dma_semaphore, #tpu.memory_space<semaphore_mem>>) src(%arg15 : memref<128x128xf32, #tpu.memory_space<vmem>>) dst(%dma_wait3A_89 : memref<128x128xf32, #tpu.memory_space<vmem_shared>>)
      tpu.yield
    }) : () -> ()
    %add3A_15 = arith.constant 256 : i32
    %add3A_16 = arith.addi %mul3A_11, %add3A_15 : i32
    "tpu.region"() ({
      %run_scoped3A = tpu.sem_alloc : memref<!tpu.dma_semaphore, #tpu.memory_space<semaphore_mem>>
      %dma_start3A = arith.constant 0 : i32
      %dma_start3A_84 = tpu.memref_slice %arg18[%add3A_16, %dma_start3A] : memref<10240x128xf32, #tpu.memory_space<vmem_shared>> -> memref<128x128xf32, #tpu.memory_space<vmem_shared>>
      %dma_start3A_85 = arith.constant 0 : i32
      %dma_start3A_86 = tpu.memref_slice %arg18[%add3A_16, %dma_start3A_85] : memref<10240x128xf32, #tpu.memory_space<vmem_shared>> -> memref<128x128xf32, #tpu.memory_space<vmem_shared>>
      tpu.enqueue_dma source(%arg15 : memref<128x128xf32, #tpu.memory_space<vmem>>) target(%dma_start3A_86 : memref<128x128xf32, #tpu.memory_space<vmem_shared>>) target_semaphore(%run_scoped3A : memref<!tpu.dma_semaphore, #tpu.memory_space<semaphore_mem>>)
      %dma_wait3A = arith.constant 0 : i32
      %dma_wait3A_87 = tpu.memref_slice %arg18[%add3A_16, %dma_wait3A] : memref<10240x128xf32, #tpu.memory_space<vmem_shared>> -> memref<128x128xf32, #tpu.memory_space<vmem_shared>>
      %dma_wait3A_88 = arith.constant 0 : i32
      %dma_wait3A_89 = tpu.memref_slice %arg18[%add3A_16, %dma_wait3A_88] : memref<10240x128xf32, #tpu.memory_space<vmem_shared>> -> memref<128x128xf32, #tpu.memory_space<vmem_shared>>
      tpu.wait_dma2 semaphore(%run_scoped3A : memref<!tpu.dma_semaphore, #tpu.memory_space<semaphore_mem>>) src(%arg15 : memref<128x128xf32, #tpu.memory_space<vmem>>) dst(%dma_wait3A_89 : memref<128x128xf32, #tpu.memory_space<vmem_shared>>)
      tpu.yield
    }) : () -> ()
    %add3A_17 = arith.constant 384 : i32
    %add3A_18 = arith.addi %mul3A_11, %add3A_17 : i32
    "tpu.region"() ({
      %run_scoped3A = tpu.sem_alloc : memref<!tpu.dma_semaphore, #tpu.memory_space<semaphore_mem>>
      %dma_start3A = arith.constant 0 : i32
      %dma_start3A_84 = tpu.memref_slice %arg18[%add3A_18, %dma_start3A] : memref<10240x128xf32, #tpu.memory_space<vmem_shared>> -> memref<128x128xf32, #tpu.memory_space<vmem_shared>>
      %dma_start3A_85 = arith.constant 0 : i32
      %dma_start3A_86 = tpu.memref_slice %arg18[%add3A_18, %dma_start3A_85] : memref<10240x128xf32, #tpu.memory_space<vmem_shared>> -> memref<128x128xf32, #tpu.memory_space<vmem_shared>>
      tpu.enqueue_dma source(%arg15 : memref<128x128xf32, #tpu.memory_space<vmem>>) target(%dma_start3A_86 : memref<128x128xf32, #tpu.memory_space<vmem_shared>>) target_semaphore(%run_scoped3A : memref<!tpu.dma_semaphore, #tpu.memory_space<semaphore_mem>>)
      %dma_wait3A = arith.constant 0 : i32
      %dma_wait3A_87 = tpu.memref_slice %arg18[%add3A_18, %dma_wait3A] : memref<10240x128xf32, #tpu.memory_space<vmem_shared>> -> memref<128x128xf32, #tpu.memory_space<vmem_shared>>
      %dma_wait3A_88 = arith.constant 0 : i32
      %dma_wait3A_89 = tpu.memref_slice %arg18[%add3A_18, %dma_wait3A_88] : memref<10240x128xf32, #tpu.memory_space<vmem_shared>> -> memref<128x128xf32, #tpu.memory_space<vmem_shared>>
      tpu.wait_dma2 semaphore(%run_scoped3A : memref<!tpu.dma_semaphore, #tpu.memory_space<semaphore_mem>>) src(%arg15 : memref<128x128xf32, #tpu.memory_space<vmem>>) dst(%dma_wait3A_89 : memref<128x128xf32, #tpu.memory_space<vmem_shared>>)
      tpu.yield
    }) : () -> ()
    %add3A_19 = arith.constant 512 : i32
    %add3A_20 = arith.addi %mul3A_11, %add3A_19 : i32
    "tpu.region"() ({
      %run_scoped3A = tpu.sem_alloc : memref<!tpu.dma_semaphore, #tpu.memory_space<semaphore_mem>>
      %dma_start3A = arith.constant 0 : i32
      %dma_start3A_84 = tpu.memref_slice %arg18[%add3A_20, %dma_start3A] : memref<10240x128xf32, #tpu.memory_space<vmem_shared>> -> memref<128x128xf32, #tpu.memory_space<vmem_shared>>
      %dma_start3A_85 = arith.constant 0 : i32
      %dma_start3A_86 = tpu.memref_slice %arg18[%add3A_20, %dma_start3A_85] : memref<10240x128xf32, #tpu.memory_space<vmem_shared>> -> memref<128x128xf32, #tpu.memory_space<vmem_shared>>
      tpu.enqueue_dma source(%arg15 : memref<128x128xf32, #tpu.memory_space<vmem>>) target(%dma_start3A_86 : memref<128x128xf32, #tpu.memory_space<vmem_shared>>) target_semaphore(%run_scoped3A : memref<!tpu.dma_semaphore, #tpu.memory_space<semaphore_mem>>)
      %dma_wait3A = arith.constant 0 : i32
      %dma_wait3A_87 = tpu.memref_slice %arg18[%add3A_20, %dma_wait3A] : memref<10240x128xf32, #tpu.memory_space<vmem_shared>> -> memref<128x128xf32, #tpu.memory_space<vmem_shared>>
      %dma_wait3A_88 = arith.constant 0 : i32
      %dma_wait3A_89 = tpu.memref_slice %arg18[%add3A_20, %dma_wait3A_88] : memref<10240x128xf32, #tpu.memory_space<vmem_shared>> -> memref<128x128xf32, #tpu.memory_space<vmem_shared>>
      tpu.wait_dma2 semaphore(%run_scoped3A : memref<!tpu.dma_semaphore, #tpu.memory_space<semaphore_mem>>) src(%arg15 : memref<128x128xf32, #tpu.memory_space<vmem>>) dst(%dma_wait3A_89 : memref<128x128xf32, #tpu.memory_space<vmem_shared>>)
      tpu.yield
    }) : () -> ()
    %scan3A_21 = arith.constant 0 : i32
    %scan3A_22 = arith.constant 8 : i32
    %scan3A_23 = arith.addi %scan3A_21, %scan3A_22 : i32
    %scan3A_24 = arith.constant 1 : i32
    scf.for %scan3A_84 = %scan3A_21 to %scan3A_23 step %scan3A_24  : i32 {
      %broadcast_in_dim3A = arith.constant 1.000000e+00 : f32
      %broadcast_in_dim3A_85 = vector.broadcast %broadcast_in_dim3A : f32 to vector<16xf32>
      %mul3A_86 = arith.constant 16 : i32
      %mul3A_87 = arith.muli %scan3A_84, %mul3A_86 : i32
      %swap3A = arith.index_cast %mul3A_87 : i32 to index
      %swap3A_88 = tpu.vector_load %arg11[%swap3A] {strides = array<i32>} : memref<128xf32, #tpu.memory_space<vmem>>, vector<16xf32>,
      tpu.vector_store %arg11[%swap3A], %broadcast_in_dim3A_85 {strides = array<i32>} : memref<128xf32, #tpu.memory_space<vmem>>, vector<16xf32>,
    }
    %scan3A_25 = arith.constant 8 : i32
    %barrier3A = arith.constant 0 : index
    tpu.barrier barrier_id(%barrier3A)
    "tpu.trace_stop"() : () -> ()
    "tpu.trace_start"() <{level = 10 : i32, message = "pA"}> : () -> ()
    %scan3A_26 = arith.constant 0 : i32
    %scan3A_27 = arith.constant 10 : i32
    %scan3A_28 = arith.addi %scan3A_26, %scan3A_27 : i32
    %scan3A_29 = arith.constant 1 : i32
    scf.for %scan3A_84 = %scan3A_26 to %scan3A_28 step %scan3A_29  : i32 {
      %mul3A_85 = arith.constant 160 : i32
      %mul3A_86 = arith.muli %arg1, %mul3A_85 : i32
      %mul3A_87 = arith.constant 16 : i32
      %mul3A_88 = arith.muli %scan3A_84, %mul3A_87 : i32
      %add3A_89 = arith.addi %mul3A_86, %mul3A_88 : i32
      "tpu.region"() ({
        %run_scoped3A = tpu.sem_alloc : memref<!tpu.dma_semaphore, #tpu.memory_space<semaphore_mem>>
        %dma_start3A_285 = arith.constant 0 : i32
        %dma_start3A_286 = tpu.memref_slice %arg4[%add3A_89, %dma_start3A_285] : memref<2560x128xi32, #tpu.memory_space<hbm>> -> memref<16x128xi32, #tpu.memory_space<hbm>>
        %dma_start3A_287 = arith.constant 0 : i32
        %dma_start3A_288 = tpu.memref_slice %arg4[%add3A_89, %dma_start3A_287] : memref<2560x128xi32, #tpu.memory_space<hbm>> -> memref<16x128xi32, #tpu.memory_space<hbm>>
        tpu.enqueue_dma source(%dma_start3A_288 : memref<16x128xi32, #tpu.memory_space<hbm>>) target(%arg7 : memref<16x128xi32, #tpu.memory_space<vmem>>) target_semaphore(%run_scoped3A : memref<!tpu.dma_semaphore, #tpu.memory_space<semaphore_mem>>)
        %dma_wait3A_289 = arith.constant 0 : i32
        %dma_wait3A_290 = tpu.memref_slice %arg4[%add3A_89, %dma_wait3A_289] : memref<2560x128xi32, #tpu.memory_space<hbm>> -> memref<16x128xi32, #tpu.memory_space<hbm>>
        %dma_wait3A_291 = arith.constant 0 : i32
        %dma_wait3A_292 = tpu.memref_slice %arg4[%add3A_89, %dma_wait3A_291] : memref<2560x128xi32, #tpu.memory_space<hbm>> -> memref<16x128xi32, #tpu.memory_space<hbm>>
        tpu.wait_dma2 semaphore(%run_scoped3A : memref<!tpu.dma_semaphore, #tpu.memory_space<semaphore_mem>>) src(%dma_wait3A_292 : memref<16x128xi32, #tpu.memory_space<hbm>>) dst(%arg7 : memref<16x128xi32, #tpu.memory_space<vmem>>)
        tpu.yield
      }) : () -> ()
      "tpu.region"() ({
        %run_scoped3A = tpu.sem_alloc : memref<!tpu.dma_semaphore, #tpu.memory_space<semaphore_mem>>
        %dma_start3A_285 = arith.constant 0 : i32
        %dma_start3A_286 = tpu.memref_slice %arg5[%add3A_89, %dma_start3A_285] : memref<2560x128xi32, #tpu.memory_space<hbm>> -> memref<16x128xi32, #tpu.memory_space<hbm>>
        %dma_start3A_287 = arith.constant 0 : i32
        %dma_start3A_288 = tpu.memref_slice %arg5[%add3A_89, %dma_start3A_287] : memref<2560x128xi32, #tpu.memory_space<hbm>> -> memref<16x128xi32, #tpu.memory_space<hbm>>
        tpu.enqueue_dma source(%dma_start3A_288 : memref<16x128xi32, #tpu.memory_space<hbm>>) target(%arg8 : memref<16x128xi32, #tpu.memory_space<vmem>>) target_semaphore(%run_scoped3A : memref<!tpu.dma_semaphore, #tpu.memory_space<semaphore_mem>>)
        %dma_wait3A_289 = arith.constant 0 : i32
        %dma_wait3A_290 = tpu.memref_slice %arg5[%add3A_89, %dma_wait3A_289] : memref<2560x128xi32, #tpu.memory_space<hbm>> -> memref<16x128xi32, #tpu.memory_space<hbm>>
        %dma_wait3A_291 = arith.constant 0 : i32
        %dma_wait3A_292 = tpu.memref_slice %arg5[%add3A_89, %dma_wait3A_291] : memref<2560x128xi32, #tpu.memory_space<hbm>> -> memref<16x128xi32, #tpu.memory_space<hbm>>
        tpu.wait_dma2 semaphore(%run_scoped3A : memref<!tpu.dma_semaphore, #tpu.memory_space<semaphore_mem>>) src(%dma_wait3A_292 : memref<16x128xi32, #tpu.memory_space<hbm>>) dst(%arg8 : memref<16x128xi32, #tpu.memory_space<vmem>>)
        tpu.yield
      }) : () -> ()
      %scan3A_90 = arith.constant 0 : i32
      %scan3A_91 = arith.constant 16 : i32
      %scan3A_92 = arith.addi %scan3A_90, %scan3A_91 : i32
      %scan3A_93 = arith.constant 1 : i32
      scf.for %scan3A_285 = %scan3A_90 to %scan3A_92 step %scan3A_93  : i32 {
        %get3A = arith.index_cast %scan3A_285 : i32 to index
        %get3A_286 = arith.constant 0 : index
        %get3A_287 = tpu.vector_load %arg7[%get3A, %get3A_286] {strides = array<i32>} : memref<16x128xi32, #tpu.memory_space<vmem>>, vector<16xi32>,
        %get3A_288 = arith.index_cast %scan3A_285 : i32 to index
        %get3A_289 = arith.constant 0 : index
        %get3A_290 = tpu.vector_load %arg8[%get3A_288, %get3A_289] {strides = array<i32>} : memref<16x128xi32, #tpu.memory_space<vmem>>, vector<16xi32>,
        %mul3A_291 = arith.constant 4 : i32
        %mul3A_292 = vector.broadcast %mul3A_291 : i32 to vector<16xi32>
        %mul3A_293 = arith.muli %get3A_287, %mul3A_292 : vector<16xi32>
        %add3A_294 = arith.addi %mul3A_293, %get3A_290 : vector<16xi32>
        %swap3A = arith.index_cast %scan3A_285 : i32 to index
        %swap3A_295 = arith.constant 0 : index
        %swap3A_296 = tpu.vector_load %arg9[%swap3A, %swap3A_295] {strides = array<i32>} : memref<16x128xi32, #tpu.memory_space<vmem>>, vector<16xi32>,
        tpu.vector_store %arg9[%swap3A, %swap3A_295], %add3A_294 {strides = array<i32>} : memref<16x128xi32, #tpu.memory_space<vmem>>, vector<16xi32>,
        %get3A_297 = arith.index_cast %scan3A_285 : i32 to index
        %get3A_298 = arith.constant 16 : index
        %get3A_299 = tpu.vector_load %arg7[%get3A_297, %get3A_298] {strides = array<i32>} : memref<16x128xi32, #tpu.memory_space<vmem>>, vector<16xi32>,
        %get3A_300 = arith.index_cast %scan3A_285 : i32 to index
        %get3A_301 = arith.constant 16 : index
        %get3A_302 = tpu.vector_load %arg8[%get3A_300, %get3A_301] {strides = array<i32>} : memref<16x128xi32, #tpu.memory_space<vmem>>, vector<16xi32>,
        %mul3A_303 = arith.constant 4 : i32
        %mul3A_304 = vector.broadcast %mul3A_303 : i32 to vector<16xi32>
        %mul3A_305 = arith.muli %get3A_299, %mul3A_304 : vector<16xi32>
        %add3A_306 = arith.addi %mul3A_305, %get3A_302 : vector<16xi32>
        %swap3A_307 = arith.index_cast %scan3A_285 : i32 to index
        %swap3A_308 = arith.constant 16 : index
        %swap3A_309 = tpu.vector_load %arg9[%swap3A_307, %swap3A_308] {strides = array<i32>} : memref<16x128xi32, #tpu.memory_space<vmem>>, vector<16xi32>,
        tpu.vector_store %arg9[%swap3A_307, %swap3A_308], %add3A_306 {strides = array<i32>} : memref<16x128xi32, #tpu.memory_space<vmem>>, vector<16xi32>,
        %get3A_310 = arith.index_cast %scan3A_285 : i32 to index
        %get3A_311 = arith.constant 32 : index
        %get3A_312 = tpu.vector_load %arg7[%get3A_310, %get3A_311] {strides = array<i32>} : memref<16x128xi32, #tpu.memory_space<vmem>>, vector<16xi32>,
        %get3A_313 = arith.index_cast %scan3A_285 : i32 to index
        %get3A_314 = arith.constant 32 : index
        %get3A_315 = tpu.vector_load %arg8[%get3A_313, %get3A_314] {strides = array<i32>} : memref<16x128xi32, #tpu.memory_space<vmem>>, vector<16xi32>,
        %mul3A_316 = arith.constant 4 : i32
        %mul3A_317 = vector.broadcast %mul3A_316 : i32 to vector<16xi32>
        %mul3A_318 = arith.muli %get3A_312, %mul3A_317 : vector<16xi32>
        %add3A_319 = arith.addi %mul3A_318, %get3A_315 : vector<16xi32>
        %swap3A_320 = arith.index_cast %scan3A_285 : i32 to index
        %swap3A_321 = arith.constant 32 : index
        %swap3A_322 = tpu.vector_load %arg9[%swap3A_320, %swap3A_321] {strides = array<i32>} : memref<16x128xi32, #tpu.memory_space<vmem>>, vector<16xi32>,
        tpu.vector_store %arg9[%swap3A_320, %swap3A_321], %add3A_319 {strides = array<i32>} : memref<16x128xi32, #tpu.memory_space<vmem>>, vector<16xi32>,
        %get3A_323 = arith.index_cast %scan3A_285 : i32 to index
        %get3A_324 = arith.constant 48 : index
        %get3A_325 = tpu.vector_load %arg7[%get3A_323, %get3A_324] {strides = array<i32>} : memref<16x128xi32, #tpu.memory_space<vmem>>, vector<16xi32>,
        %get3A_326 = arith.index_cast %scan3A_285 : i32 to index
        %get3A_327 = arith.constant 48 : index
        %get3A_328 = tpu.vector_load %arg8[%get3A_326, %get3A_327] {strides = array<i32>} : memref<16x128xi32, #tpu.memory_space<vmem>>, vector<16xi32>,
        %mul3A_329 = arith.constant 4 : i32
        %mul3A_330 = vector.broadcast %mul3A_329 : i32 to vector<16xi32>
        %mul3A_331 = arith.muli %get3A_325, %mul3A_330 : vector<16xi32>
        %add3A_332 = arith.addi %mul3A_331, %get3A_328 : vector<16xi32>
        %swap3A_333 = arith.index_cast %scan3A_285 : i32 to index
        %swap3A_334 = arith.constant 48 : index
        %swap3A_335 = tpu.vector_load %arg9[%swap3A_333, %swap3A_334] {strides = array<i32>} : memref<16x128xi32, #tpu.memory_space<vmem>>, vector<16xi32>,
        tpu.vector_store %arg9[%swap3A_333, %swap3A_334], %add3A_332 {strides = array<i32>} : memref<16x128xi32, #tpu.memory_space<vmem>>, vector<16xi32>,
        %get3A_336 = arith.index_cast %scan3A_285 : i32 to index
        %get3A_337 = arith.constant 64 : index
        %get3A_338 = tpu.vector_load %arg7[%get3A_336, %get3A_337] {strides = array<i32>} : memref<16x128xi32, #tpu.memory_space<vmem>>, vector<16xi32>,
        %get3A_339 = arith.index_cast %scan3A_285 : i32 to index
        %get3A_340 = arith.constant 64 : index
        %get3A_341 = tpu.vector_load %arg8[%get3A_339, %get3A_340] {strides = array<i32>} : memref<16x128xi32, #tpu.memory_space<vmem>>, vector<16xi32>,
        %mul3A_342 = arith.constant 4 : i32
        %mul3A_343 = vector.broadcast %mul3A_342 : i32 to vector<16xi32>
        %mul3A_344 = arith.muli %get3A_338, %mul3A_343 : vector<16xi32>
        %add3A_345 = arith.addi %mul3A_344, %get3A_341 : vector<16xi32>
        %swap3A_346 = arith.index_cast %scan3A_285 : i32 to index
        %swap3A_347 = arith.constant 64 : index
        %swap3A_348 = tpu.vector_load %arg9[%swap3A_346, %swap3A_347] {strides = array<i32>} : memref<16x128xi32, #tpu.memory_space<vmem>>, vector<16xi32>,
        tpu.vector_store %arg9[%swap3A_346, %swap3A_347], %add3A_345 {strides = array<i32>} : memref<16x128xi32, #tpu.memory_space<vmem>>, vector<16xi32>,
        %get3A_349 = arith.index_cast %scan3A_285 : i32 to index
        %get3A_350 = arith.constant 80 : index
        %get3A_351 = tpu.vector_load %arg7[%get3A_349, %get3A_350] {strides = array<i32>} : memref<16x128xi32, #tpu.memory_space<vmem>>, vector<16xi32>,
        %get3A_352 = arith.index_cast %scan3A_285 : i32 to index
        %get3A_353 = arith.constant 80 : index
        %get3A_354 = tpu.vector_load %arg8[%get3A_352, %get3A_353] {strides = array<i32>} : memref<16x128xi32, #tpu.memory_space<vmem>>, vector<16xi32>,
        %mul3A_355 = arith.constant 4 : i32
        %mul3A_356 = vector.broadcast %mul3A_355 : i32 to vector<16xi32>
        %mul3A_357 = arith.muli %get3A_351, %mul3A_356 : vector<16xi32>
        %add3A_358 = arith.addi %mul3A_357, %get3A_354 : vector<16xi32>
        %swap3A_359 = arith.index_cast %scan3A_285 : i32 to index
        %swap3A_360 = arith.constant 80 : index
        %swap3A_361 = tpu.vector_load %arg9[%swap3A_359, %swap3A_360] {strides = array<i32>} : memref<16x128xi32, #tpu.memory_space<vmem>>, vector<16xi32>,
        tpu.vector_store %arg9[%swap3A_359, %swap3A_360], %add3A_358 {strides = array<i32>} : memref<16x128xi32, #tpu.memory_space<vmem>>, vector<16xi32>,
        %get3A_362 = arith.index_cast %scan3A_285 : i32 to index
        %get3A_363 = arith.constant 96 : index
        %get3A_364 = tpu.vector_load %arg7[%get3A_362, %get3A_363] {strides = array<i32>} : memref<16x128xi32, #tpu.memory_space<vmem>>, vector<16xi32>,
        %get3A_365 = arith.index_cast %scan3A_285 : i32 to index
        %get3A_366 = arith.constant 96 : index
        %get3A_367 = tpu.vector_load %arg8[%get3A_365, %get3A_366] {strides = array<i32>} : memref<16x128xi32, #tpu.memory_space<vmem>>, vector<16xi32>,
        %mul3A_368 = arith.constant 4 : i32
        %mul3A_369 = vector.broadcast %mul3A_368 : i32 to vector<16xi32>
        %mul3A_370 = arith.muli %get3A_364, %mul3A_369 : vector<16xi32>
        %add3A_371 = arith.addi %mul3A_370, %get3A_367 : vector<16xi32>
        %swap3A_372 = arith.index_cast %scan3A_285 : i32 to index
        %swap3A_373 = arith.constant 96 : index
        %swap3A_374 = tpu.vector_load %arg9[%swap3A_372, %swap3A_373] {strides = array<i32>} : memref<16x128xi32, #tpu.memory_space<vmem>>, vector<16xi32>,
        tpu.vector_store %arg9[%swap3A_372, %swap3A_373], %add3A_371 {strides = array<i32>} : memref<16x128xi32, #tpu.memory_space<vmem>>, vector<16xi32>,
        %get3A_375 = arith.index_cast %scan3A_285 : i32 to index
        %get3A_376 = arith.constant 112 : index
        %get3A_377 = tpu.vector_load %arg7[%get3A_375, %get3A_376] {strides = array<i32>} : memref<16x128xi32, #tpu.memory_space<vmem>>, vector<16xi32>,
        %get3A_378 = arith.index_cast %scan3A_285 : i32 to index
        %get3A_379 = arith.constant 112 : index
        %get3A_380 = tpu.vector_load %arg8[%get3A_378, %get3A_379] {strides = array<i32>} : memref<16x128xi32, #tpu.memory_space<vmem>>, vector<16xi32>,
        %mul3A_381 = arith.constant 4 : i32
        %mul3A_382 = vector.broadcast %mul3A_381 : i32 to vector<16xi32>
        %mul3A_383 = arith.muli %get3A_377, %mul3A_382 : vector<16xi32>
        %add3A_384 = arith.addi %mul3A_383, %get3A_380 : vector<16xi32>
        %swap3A_385 = arith.index_cast %scan3A_285 : i32 to index
        %swap3A_386 = arith.constant 112 : index
        %swap3A_387 = tpu.vector_load %arg9[%swap3A_385, %swap3A_386] {strides = array<i32>} : memref<16x128xi32, #tpu.memory_space<vmem>>, vector<16xi32>,
        tpu.vector_store %arg9[%swap3A_385, %swap3A_386], %add3A_384 {strides = array<i32>} : memref<16x128xi32, #tpu.memory_space<vmem>>, vector<16xi32>,
      }
      %scan3A_94 = arith.constant 16 : i32
      %dma_start3A = arith.constant 0 : i32
      %dma_start3A_95 = arith.constant 0 : i32
      %dma_start3A_96 = tpu.memref_slice %arg9[%dma_start3A, %dma_start3A_95] : memref<16x128xi32, #tpu.memory_space<vmem>> -> memref<1x128xi32, #tpu.memory_space<vmem>>
      %dma_start3A_97 = tpu.memref_squeeze %dma_start3A_96 : memref<1x128xi32, #tpu.memory_space<vmem>> -> memref<128xi32, #tpu.memory_space<vmem>>
      %dma_start3A_98 = arith.constant 0 : i32
      %dma_start3A_99 = tpu.memref_slice %arg17[%dma_start3A_98] : memref<40960xf32, #tpu.memory_space<vmem_shared>> -> memref<40960xf32, #tpu.memory_space<vmem_shared>>
      tpu.enqueue_indirect_dma source(%arg11 : memref<128xf32, #tpu.memory_space<vmem>>) target(%dma_start3A_99 : memref<40960xf32, #tpu.memory_space<vmem_shared>>) offsets(%dma_start3A_97 : memref<128xi32, #tpu.memory_space<vmem>>) semaphore(%arg19 : memref<!tpu.dma_semaphore, #tpu.memory_space<semaphore_mem>>) {add = true}
      %dma_start3A_100 = arith.constant 1 : i32
      %dma_start3A_101 = arith.constant 0 : i32
      %dma_start3A_102 = tpu.memref_slice %arg9[%dma_start3A_100, %dma_start3A_101] : memref<16x128xi32, #tpu.memory_space<vmem>> -> memref<1x128xi32, #tpu.memory_space<vmem>>
      %dma_start3A_103 = tpu.memref_squeeze %dma_start3A_102 : memref<1x128xi32, #tpu.memory_space<vmem>> -> memref<128xi32, #tpu.memory_space<vmem>>
      %dma_start3A_104 = arith.constant 0 : i32
      %dma_start3A_105 = tpu.memref_slice %arg17[%dma_start3A_104] : memref<40960xf32, #tpu.memory_space<vmem_shared>> -> memref<40960xf32, #tpu.memory_space<vmem_shared>>
      tpu.enqueue_indirect_dma source(%arg11 : memref<128xf32, #tpu.memory_space<vmem>>) target(%dma_start3A_105 : memref<40960xf32, #tpu.memory_space<vmem_shared>>) offsets(%dma_start3A_103 : memref<128xi32, #tpu.memory_space<vmem>>) semaphore(%arg19 : memref<!tpu.dma_semaphore, #tpu.memory_space<semaphore_mem>>) {add = true}
      %dma_start3A_106 = arith.constant 2 : i32
      %dma_start3A_107 = arith.constant 0 : i32
      %dma_start3A_108 = tpu.memref_slice %arg9[%dma_start3A_106, %dma_start3A_107] : memref<16x128xi32, #tpu.memory_space<vmem>> -> memref<1x128xi32, #tpu.memory_space<vmem>>
      %dma_start3A_109 = tpu.memref_squeeze %dma_start3A_108 : memref<1x128xi32, #tpu.memory_space<vmem>> -> memref<128xi32, #tpu.memory_space<vmem>>
      %dma_start3A_110 = arith.constant 0 : i32
      %dma_start3A_111 = tpu.memref_slice %arg17[%dma_start3A_110] : memref<40960xf32, #tpu.memory_space<vmem_shared>> -> memref<40960xf32, #tpu.memory_space<vmem_shared>>
      tpu.enqueue_indirect_dma source(%arg11 : memref<128xf32, #tpu.memory_space<vmem>>) target(%dma_start3A_111 : memref<40960xf32, #tpu.memory_space<vmem_shared>>) offsets(%dma_start3A_109 : memref<128xi32, #tpu.memory_space<vmem>>) semaphore(%arg19 : memref<!tpu.dma_semaphore, #tpu.memory_space<semaphore_mem>>) {add = true}
      %dma_start3A_112 = arith.constant 3 : i32
      %dma_start3A_113 = arith.constant 0 : i32
      %dma_start3A_114 = tpu.memref_slice %arg9[%dma_start3A_112, %dma_start3A_113] : memref<16x128xi32, #tpu.memory_space<vmem>> -> memref<1x128xi32, #tpu.memory_space<vmem>>
      %dma_start3A_115 = tpu.memref_squeeze %dma_start3A_114 : memref<1x128xi32, #tpu.memory_space<vmem>> -> memref<128xi32, #tpu.memory_space<vmem>>
      %dma_start3A_116 = arith.constant 0 : i32
      %dma_start3A_117 = tpu.memref_slice %arg17[%dma_start3A_116] : memref<40960xf32, #tpu.memory_space<vmem_shared>> -> memref<40960xf32, #tpu.memory_space<vmem_shared>>
      tpu.enqueue_indirect_dma source(%arg11 : memref<128xf32, #tpu.memory_space<vmem>>) target(%dma_start3A_117 : memref<40960xf32, #tpu.memory_space<vmem_shared>>) offsets(%dma_start3A_115 : memref<128xi32, #tpu.memory_space<vmem>>) semaphore(%arg19 : memref<!tpu.dma_semaphore, #tpu.memory_space<semaphore_mem>>) {add = true}
      %dma_start3A_118 = arith.constant 4 : i32
      %dma_start3A_119 = arith.constant 0 : i32
      %dma_start3A_120 = tpu.memref_slice %arg9[%dma_start3A_118, %dma_start3A_119] : memref<16x128xi32, #tpu.memory_space<vmem>> -> memref<1x128xi32, #tpu.memory_space<vmem>>
      %dma_start3A_121 = tpu.memref_squeeze %dma_start3A_120 : memref<1x128xi32, #tpu.memory_space<vmem>> -> memref<128xi32, #tpu.memory_space<vmem>>
      %dma_start3A_122 = arith.constant 0 : i32
      %dma_start3A_123 = tpu.memref_slice %arg17[%dma_start3A_122] : memref<40960xf32, #tpu.memory_space<vmem_shared>> -> memref<40960xf32, #tpu.memory_space<vmem_shared>>
      tpu.enqueue_indirect_dma source(%arg11 : memref<128xf32, #tpu.memory_space<vmem>>) target(%dma_start3A_123 : memref<40960xf32, #tpu.memory_space<vmem_shared>>) offsets(%dma_start3A_121 : memref<128xi32, #tpu.memory_space<vmem>>) semaphore(%arg19 : memref<!tpu.dma_semaphore, #tpu.memory_space<semaphore_mem>>) {add = true}
      %dma_start3A_124 = arith.constant 5 : i32
      %dma_start3A_125 = arith.constant 0 : i32
      %dma_start3A_126 = tpu.memref_slice %arg9[%dma_start3A_124, %dma_start3A_125] : memref<16x128xi32, #tpu.memory_space<vmem>> -> memref<1x128xi32, #tpu.memory_space<vmem>>
      %dma_start3A_127 = tpu.memref_squeeze %dma_start3A_126 : memref<1x128xi32, #tpu.memory_space<vmem>> -> memref<128xi32, #tpu.memory_space<vmem>>
      %dma_start3A_128 = arith.constant 0 : i32
      %dma_start3A_129 = tpu.memref_slice %arg17[%dma_start3A_128] : memref<40960xf32, #tpu.memory_space<vmem_shared>> -> memref<40960xf32, #tpu.memory_space<vmem_shared>>
      tpu.enqueue_indirect_dma source(%arg11 : memref<128xf32, #tpu.memory_space<vmem>>) target(%dma_start3A_129 : memref<40960xf32, #tpu.memory_space<vmem_shared>>) offsets(%dma_start3A_127 : memref<128xi32, #tpu.memory_space<vmem>>) semaphore(%arg19 : memref<!tpu.dma_semaphore, #tpu.memory_space<semaphore_mem>>) {add = true}
      %dma_start3A_130 = arith.constant 6 : i32
      %dma_start3A_131 = arith.constant 0 : i32
      %dma_start3A_132 = tpu.memref_slice %arg9[%dma_start3A_130, %dma_start3A_131] : memref<16x128xi32, #tpu.memory_space<vmem>> -> memref<1x128xi32, #tpu.memory_space<vmem>>
      %dma_start3A_133 = tpu.memref_squeeze %dma_start3A_132 : memref<1x128xi32, #tpu.memory_space<vmem>> -> memref<128xi32, #tpu.memory_space<vmem>>
      %dma_start3A_134 = arith.constant 0 : i32
      %dma_start3A_135 = tpu.memref_slice %arg17[%dma_start3A_134] : memref<40960xf32, #tpu.memory_space<vmem_shared>> -> memref<40960xf32, #tpu.memory_space<vmem_shared>>
      tpu.enqueue_indirect_dma source(%arg11 : memref<128xf32, #tpu.memory_space<vmem>>) target(%dma_start3A_135 : memref<40960xf32, #tpu.memory_space<vmem_shared>>) offsets(%dma_start3A_133 : memref<128xi32, #tpu.memory_space<vmem>>) semaphore(%arg19 : memref<!tpu.dma_semaphore, #tpu.memory_space<semaphore_mem>>) {add = true}
      %dma_start3A_136 = arith.constant 7 : i32
      %dma_start3A_137 = arith.constant 0 : i32
      %dma_start3A_138 = tpu.memref_slice %arg9[%dma_start3A_136, %dma_start3A_137] : memref<16x128xi32, #tpu.memory_space<vmem>> -> memref<1x128xi32, #tpu.memory_space<vmem>>
      %dma_start3A_139 = tpu.memref_squeeze %dma_start3A_138 : memref<1x128xi32, #tpu.memory_space<vmem>> -> memref<128xi32, #tpu.memory_space<vmem>>
      %dma_start3A_140 = arith.constant 0 : i32
      %dma_start3A_141 = tpu.memref_slice %arg17[%dma_start3A_140] : memref<40960xf32, #tpu.memory_space<vmem_shared>> -> memref<40960xf32, #tpu.memory_space<vmem_shared>>
      tpu.enqueue_indirect_dma source(%arg11 : memref<128xf32, #tpu.memory_space<vmem>>) target(%dma_start3A_141 : memref<40960xf32, #tpu.memory_space<vmem_shared>>) offsets(%dma_start3A_139 : memref<128xi32, #tpu.memory_space<vmem>>) semaphore(%arg19 : memref<!tpu.dma_semaphore, #tpu.memory_space<semaphore_mem>>) {add = true}
      %dma_start3A_142 = arith.constant 8 : i32
      %dma_start3A_143 = arith.constant 0 : i32
      %dma_start3A_144 = tpu.memref_slice %arg9[%dma_start3A_142, %dma_start3A_143] : memref<16x128xi32, #tpu.memory_space<vmem>> -> memref<1x128xi32, #tpu.memory_space<vmem>>
      %dma_start3A_145 = tpu.memref_squeeze %dma_start3A_144 : memref<1x128xi32, #tpu.memory_space<vmem>> -> memref<128xi32, #tpu.memory_space<vmem>>
      %dma_start3A_146 = arith.constant 0 : i32
      %dma_start3A_147 = tpu.memref_slice %arg17[%dma_start3A_146] : memref<40960xf32, #tpu.memory_space<vmem_shared>> -> memref<40960xf32, #tpu.memory_space<vmem_shared>>
      tpu.enqueue_indirect_dma source(%arg11 : memref<128xf32, #tpu.memory_space<vmem>>) target(%dma_start3A_147 : memref<40960xf32, #tpu.memory_space<vmem_shared>>) offsets(%dma_start3A_145 : memref<128xi32, #tpu.memory_space<vmem>>) semaphore(%arg19 : memref<!tpu.dma_semaphore, #tpu.memory_space<semaphore_mem>>) {add = true}
      %dma_start3A_148 = arith.constant 9 : i32
      %dma_start3A_149 = arith.constant 0 : i32
      %dma_start3A_150 = tpu.memref_slice %arg9[%dma_start3A_148, %dma_start3A_149] : memref<16x128xi32, #tpu.memory_space<vmem>> -> memref<1x128xi32, #tpu.memory_space<vmem>>
      %dma_start3A_151 = tpu.memref_squeeze %dma_start3A_150 : memref<1x128xi32, #tpu.memory_space<vmem>> -> memref<128xi32, #tpu.memory_space<vmem>>
      %dma_start3A_152 = arith.constant 0 : i32
      %dma_start3A_153 = tpu.memref_slice %arg17[%dma_start3A_152] : memref<40960xf32, #tpu.memory_space<vmem_shared>> -> memref<40960xf32, #tpu.memory_space<vmem_shared>>
      tpu.enqueue_indirect_dma source(%arg11 : memref<128xf32, #tpu.memory_space<vmem>>) target(%dma_start3A_153 : memref<40960xf32, #tpu.memory_space<vmem_shared>>) offsets(%dma_start3A_151 : memref<128xi32, #tpu.memory_space<vmem>>) semaphore(%arg19 : memref<!tpu.dma_semaphore, #tpu.memory_space<semaphore_mem>>) {add = true}
      %dma_start3A_154 = arith.constant 10 : i32
      %dma_start3A_155 = arith.constant 0 : i32
      %dma_start3A_156 = tpu.memref_slice %arg9[%dma_start3A_154, %dma_start3A_155] : memref<16x128xi32, #tpu.memory_space<vmem>> -> memref<1x128xi32, #tpu.memory_space<vmem>>
      %dma_start3A_157 = tpu.memref_squeeze %dma_start3A_156 : memref<1x128xi32, #tpu.memory_space<vmem>> -> memref<128xi32, #tpu.memory_space<vmem>>
      %dma_start3A_158 = arith.constant 0 : i32
      %dma_start3A_159 = tpu.memref_slice %arg17[%dma_start3A_158] : memref<40960xf32, #tpu.memory_space<vmem_shared>> -> memref<40960xf32, #tpu.memory_space<vmem_shared>>
      tpu.enqueue_indirect_dma source(%arg11 : memref<128xf32, #tpu.memory_space<vmem>>) target(%dma_start3A_159 : memref<40960xf32, #tpu.memory_space<vmem_shared>>) offsets(%dma_start3A_157 : memref<128xi32, #tpu.memory_space<vmem>>) semaphore(%arg19 : memref<!tpu.dma_semaphore, #tpu.memory_space<semaphore_mem>>) {add = true}
      %dma_start3A_160 = arith.constant 11 : i32
      %dma_start3A_161 = arith.constant 0 : i32
      %dma_start3A_162 = tpu.memref_slice %arg9[%dma_start3A_160, %dma_start3A_161] : memref<16x128xi32, #tpu.memory_space<vmem>> -> memref<1x128xi32, #tpu.memory_space<vmem>>
      %dma_start3A_163 = tpu.memref_squeeze %dma_start3A_162 : memref<1x128xi32, #tpu.memory_space<vmem>> -> memref<128xi32, #tpu.memory_space<vmem>>
      %dma_start3A_164 = arith.constant 0 : i32
      %dma_start3A_165 = tpu.memref_slice %arg17[%dma_start3A_164] : memref<40960xf32, #tpu.memory_space<vmem_shared>> -> memref<40960xf32, #tpu.memory_space<vmem_shared>>
      tpu.enqueue_indirect_dma source(%arg11 : memref<128xf32, #tpu.memory_space<vmem>>) target(%dma_start3A_165 : memref<40960xf32, #tpu.memory_space<vmem_shared>>) offsets(%dma_start3A_163 : memref<128xi32, #tpu.memory_space<vmem>>) semaphore(%arg19 : memref<!tpu.dma_semaphore, #tpu.memory_space<semaphore_mem>>) {add = true}
      %dma_start3A_166 = arith.constant 12 : i32
      %dma_start3A_167 = arith.constant 0 : i32
      %dma_start3A_168 = tpu.memref_slice %arg9[%dma_start3A_166, %dma_start3A_167] : memref<16x128xi32, #tpu.memory_space<vmem>> -> memref<1x128xi32, #tpu.memory_space<vmem>>
      %dma_start3A_169 = tpu.memref_squeeze %dma_start3A_168 : memref<1x128xi32, #tpu.memory_space<vmem>> -> memref<128xi32, #tpu.memory_space<vmem>>
      %dma_start3A_170 = arith.constant 0 : i32
      %dma_start3A_171 = tpu.memref_slice %arg17[%dma_start3A_170] : memref<40960xf32, #tpu.memory_space<vmem_shared>> -> memref<40960xf32, #tpu.memory_space<vmem_shared>>
      tpu.enqueue_indirect_dma source(%arg11 : memref<128xf32, #tpu.memory_space<vmem>>) target(%dma_start3A_171 : memref<40960xf32, #tpu.memory_space<vmem_shared>>) offsets(%dma_start3A_169 : memref<128xi32, #tpu.memory_space<vmem>>) semaphore(%arg19 : memref<!tpu.dma_semaphore, #tpu.memory_space<semaphore_mem>>) {add = true}
      %dma_start3A_172 = arith.constant 13 : i32
      %dma_start3A_173 = arith.constant 0 : i32
      %dma_start3A_174 = tpu.memref_slice %arg9[%dma_start3A_172, %dma_start3A_173] : memref<16x128xi32, #tpu.memory_space<vmem>> -> memref<1x128xi32, #tpu.memory_space<vmem>>
      %dma_start3A_175 = tpu.memref_squeeze %dma_start3A_174 : memref<1x128xi32, #tpu.memory_space<vmem>> -> memref<128xi32, #tpu.memory_space<vmem>>
      %dma_start3A_176 = arith.constant 0 : i32
      %dma_start3A_177 = tpu.memref_slice %arg17[%dma_start3A_176] : memref<40960xf32, #tpu.memory_space<vmem_shared>> -> memref<40960xf32, #tpu.memory_space<vmem_shared>>
      tpu.enqueue_indirect_dma source(%arg11 : memref<128xf32, #tpu.memory_space<vmem>>) target(%dma_start3A_177 : memref<40960xf32, #tpu.memory_space<vmem_shared>>) offsets(%dma_start3A_175 : memref<128xi32, #tpu.memory_space<vmem>>) semaphore(%arg19 : memref<!tpu.dma_semaphore, #tpu.memory_space<semaphore_mem>>) {add = true}
      %dma_start3A_178 = arith.constant 14 : i32
      %dma_start3A_179 = arith.constant 0 : i32
      %dma_start3A_180 = tpu.memref_slice %arg9[%dma_start3A_178, %dma_start3A_179] : memref<16x128xi32, #tpu.memory_space<vmem>> -> memref<1x128xi32, #tpu.memory_space<vmem>>
      %dma_start3A_181 = tpu.memref_squeeze %dma_start3A_180 : memref<1x128xi32, #tpu.memory_space<vmem>> -> memref<128xi32, #tpu.memory_space<vmem>>
      %dma_start3A_182 = arith.constant 0 : i32
      %dma_start3A_183 = tpu.memref_slice %arg17[%dma_start3A_182] : memref<40960xf32, #tpu.memory_space<vmem_shared>> -> memref<40960xf32, #tpu.memory_space<vmem_shared>>
      tpu.enqueue_indirect_dma source(%arg11 : memref<128xf32, #tpu.memory_space<vmem>>) target(%dma_start3A_183 : memref<40960xf32, #tpu.memory_space<vmem_shared>>) offsets(%dma_start3A_181 : memref<128xi32, #tpu.memory_space<vmem>>) semaphore(%arg19 : memref<!tpu.dma_semaphore, #tpu.memory_space<semaphore_mem>>) {add = true}
      %dma_start3A_184 = arith.constant 15 : i32
      %dma_start3A_185 = arith.constant 0 : i32
      %dma_start3A_186 = tpu.memref_slice %arg9[%dma_start3A_184, %dma_start3A_185] : memref<16x128xi32, #tpu.memory_space<vmem>> -> memref<1x128xi32, #tpu.memory_space<vmem>>
      %dma_start3A_187 = tpu.memref_squeeze %dma_start3A_186 : memref<1x128xi32, #tpu.memory_space<vmem>> -> memref<128xi32, #tpu.memory_space<vmem>>
      %dma_start3A_188 = arith.constant 0 : i32
      %dma_start3A_189 = tpu.memref_slice %arg17[%dma_start3A_188] : memref<40960xf32, #tpu.memory_space<vmem_shared>> -> memref<40960xf32, #tpu.memory_space<vmem_shared>>
      tpu.enqueue_indirect_dma source(%arg11 : memref<128xf32, #tpu.memory_space<vmem>>) target(%dma_start3A_189 : memref<40960xf32, #tpu.memory_space<vmem_shared>>) offsets(%dma_start3A_187 : memref<128xi32, #tpu.memory_space<vmem>>) semaphore(%arg19 : memref<!tpu.dma_semaphore, #tpu.memory_space<semaphore_mem>>) {add = true}
      %dma_wait3A = arith.constant 0 : i32
      %dma_wait3A_190 = arith.constant 0 : i32
      %dma_wait3A_191 = tpu.memref_slice %arg9[%dma_wait3A, %dma_wait3A_190] : memref<16x128xi32, #tpu.memory_space<vmem>> -> memref<1x128xi32, #tpu.memory_space<vmem>>
      %dma_wait3A_192 = tpu.memref_squeeze %dma_wait3A_191 : memref<1x128xi32, #tpu.memory_space<vmem>> -> memref<128xi32, #tpu.memory_space<vmem>>
      %dma_wait3A_193 = arith.constant 0 : i32
      %dma_wait3A_194 = tpu.memref_slice %arg17[%dma_wait3A_193] : memref<40960xf32, #tpu.memory_space<vmem_shared>> -> memref<40960xf32, #tpu.memory_space<vmem_shared>>
      tpu.wait_indirect_dma semaphore(%arg19 : memref<!tpu.dma_semaphore, #tpu.memory_space<semaphore_mem>>) src(%arg11 : memref<128xf32, #tpu.memory_space<vmem>>) dst(%dma_wait3A_194 : memref<40960xf32, #tpu.memory_space<vmem_shared>>)
      %dma_wait3A_195 = arith.constant 1 : i32
      %dma_wait3A_196 = arith.constant 0 : i32
      %dma_wait3A_197 = tpu.memref_slice %arg9[%dma_wait3A_195, %dma_wait3A_196] : memref<16x128xi32, #tpu.memory_space<vmem>> -> memref<1x128xi32, #tpu.memory_space<vmem>>
      %dma_wait3A_198 = tpu.memref_squeeze %dma_wait3A_197 : memref<1x128xi32, #tpu.memory_space<vmem>> -> memref<128xi32, #tpu.memory_space<vmem>>
      %dma_wait3A_199 = arith.constant 0 : i32
      %dma_wait3A_200 = tpu.memref_slice %arg17[%dma_wait3A_199] : memref<40960xf32, #tpu.memory_space<vmem_shared>> -> memref<40960xf32, #tpu.memory_space<vmem_shared>>
      tpu.wait_indirect_dma semaphore(%arg19 : memref<!tpu.dma_semaphore, #tpu.memory_space<semaphore_mem>>) src(%arg11 : memref<128xf32, #tpu.memory_space<vmem>>) dst(%dma_wait3A_200 : memref<40960xf32, #tpu.memory_space<vmem_shared>>)
      %dma_wait3A_201 = arith.constant 2 : i32
      %dma_wait3A_202 = arith.constant 0 : i32
      %dma_wait3A_203 = tpu.memref_slice %arg9[%dma_wait3A_201, %dma_wait3A_202] : memref<16x128xi32, #tpu.memory_space<vmem>> -> memref<1x128xi32, #tpu.memory_space<vmem>>
      %dma_wait3A_204 = tpu.memref_squeeze %dma_wait3A_203 : memref<1x128xi32, #tpu.memory_space<vmem>> -> memref<128xi32, #tpu.memory_space<vmem>>
      %dma_wait3A_205 = arith.constant 0 : i32
      %dma_wait3A_206 = tpu.memref_slice %arg17[%dma_wait3A_205] : memref<40960xf32, #tpu.memory_space<vmem_shared>> -> memref<40960xf32, #tpu.memory_space<vmem_shared>>
      tpu.wait_indirect_dma semaphore(%arg19 : memref<!tpu.dma_semaphore, #tpu.memory_space<semaphore_mem>>) src(%arg11 : memref<128xf32, #tpu.memory_space<vmem>>) dst(%dma_wait3A_206 : memref<40960xf32, #tpu.memory_space<vmem_shared>>)
      %dma_wait3A_207 = arith.constant 3 : i32
      %dma_wait3A_208 = arith.constant 0 : i32
      %dma_wait3A_209 = tpu.memref_slice %arg9[%dma_wait3A_207, %dma_wait3A_208] : memref<16x128xi32, #tpu.memory_space<vmem>> -> memref<1x128xi32, #tpu.memory_space<vmem>>
      %dma_wait3A_210 = tpu.memref_squeeze %dma_wait3A_209 : memref<1x128xi32, #tpu.memory_space<vmem>> -> memref<128xi32, #tpu.memory_space<vmem>>
      %dma_wait3A_211 = arith.constant 0 : i32
      %dma_wait3A_212 = tpu.memref_slice %arg17[%dma_wait3A_211] : memref<40960xf32, #tpu.memory_space<vmem_shared>> -> memref<40960xf32, #tpu.memory_space<vmem_shared>>
      tpu.wait_indirect_dma semaphore(%arg19 : memref<!tpu.dma_semaphore, #tpu.memory_space<semaphore_mem>>) src(%arg11 : memref<128xf32, #tpu.memory_space<vmem>>) dst(%dma_wait3A_212 : memref<40960xf32, #tpu.memory_space<vmem_shared>>)
      %dma_wait3A_213 = arith.constant 4 : i32
      %dma_wait3A_214 = arith.constant 0 : i32
      %dma_wait3A_215 = tpu.memref_slice %arg9[%dma_wait3A_213, %dma_wait3A_214] : memref<16x128xi32, #tpu.memory_space<vmem>> -> memref<1x128xi32, #tpu.memory_space<vmem>>
      %dma_wait3A_216 = tpu.memref_squeeze %dma_wait3A_215 : memref<1x128xi32, #tpu.memory_space<vmem>> -> memref<128xi32, #tpu.memory_space<vmem>>
      %dma_wait3A_217 = arith.constant 0 : i32
      %dma_wait3A_218 = tpu.memref_slice %arg17[%dma_wait3A_217] : memref<40960xf32, #tpu.memory_space<vmem_shared>> -> memref<40960xf32, #tpu.memory_space<vmem_shared>>
      tpu.wait_indirect_dma semaphore(%arg19 : memref<!tpu.dma_semaphore, #tpu.memory_space<semaphore_mem>>) src(%arg11 : memref<128xf32, #tpu.memory_space<vmem>>) dst(%dma_wait3A_218 : memref<40960xf32, #tpu.memory_space<vmem_shared>>)
      %dma_wait3A_219 = arith.constant 5 : i32
      %dma_wait3A_220 = arith.constant 0 : i32
      %dma_wait3A_221 = tpu.memref_slice %arg9[%dma_wait3A_219, %dma_wait3A_220] : memref<16x128xi32, #tpu.memory_space<vmem>> -> memref<1x128xi32, #tpu.memory_space<vmem>>
      %dma_wait3A_222 = tpu.memref_squeeze %dma_wait3A_221 : memref<1x128xi32, #tpu.memory_space<vmem>> -> memref<128xi32, #tpu.memory_space<vmem>>
      %dma_wait3A_223 = arith.constant 0 : i32
      %dma_wait3A_224 = tpu.memref_slice %arg17[%dma_wait3A_223] : memref<40960xf32, #tpu.memory_space<vmem_shared>> -> memref<40960xf32, #tpu.memory_space<vmem_shared>>
      tpu.wait_indirect_dma semaphore(%arg19 : memref<!tpu.dma_semaphore, #tpu.memory_space<semaphore_mem>>) src(%arg11 : memref<128xf32, #tpu.memory_space<vmem>>) dst(%dma_wait3A_224 : memref<40960xf32, #tpu.memory_space<vmem_shared>>)
      %dma_wait3A_225 = arith.constant 6 : i32
      %dma_wait3A_226 = arith.constant 0 : i32
      %dma_wait3A_227 = tpu.memref_slice %arg9[%dma_wait3A_225, %dma_wait3A_226] : memref<16x128xi32, #tpu.memory_space<vmem>> -> memref<1x128xi32, #tpu.memory_space<vmem>>
      %dma_wait3A_228 = tpu.memref_squeeze %dma_wait3A_227 : memref<1x128xi32, #tpu.memory_space<vmem>> -> memref<128xi32, #tpu.memory_space<vmem>>
      %dma_wait3A_229 = arith.constant 0 : i32
      %dma_wait3A_230 = tpu.memref_slice %arg17[%dma_wait3A_229] : memref<40960xf32, #tpu.memory_space<vmem_shared>> -> memref<40960xf32, #tpu.memory_space<vmem_shared>>
      tpu.wait_indirect_dma semaphore(%arg19 : memref<!tpu.dma_semaphore, #tpu.memory_space<semaphore_mem>>) src(%arg11 : memref<128xf32, #tpu.memory_space<vmem>>) dst(%dma_wait3A_230 : memref<40960xf32, #tpu.memory_space<vmem_shared>>)
      %dma_wait3A_231 = arith.constant 7 : i32
      %dma_wait3A_232 = arith.constant 0 : i32
      %dma_wait3A_233 = tpu.memref_slice %arg9[%dma_wait3A_231, %dma_wait3A_232] : memref<16x128xi32, #tpu.memory_space<vmem>> -> memref<1x128xi32, #tpu.memory_space<vmem>>
      %dma_wait3A_234 = tpu.memref_squeeze %dma_wait3A_233 : memref<1x128xi32, #tpu.memory_space<vmem>> -> memref<128xi32, #tpu.memory_space<vmem>>
      %dma_wait3A_235 = arith.constant 0 : i32
      %dma_wait3A_236 = tpu.memref_slice %arg17[%dma_wait3A_235] : memref<40960xf32, #tpu.memory_space<vmem_shared>> -> memref<40960xf32, #tpu.memory_space<vmem_shared>>
      tpu.wait_indirect_dma semaphore(%arg19 : memref<!tpu.dma_semaphore, #tpu.memory_space<semaphore_mem>>) src(%arg11 : memref<128xf32, #tpu.memory_space<vmem>>) dst(%dma_wait3A_236 : memref<40960xf32, #tpu.memory_space<vmem_shared>>)
      %dma_wait3A_237 = arith.constant 8 : i32
      %dma_wait3A_238 = arith.constant 0 : i32
      %dma_wait3A_239 = tpu.memref_slice %arg9[%dma_wait3A_237, %dma_wait3A_238] : memref<16x128xi32, #tpu.memory_space<vmem>> -> memref<1x128xi32, #tpu.memory_space<vmem>>
      %dma_wait3A_240 = tpu.memref_squeeze %dma_wait3A_239 : memref<1x128xi32, #tpu.memory_space<vmem>> -> memref<128xi32, #tpu.memory_space<vmem>>
      %dma_wait3A_241 = arith.constant 0 : i32
      %dma_wait3A_242 = tpu.memref_slice %arg17[%dma_wait3A_241] : memref<40960xf32, #tpu.memory_space<vmem_shared>> -> memref<40960xf32, #tpu.memory_space<vmem_shared>>
      tpu.wait_indirect_dma semaphore(%arg19 : memref<!tpu.dma_semaphore, #tpu.memory_space<semaphore_mem>>) src(%arg11 : memref<128xf32, #tpu.memory_space<vmem>>) dst(%dma_wait3A_242 : memref<40960xf32, #tpu.memory_space<vmem_shared>>)
      %dma_wait3A_243 = arith.constant 9 : i32
      %dma_wait3A_244 = arith.constant 0 : i32
      %dma_wait3A_245 = tpu.memref_slice %arg9[%dma_wait3A_243, %dma_wait3A_244] : memref<16x128xi32, #tpu.memory_space<vmem>> -> memref<1x128xi32, #tpu.memory_space<vmem>>
      %dma_wait3A_246 = tpu.memref_squeeze %dma_wait3A_245 : memref<1x128xi32, #tpu.memory_space<vmem>> -> memref<128xi32, #tpu.memory_space<vmem>>
      %dma_wait3A_247 = arith.constant 0 : i32
      %dma_wait3A_248 = tpu.memref_slice %arg17[%dma_wait3A_247] : memref<40960xf32, #tpu.memory_space<vmem_shared>> -> memref<40960xf32, #tpu.memory_space<vmem_shared>>
      tpu.wait_indirect_dma semaphore(%arg19 : memref<!tpu.dma_semaphore, #tpu.memory_space<semaphore_mem>>) src(%arg11 : memref<128xf32, #tpu.memory_space<vmem>>) dst(%dma_wait3A_248 : memref<40960xf32, #tpu.memory_space<vmem_shared>>)
      %dma_wait3A_249 = arith.constant 10 : i32
      %dma_wait3A_250 = arith.constant 0 : i32
      %dma_wait3A_251 = tpu.memref_slice %arg9[%dma_wait3A_249, %dma_wait3A_250] : memref<16x128xi32, #tpu.memory_space<vmem>> -> memref<1x128xi32, #tpu.memory_space<vmem>>
      %dma_wait3A_252 = tpu.memref_squeeze %dma_wait3A_251 : memref<1x128xi32, #tpu.memory_space<vmem>> -> memref<128xi32, #tpu.memory_space<vmem>>
      %dma_wait3A_253 = arith.constant 0 : i32
      %dma_wait3A_254 = tpu.memref_slice %arg17[%dma_wait3A_253] : memref<40960xf32, #tpu.memory_space<vmem_shared>> -> memref<40960xf32, #tpu.memory_space<vmem_shared>>
      tpu.wait_indirect_dma semaphore(%arg19 : memref<!tpu.dma_semaphore, #tpu.memory_space<semaphore_mem>>) src(%arg11 : memref<128xf32, #tpu.memory_space<vmem>>) dst(%dma_wait3A_254 : memref<40960xf32, #tpu.memory_space<vmem_shared>>)
      %dma_wait3A_255 = arith.constant 11 : i32
      %dma_wait3A_256 = arith.constant 0 : i32
      %dma_wait3A_257 = tpu.memref_slice %arg9[%dma_wait3A_255, %dma_wait3A_256] : memref<16x128xi32, #tpu.memory_space<vmem>> -> memref<1x128xi32, #tpu.memory_space<vmem>>
      %dma_wait3A_258 = tpu.memref_squeeze %dma_wait3A_257 : memref<1x128xi32, #tpu.memory_space<vmem>> -> memref<128xi32, #tpu.memory_space<vmem>>
      %dma_wait3A_259 = arith.constant 0 : i32
      %dma_wait3A_260 = tpu.memref_slice %arg17[%dma_wait3A_259] : memref<40960xf32, #tpu.memory_space<vmem_shared>> -> memref<40960xf32, #tpu.memory_space<vmem_shared>>
      tpu.wait_indirect_dma semaphore(%arg19 : memref<!tpu.dma_semaphore, #tpu.memory_space<semaphore_mem>>) src(%arg11 : memref<128xf32, #tpu.memory_space<vmem>>) dst(%dma_wait3A_260 : memref<40960xf32, #tpu.memory_space<vmem_shared>>)
      %dma_wait3A_261 = arith.constant 12 : i32
      %dma_wait3A_262 = arith.constant 0 : i32
      %dma_wait3A_263 = tpu.memref_slice %arg9[%dma_wait3A_261, %dma_wait3A_262] : memref<16x128xi32, #tpu.memory_space<vmem>> -> memref<1x128xi32, #tpu.memory_space<vmem>>
      %dma_wait3A_264 = tpu.memref_squeeze %dma_wait3A_263 : memref<1x128xi32, #tpu.memory_space<vmem>> -> memref<128xi32, #tpu.memory_space<vmem>>
      %dma_wait3A_265 = arith.constant 0 : i32
      %dma_wait3A_266 = tpu.memref_slice %arg17[%dma_wait3A_265] : memref<40960xf32, #tpu.memory_space<vmem_shared>> -> memref<40960xf32, #tpu.memory_space<vmem_shared>>
      tpu.wait_indirect_dma semaphore(%arg19 : memref<!tpu.dma_semaphore, #tpu.memory_space<semaphore_mem>>) src(%arg11 : memref<128xf32, #tpu.memory_space<vmem>>) dst(%dma_wait3A_266 : memref<40960xf32, #tpu.memory_space<vmem_shared>>)
      %dma_wait3A_267 = arith.constant 13 : i32
      %dma_wait3A_268 = arith.constant 0 : i32
      %dma_wait3A_269 = tpu.memref_slice %arg9[%dma_wait3A_267, %dma_wait3A_268] : memref<16x128xi32, #tpu.memory_space<vmem>> -> memref<1x128xi32, #tpu.memory_space<vmem>>
      %dma_wait3A_270 = tpu.memref_squeeze %dma_wait3A_269 : memref<1x128xi32, #tpu.memory_space<vmem>> -> memref<128xi32, #tpu.memory_space<vmem>>
      %dma_wait3A_271 = arith.constant 0 : i32
      %dma_wait3A_272 = tpu.memref_slice %arg17[%dma_wait3A_271] : memref<40960xf32, #tpu.memory_space<vmem_shared>> -> memref<40960xf32, #tpu.memory_space<vmem_shared>>
      tpu.wait_indirect_dma semaphore(%arg19 : memref<!tpu.dma_semaphore, #tpu.memory_space<semaphore_mem>>) src(%arg11 : memref<128xf32, #tpu.memory_space<vmem>>) dst(%dma_wait3A_272 : memref<40960xf32, #tpu.memory_space<vmem_shared>>)
      %dma_wait3A_273 = arith.constant 14 : i32
      %dma_wait3A_274 = arith.constant 0 : i32
      %dma_wait3A_275 = tpu.memref_slice %arg9[%dma_wait3A_273, %dma_wait3A_274] : memref<16x128xi32, #tpu.memory_space<vmem>> -> memref<1x128xi32, #tpu.memory_space<vmem>>
      %dma_wait3A_276 = tpu.memref_squeeze %dma_wait3A_275 : memref<1x128xi32, #tpu.memory_space<vmem>> -> memref<128xi32, #tpu.memory_space<vmem>>
      %dma_wait3A_277 = arith.constant 0 : i32
      %dma_wait3A_278 = tpu.memref_slice %arg17[%dma_wait3A_277] : memref<40960xf32, #tpu.memory_space<vmem_shared>> -> memref<40960xf32, #tpu.memory_space<vmem_shared>>
      tpu.wait_indirect_dma semaphore(%arg19 : memref<!tpu.dma_semaphore, #tpu.memory_space<semaphore_mem>>) src(%arg11 : memref<128xf32, #tpu.memory_space<vmem>>) dst(%dma_wait3A_278 : memref<40960xf32, #tpu.memory_space<vmem_shared>>)
      %dma_wait3A_279 = arith.constant 15 : i32
      %dma_wait3A_280 = arith.constant 0 : i32
      %dma_wait3A_281 = tpu.memref_slice %arg9[%dma_wait3A_279, %dma_wait3A_280] : memref<16x128xi32, #tpu.memory_space<vmem>> -> memref<1x128xi32, #tpu.memory_space<vmem>>
      %dma_wait3A_282 = tpu.memref_squeeze %dma_wait3A_281 : memref<1x128xi32, #tpu.memory_space<vmem>> -> memref<128xi32, #tpu.memory_space<vmem>>
      %dma_wait3A_283 = arith.constant 0 : i32
      %dma_wait3A_284 = tpu.memref_slice %arg17[%dma_wait3A_283] : memref<40960xf32, #tpu.memory_space<vmem_shared>> -> memref<40960xf32, #tpu.memory_space<vmem_shared>>
      tpu.wait_indirect_dma semaphore(%arg19 : memref<!tpu.dma_semaphore, #tpu.memory_space<semaphore_mem>>) src(%arg11 : memref<128xf32, #tpu.memory_space<vmem>>) dst(%dma_wait3A_284 : memref<40960xf32, #tpu.memory_space<vmem_shared>>)
    }
    %scan3A_30 = arith.constant 10 : i32
    %barrier3A_31 = arith.constant 0 : index
    tpu.barrier barrier_id(%barrier3A_31)
    "tpu.trace_stop"() : () -> ()
    "tpu.trace_start"() <{level = 10 : i32, message = "pB"}> : () -> ()
    %mul3A_32 = arith.constant 2560 : i32
    %mul3A_33 = arith.muli %arg1, %mul3A_32 : i32
    "tpu.region"() ({
      %run_scoped3A = tpu.sem_alloc : memref<!tpu.dma_semaphore, #tpu.memory_space<semaphore_mem>>
      %dma_start3A = tpu.memref_slice %arg17[%mul3A_33] : memref<40960xf32, #tpu.memory_space<vmem_shared>> -> memref<2560xf32, #tpu.memory_space<vmem_shared>>
      %dma_start3A_84 = tpu.memref_slice %arg17[%mul3A_33] : memref<40960xf32, #tpu.memory_space<vmem_shared>> -> memref<2560xf32, #tpu.memory_space<vmem_shared>>
      tpu.enqueue_dma source(%dma_start3A_84 : memref<2560xf32, #tpu.memory_space<vmem_shared>>) target(%arg14 : memref<2560xf32, #tpu.memory_space<vmem>>) target_semaphore(%run_scoped3A : memref<!tpu.dma_semaphore, #tpu.memory_space<semaphore_mem>>)
      %dma_wait3A = tpu.memref_slice %arg17[%mul3A_33] : memref<40960xf32, #tpu.memory_space<vmem_shared>> -> memref<2560xf32, #tpu.memory_space<vmem_shared>>
      %dma_wait3A_85 = tpu.memref_slice %arg17[%mul3A_33] : memref<40960xf32, #tpu.memory_space<vmem_shared>> -> memref<2560xf32, #tpu.memory_space<vmem_shared>>
      tpu.wait_dma2 semaphore(%run_scoped3A : memref<!tpu.dma_semaphore, #tpu.memory_space<semaphore_mem>>) src(%dma_wait3A_85 : memref<2560xf32, #tpu.memory_space<vmem_shared>>) dst(%arg14 : memref<2560xf32, #tpu.memory_space<vmem>>)
      tpu.yield
    }) : () -> ()
    %scan3A_34 = arith.constant 0 : i32
    %scan3A_35 = arith.constant 160 : i32
    %scan3A_36 = arith.addi %scan3A_34, %scan3A_35 : i32
    %scan3A_37 = arith.constant 1 : i32
    scf.for %scan3A_84 = %scan3A_34 to %scan3A_36 step %scan3A_37  : i32 {
      %mul3A_85 = arith.constant 16 : i32
      %mul3A_86 = arith.muli %scan3A_84, %mul3A_85 : i32
      %get3A = arith.index_cast %mul3A_86 : i32 to index
      %get3A_87 = tpu.vector_load %arg14[%get3A] {strides = array<i32>} : memref<2560xf32, #tpu.memory_space<vmem>>, vector<16xf32>,
      %max3A = arith.constant 1.000000e+00 : f32
      %max3A_88 = vector.broadcast %max3A : f32 to vector<16xf32>
      %max3A_89 = arith.maximumf %get3A_87, %max3A_88 : vector<16xf32>
      %div3A = arith.constant 1.000000e+00 : f32
      %div3A_90 = vector.broadcast %div3A : f32 to vector<16xf32>
      %div3A_91 = arith.divf %div3A_90, %max3A_89 : vector<16xf32>
      %mul3A_92 = arith.constant 16 : i32
      %mul3A_93 = arith.muli %scan3A_84, %mul3A_92 : i32
      %swap3A = arith.index_cast %mul3A_93 : i32 to index
      %swap3A_94 = tpu.vector_load %arg14[%swap3A] {strides = array<i32>} : memref<2560xf32, #tpu.memory_space<vmem>>, vector<16xf32>,
      tpu.vector_store %arg14[%swap3A], %div3A_91 {strides = array<i32>} : memref<2560xf32, #tpu.memory_space<vmem>>, vector<16xf32>,
    }
    %scan3A_38 = arith.constant 160 : i32
    %mul3A_39 = arith.constant 2560 : i32
    %mul3A_40 = arith.muli %arg1, %mul3A_39 : i32
    "tpu.region"() ({
      %run_scoped3A = tpu.sem_alloc : memref<!tpu.dma_semaphore, #tpu.memory_space<semaphore_mem>>
      %dma_start3A = tpu.memref_slice %arg17[%mul3A_40] : memref<40960xf32, #tpu.memory_space<vmem_shared>> -> memref<2560xf32, #tpu.memory_space<vmem_shared>>
      %dma_start3A_84 = tpu.memref_slice %arg17[%mul3A_40] : memref<40960xf32, #tpu.memory_space<vmem_shared>> -> memref<2560xf32, #tpu.memory_space<vmem_shared>>
      tpu.enqueue_dma source(%arg14 : memref<2560xf32, #tpu.memory_space<vmem>>) target(%dma_start3A_84 : memref<2560xf32, #tpu.memory_space<vmem_shared>>) target_semaphore(%run_scoped3A : memref<!tpu.dma_semaphore, #tpu.memory_space<semaphore_mem>>)
      %dma_wait3A = tpu.memref_slice %arg17[%mul3A_40] : memref<40960xf32, #tpu.memory_space<vmem_shared>> -> memref<2560xf32, #tpu.memory_space<vmem_shared>>
      %dma_wait3A_85 = tpu.memref_slice %arg17[%mul3A_40] : memref<40960xf32, #tpu.memory_space<vmem_shared>> -> memref<2560xf32, #tpu.memory_space<vmem_shared>>
      tpu.wait_dma2 semaphore(%run_scoped3A : memref<!tpu.dma_semaphore, #tpu.memory_space<semaphore_mem>>) src(%arg14 : memref<2560xf32, #tpu.memory_space<vmem>>) dst(%dma_wait3A_85 : memref<2560xf32, #tpu.memory_space<vmem_shared>>)
      tpu.yield
    }) : () -> ()
    %barrier3A_41 = arith.constant 0 : index
    tpu.barrier barrier_id(%barrier3A_41)
    %eq3A = arith.constant 0 : i32
    "tpu.trace_stop"() : () -> ()
    %eq3A_42 = arith.cmpi eq, %arg0, %eq3A : i32
    %mul3A_43 = arith.constant 152 : i32
    %mul3A_44 = arith.muli %arg1, %mul3A_43 : i32
    %mul3A_45 = arith.constant 8 : i32
    %mul3A_46 = arith.muli %arg1, %mul3A_45 : i32
    %add3A_47 = arith.constant 2432 : i32
    %add3A_48 = arith.addi %add3A_47, %mul3A_46 : i32
    %select_n3A = arith.select %eq3A_42, %mul3A_44, %add3A_48 : i32
    %eq3A_49 = arith.constant 0 : i32
    %eq3A_50 = arith.cmpi eq, %arg0, %eq3A_49 : i32
    %jit3A = arith.constant 9 : i32
    %jit3A_51 = arith.constant 0 : i32
    %select_n3A_52 = arith.select %eq3A_50, %jit3A, %jit3A_51 : i32
    %while3A = arith.constant 0 : i32
    "tpu.trace_start"() <{level = 10 : i32, message = "pC"}> : () -> ()
    %while3A_53 = arith.subi %select_n3A_52, %while3A : i32
    %while3A_54 = arith.addi %while3A, %while3A_53 : i32
    %while3A_55 = arith.constant 1 : i32
    %while3A_56 = arith.divsi %while3A_53, %while3A_55 : i32
    %while3A_57 = arith.muli %while3A_56, %while3A_55 : i32
    %while3A_58 = arith.addi %while3A, %while3A_57 : i32
    %while3A_59 = arith.constant 1 : i32
    scf.for %while3A_84 = %while3A to %while3A_58 step %while3A_59  : i32 {
      %mul3A_85 = arith.constant 16 : i32
      %mul3A_86 = arith.muli %while3A_84, %mul3A_85 : i32
      %add3A_87 = arith.addi %select_n3A, %mul3A_86 : i32
      "tpu.region"() ({
        %run_scoped3A = tpu.sem_alloc : memref<!tpu.dma_semaphore, #tpu.memory_space<semaphore_mem>>
        %dma_start3A_110 = arith.constant 0 : i32
        %dma_start3A_111 = tpu.memref_slice %arg3[%add3A_87, %dma_start3A_110] : memref<2560x128xi32, #tpu.memory_space<hbm>> -> memref<16x128xi32, #tpu.memory_space<hbm>>
        %dma_start3A_112 = arith.constant 0 : i32
        %dma_start3A_113 = tpu.memref_slice %arg3[%add3A_87, %dma_start3A_112] : memref<2560x128xi32, #tpu.memory_space<hbm>> -> memref<16x128xi32, #tpu.memory_space<hbm>>
        tpu.enqueue_dma source(%dma_start3A_113 : memref<16x128xi32, #tpu.memory_space<hbm>>) target(%arg10 : memref<16x128xi32, #tpu.memory_space<vmem>>) target_semaphore(%run_scoped3A : memref<!tpu.dma_semaphore, #tpu.memory_space<semaphore_mem>>)
        %dma_wait3A = arith.constant 0 : i32
        %dma_wait3A_114 = tpu.memref_slice %arg3[%add3A_87, %dma_wait3A] : memref<2560x128xi32, #tpu.memory_space<hbm>> -> memref<16x128xi32, #tpu.memory_space<hbm>>
        %dma_wait3A_115 = arith.constant 0 : i32
        %dma_wait3A_116 = tpu.memref_slice %arg3[%add3A_87, %dma_wait3A_115] : memref<2560x128xi32, #tpu.memory_space<hbm>> -> memref<16x128xi32, #tpu.memory_space<hbm>>
        tpu.wait_dma2 semaphore(%run_scoped3A : memref<!tpu.dma_semaphore, #tpu.memory_space<semaphore_mem>>) src(%dma_wait3A_116 : memref<16x128xi32, #tpu.memory_space<hbm>>) dst(%arg10 : memref<16x128xi32, #tpu.memory_space<vmem>>)
        tpu.yield
      }) : () -> ()
      "tpu.region"() ({
        %run_scoped3A = tpu.sem_alloc : memref<!tpu.dma_semaphore, #tpu.memory_space<semaphore_mem>>
        %dma_start3A_110 = arith.constant 0 : i32
        %dma_start3A_111 = tpu.memref_slice %arg4[%add3A_87, %dma_start3A_110] : memref<2560x128xi32, #tpu.memory_space<hbm>> -> memref<16x128xi32, #tpu.memory_space<hbm>>
        %dma_start3A_112 = arith.constant 0 : i32
        %dma_start3A_113 = tpu.memref_slice %arg4[%add3A_87, %dma_start3A_112] : memref<2560x128xi32, #tpu.memory_space<hbm>> -> memref<16x128xi32, #tpu.memory_space<hbm>>
        tpu.enqueue_dma source(%dma_start3A_113 : memref<16x128xi32, #tpu.memory_space<hbm>>) target(%arg7 : memref<16x128xi32, #tpu.memory_space<vmem>>) target_semaphore(%run_scoped3A : memref<!tpu.dma_semaphore, #tpu.memory_space<semaphore_mem>>)
        %dma_wait3A = arith.constant 0 : i32
        %dma_wait3A_114 = tpu.memref_slice %arg4[%add3A_87, %dma_wait3A] : memref<2560x128xi32, #tpu.memory_space<hbm>> -> memref<16x128xi32, #tpu.memory_space<hbm>>
        %dma_wait3A_115 = arith.constant 0 : i32
        %dma_wait3A_116 = tpu.memref_slice %arg4[%add3A_87, %dma_wait3A_115] : memref<2560x128xi32, #tpu.memory_space<hbm>> -> memref<16x128xi32, #tpu.memory_space<hbm>>
        tpu.wait_dma2 semaphore(%run_scoped3A : memref<!tpu.dma_semaphore, #tpu.memory_space<semaphore_mem>>) src(%dma_wait3A_116 : memref<16x128xi32, #tpu.memory_space<hbm>>) dst(%arg7 : memref<16x128xi32, #tpu.memory_space<vmem>>)
        tpu.yield
      }) : () -> ()
      "tpu.region"() ({
        %run_scoped3A = tpu.sem_alloc : memref<!tpu.dma_semaphore, #tpu.memory_space<semaphore_mem>>
        %dma_start3A_110 = arith.constant 0 : i32
        %dma_start3A_111 = tpu.memref_slice %arg5[%add3A_87, %dma_start3A_110] : memref<2560x128xi32, #tpu.memory_space<hbm>> -> memref<16x128xi32, #tpu.memory_space<hbm>>
        %dma_start3A_112 = arith.constant 0 : i32
        %dma_start3A_113 = tpu.memref_slice %arg5[%add3A_87, %dma_start3A_112] : memref<2560x128xi32, #tpu.memory_space<hbm>> -> memref<16x128xi32, #tpu.memory_space<hbm>>
        tpu.enqueue_dma source(%dma_start3A_113 : memref<16x128xi32, #tpu.memory_space<hbm>>) target(%arg8 : memref<16x128xi32, #tpu.memory_space<vmem>>) target_semaphore(%run_scoped3A : memref<!tpu.dma_semaphore, #tpu.memory_space<semaphore_mem>>)
        %dma_wait3A = arith.constant 0 : i32
        %dma_wait3A_114 = tpu.memref_slice %arg5[%add3A_87, %dma_wait3A] : memref<2560x128xi32, #tpu.memory_space<hbm>> -> memref<16x128xi32, #tpu.memory_space<hbm>>
        %dma_wait3A_115 = arith.constant 0 : i32
        %dma_wait3A_116 = tpu.memref_slice %arg5[%add3A_87, %dma_wait3A_115] : memref<2560x128xi32, #tpu.memory_space<hbm>> -> memref<16x128xi32, #tpu.memory_space<hbm>>
        tpu.wait_dma2 semaphore(%run_scoped3A : memref<!tpu.dma_semaphore, #tpu.memory_space<semaphore_mem>>) src(%dma_wait3A_116 : memref<16x128xi32, #tpu.memory_space<hbm>>) dst(%arg8 : memref<16x128xi32, #tpu.memory_space<vmem>>)
        tpu.yield
      }) : () -> ()
      %scan3A_88 = arith.constant 0 : i32
      %scan3A_89 = arith.constant 16 : i32
      %scan3A_90 = arith.addi %scan3A_88, %scan3A_89 : i32
      %scan3A_91 = arith.constant 1 : i32
      scf.for %scan3A_110 = %scan3A_88 to %scan3A_90 step %scan3A_91  : i32 {
        %get3A = arith.index_cast %scan3A_110 : i32 to index
        %get3A_111 = arith.constant 0 : index
        %get3A_112 = tpu.vector_load %arg7[%get3A, %get3A_111] {strides = array<i32>} : memref<16x128xi32, #tpu.memory_space<vmem>>, vector<16xi32>,
        %get3A_113 = arith.index_cast %scan3A_110 : i32 to index
        %get3A_114 = arith.constant 0 : index
        %get3A_115 = tpu.vector_load %arg8[%get3A_113, %get3A_114] {strides = array<i32>} : memref<16x128xi32, #tpu.memory_space<vmem>>, vector<16xi32>,
        %mul3A_116 = arith.constant 4 : i32
        %mul3A_117 = vector.broadcast %mul3A_116 : i32 to vector<16xi32>
        %mul3A_118 = arith.muli %get3A_112, %mul3A_117 : vector<16xi32>
        %add3A_119 = arith.addi %mul3A_118, %get3A_115 : vector<16xi32>
        %swap3A = arith.index_cast %scan3A_110 : i32 to index
        %swap3A_120 = arith.constant 0 : index
        %swap3A_121 = tpu.vector_load %arg9[%swap3A, %swap3A_120] {strides = array<i32>} : memref<16x128xi32, #tpu.memory_space<vmem>>, vector<16xi32>,
        tpu.vector_store %arg9[%swap3A, %swap3A_120], %add3A_119 {strides = array<i32>} : memref<16x128xi32, #tpu.memory_space<vmem>>, vector<16xi32>,
        %get3A_122 = arith.index_cast %scan3A_110 : i32 to index
        %get3A_123 = arith.constant 16 : index
        %get3A_124 = tpu.vector_load %arg7[%get3A_122, %get3A_123] {strides = array<i32>} : memref<16x128xi32, #tpu.memory_space<vmem>>, vector<16xi32>,
        %get3A_125 = arith.index_cast %scan3A_110 : i32 to index
        %get3A_126 = arith.constant 16 : index
        %get3A_127 = tpu.vector_load %arg8[%get3A_125, %get3A_126] {strides = array<i32>} : memref<16x128xi32, #tpu.memory_space<vmem>>, vector<16xi32>,
        %mul3A_128 = arith.constant 4 : i32
        %mul3A_129 = vector.broadcast %mul3A_128 : i32 to vector<16xi32>
        %mul3A_130 = arith.muli %get3A_124, %mul3A_129 : vector<16xi32>
        %add3A_131 = arith.addi %mul3A_130, %get3A_127 : vector<16xi32>
        %swap3A_132 = arith.index_cast %scan3A_110 : i32 to index
        %swap3A_133 = arith.constant 16 : index
        %swap3A_134 = tpu.vector_load %arg9[%swap3A_132, %swap3A_133] {strides = array<i32>} : memref<16x128xi32, #tpu.memory_space<vmem>>, vector<16xi32>,
        tpu.vector_store %arg9[%swap3A_132, %swap3A_133], %add3A_131 {strides = array<i32>} : memref<16x128xi32, #tpu.memory_space<vmem>>, vector<16xi32>,
        %get3A_135 = arith.index_cast %scan3A_110 : i32 to index
        %get3A_136 = arith.constant 32 : index
        %get3A_137 = tpu.vector_load %arg7[%get3A_135, %get3A_136] {strides = array<i32>} : memref<16x128xi32, #tpu.memory_space<vmem>>, vector<16xi32>,
        %get3A_138 = arith.index_cast %scan3A_110 : i32 to index
        %get3A_139 = arith.constant 32 : index
        %get3A_140 = tpu.vector_load %arg8[%get3A_138, %get3A_139] {strides = array<i32>} : memref<16x128xi32, #tpu.memory_space<vmem>>, vector<16xi32>,
        %mul3A_141 = arith.constant 4 : i32
        %mul3A_142 = vector.broadcast %mul3A_141 : i32 to vector<16xi32>
        %mul3A_143 = arith.muli %get3A_137, %mul3A_142 : vector<16xi32>
        %add3A_144 = arith.addi %mul3A_143, %get3A_140 : vector<16xi32>
        %swap3A_145 = arith.index_cast %scan3A_110 : i32 to index
        %swap3A_146 = arith.constant 32 : index
        %swap3A_147 = tpu.vector_load %arg9[%swap3A_145, %swap3A_146] {strides = array<i32>} : memref<16x128xi32, #tpu.memory_space<vmem>>, vector<16xi32>,
        tpu.vector_store %arg9[%swap3A_145, %swap3A_146], %add3A_144 {strides = array<i32>} : memref<16x128xi32, #tpu.memory_space<vmem>>, vector<16xi32>,
        %get3A_148 = arith.index_cast %scan3A_110 : i32 to index
        %get3A_149 = arith.constant 48 : index
        %get3A_150 = tpu.vector_load %arg7[%get3A_148, %get3A_149] {strides = array<i32>} : memref<16x128xi32, #tpu.memory_space<vmem>>, vector<16xi32>,
        %get3A_151 = arith.index_cast %scan3A_110 : i32 to index
        %get3A_152 = arith.constant 48 : index
        %get3A_153 = tpu.vector_load %arg8[%get3A_151, %get3A_152] {strides = array<i32>} : memref<16x128xi32, #tpu.memory_space<vmem>>, vector<16xi32>,
        %mul3A_154 = arith.constant 4 : i32
        %mul3A_155 = vector.broadcast %mul3A_154 : i32 to vector<16xi32>
        %mul3A_156 = arith.muli %get3A_150, %mul3A_155 : vector<16xi32>
        %add3A_157 = arith.addi %mul3A_156, %get3A_153 : vector<16xi32>
        %swap3A_158 = arith.index_cast %scan3A_110 : i32 to index
        %swap3A_159 = arith.constant 48 : index
        %swap3A_160 = tpu.vector_load %arg9[%swap3A_158, %swap3A_159] {strides = array<i32>} : memref<16x128xi32, #tpu.memory_space<vmem>>, vector<16xi32>,
        tpu.vector_store %arg9[%swap3A_158, %swap3A_159], %add3A_157 {strides = array<i32>} : memref<16x128xi32, #tpu.memory_space<vmem>>, vector<16xi32>,
        %get3A_161 = arith.index_cast %scan3A_110 : i32 to index
        %get3A_162 = arith.constant 64 : index
        %get3A_163 = tpu.vector_load %arg7[%get3A_161, %get3A_162] {strides = array<i32>} : memref<16x128xi32, #tpu.memory_space<vmem>>, vector<16xi32>,
        %get3A_164 = arith.index_cast %scan3A_110 : i32 to index
        %get3A_165 = arith.constant 64 : index
        %get3A_166 = tpu.vector_load %arg8[%get3A_164, %get3A_165] {strides = array<i32>} : memref<16x128xi32, #tpu.memory_space<vmem>>, vector<16xi32>,
        %mul3A_167 = arith.constant 4 : i32
        %mul3A_168 = vector.broadcast %mul3A_167 : i32 to vector<16xi32>
        %mul3A_169 = arith.muli %get3A_163, %mul3A_168 : vector<16xi32>
        %add3A_170 = arith.addi %mul3A_169, %get3A_166 : vector<16xi32>
        %swap3A_171 = arith.index_cast %scan3A_110 : i32 to index
        %swap3A_172 = arith.constant 64 : index
        %swap3A_173 = tpu.vector_load %arg9[%swap3A_171, %swap3A_172] {strides = array<i32>} : memref<16x128xi32, #tpu.memory_space<vmem>>, vector<16xi32>,
        tpu.vector_store %arg9[%swap3A_171, %swap3A_172], %add3A_170 {strides = array<i32>} : memref<16x128xi32, #tpu.memory_space<vmem>>, vector<16xi32>,
        %get3A_174 = arith.index_cast %scan3A_110 : i32 to index
        %get3A_175 = arith.constant 80 : index
        %get3A_176 = tpu.vector_load %arg7[%get3A_174, %get3A_175] {strides = array<i32>} : memref<16x128xi32, #tpu.memory_space<vmem>>, vector<16xi32>,
        %get3A_177 = arith.index_cast %scan3A_110 : i32 to index
        %get3A_178 = arith.constant 80 : index
        %get3A_179 = tpu.vector_load %arg8[%get3A_177, %get3A_178] {strides = array<i32>} : memref<16x128xi32, #tpu.memory_space<vmem>>, vector<16xi32>,
        %mul3A_180 = arith.constant 4 : i32
        %mul3A_181 = vector.broadcast %mul3A_180 : i32 to vector<16xi32>
        %mul3A_182 = arith.muli %get3A_176, %mul3A_181 : vector<16xi32>
        %add3A_183 = arith.addi %mul3A_182, %get3A_179 : vector<16xi32>
        %swap3A_184 = arith.index_cast %scan3A_110 : i32 to index
        %swap3A_185 = arith.constant 80 : index
        %swap3A_186 = tpu.vector_load %arg9[%swap3A_184, %swap3A_185] {strides = array<i32>} : memref<16x128xi32, #tpu.memory_space<vmem>>, vector<16xi32>,
        tpu.vector_store %arg9[%swap3A_184, %swap3A_185], %add3A_183 {strides = array<i32>} : memref<16x128xi32, #tpu.memory_space<vmem>>, vector<16xi32>,
        %get3A_187 = arith.index_cast %scan3A_110 : i32 to index
        %get3A_188 = arith.constant 96 : index
        %get3A_189 = tpu.vector_load %arg7[%get3A_187, %get3A_188] {strides = array<i32>} : memref<16x128xi32, #tpu.memory_space<vmem>>, vector<16xi32>,
        %get3A_190 = arith.index_cast %scan3A_110 : i32 to index
        %get3A_191 = arith.constant 96 : index
        %get3A_192 = tpu.vector_load %arg8[%get3A_190, %get3A_191] {strides = array<i32>} : memref<16x128xi32, #tpu.memory_space<vmem>>, vector<16xi32>,
        %mul3A_193 = arith.constant 4 : i32
        %mul3A_194 = vector.broadcast %mul3A_193 : i32 to vector<16xi32>
        %mul3A_195 = arith.muli %get3A_189, %mul3A_194 : vector<16xi32>
        %add3A_196 = arith.addi %mul3A_195, %get3A_192 : vector<16xi32>
        %swap3A_197 = arith.index_cast %scan3A_110 : i32 to index
        %swap3A_198 = arith.constant 96 : index
        %swap3A_199 = tpu.vector_load %arg9[%swap3A_197, %swap3A_198] {strides = array<i32>} : memref<16x128xi32, #tpu.memory_space<vmem>>, vector<16xi32>,
        tpu.vector_store %arg9[%swap3A_197, %swap3A_198], %add3A_196 {strides = array<i32>} : memref<16x128xi32, #tpu.memory_space<vmem>>, vector<16xi32>,
        %get3A_200 = arith.index_cast %scan3A_110 : i32 to index
        %get3A_201 = arith.constant 112 : index
        %get3A_202 = tpu.vector_load %arg7[%get3A_200, %get3A_201] {strides = array<i32>} : memref<16x128xi32, #tpu.memory_space<vmem>>, vector<16xi32>,
        %get3A_203 = arith.index_cast %scan3A_110 : i32 to index
        %get3A_204 = arith.constant 112 : index
        %get3A_205 = tpu.vector_load %arg8[%get3A_203, %get3A_204] {strides = array<i32>} : memref<16x128xi32, #tpu.memory_space<vmem>>, vector<16xi32>,
        %mul3A_206 = arith.constant 4 : i32
        %mul3A_207 = vector.broadcast %mul3A_206 : i32 to vector<16xi32>
        %mul3A_208 = arith.muli %get3A_202, %mul3A_207 : vector<16xi32>
        %add3A_209 = arith.addi %mul3A_208, %get3A_205 : vector<16xi32>
        %swap3A_210 = arith.index_cast %scan3A_110 : i32 to index
        %swap3A_211 = arith.constant 112 : index
        %swap3A_212 = tpu.vector_load %arg9[%swap3A_210, %swap3A_211] {strides = array<i32>} : memref<16x128xi32, #tpu.memory_space<vmem>>, vector<16xi32>,
        tpu.vector_store %arg9[%swap3A_210, %swap3A_211], %add3A_209 {strides = array<i32>} : memref<16x128xi32, #tpu.memory_space<vmem>>, vector<16xi32>,
      }
      %scan3A_92 = arith.constant 16 : i32
      %dma_start3A = arith.constant 0 : i32
      %dma_start3A_93 = arith.constant 0 : i32
      %dma_start3A_94 = tpu.memref_slice %arg9[%dma_start3A, %dma_start3A_93] : memref<16x128xi32, #tpu.memory_space<vmem>> -> memref<1x128xi32, #tpu.memory_space<vmem>>
      %dma_start3A_95 = tpu.memref_squeeze %dma_start3A_94 : memref<1x128xi32, #tpu.memory_space<vmem>> -> memref<128xi32, #tpu.memory_space<vmem>>
      %dma_start3A_96 = arith.constant 0 : i32
      %dma_start3A_97 = tpu.memref_slice %arg17[%dma_start3A_96] : memref<40960xf32, #tpu.memory_space<vmem_shared>> -> memref<40960xf32, #tpu.memory_space<vmem_shared>>
      tpu.enqueue_indirect_dma source(%dma_start3A_97 : memref<40960xf32, #tpu.memory_space<vmem_shared>>) target(%arg12 : memref<128xf32, #tpu.memory_space<vmem>>) offsets(%dma_start3A_95 : memref<128xi32, #tpu.memory_space<vmem>>) semaphore(%arg22 : memref<!tpu.dma_semaphore, #tpu.memory_space<semaphore_mem>>)
      %dma_start3A_98 = arith.constant 0 : i32
      %dma_start3A_99 = arith.constant 0 : i32
      %dma_start3A_100 = tpu.memref_slice %arg10[%dma_start3A_98, %dma_start3A_99] : memref<16x128xi32, #tpu.memory_space<vmem>> -> memref<1x128xi32, #tpu.memory_space<vmem>>
      %dma_start3A_101 = tpu.memref_squeeze %dma_start3A_100 : memref<1x128xi32, #tpu.memory_space<vmem>> -> memref<128xi32, #tpu.memory_space<vmem>>
      %dma_start3A_102 = arith.constant 0 : i32
      %dma_start3A_103 = arith.constant 0 : i32
      %dma_start3A_104 = tpu.memref_slice %arg2[%dma_start3A_102, %dma_start3A_103] : memref<10000x128xf32, #tpu.memory_space<hbm>> -> memref<10000x128xf32, #tpu.memory_space<hbm>>
      tpu.enqueue_indirect_dma source(%dma_start3A_104 : memref<10000x128xf32, #tpu.memory_space<hbm>>) target(%arg15 : memref<128x128xf32, #tpu.memory_space<vmem>>) offsets(%dma_start3A_101 : memref<128xi32, #tpu.memory_space<vmem>>) semaphore(%arg20 : memref<!tpu.dma_semaphore, #tpu.memory_space<semaphore_mem>>)
      %scan3A_105 = arith.constant 0 : i32
      %scan3A_106 = arith.constant 8 : i32
      %scan3A_107 = arith.addi %scan3A_105, %scan3A_106 : i32
      %scan3A_108 = arith.constant 1 : i32
      scf.for %scan3A_110 = %scan3A_105 to %scan3A_107 step %scan3A_108  : i32 {
        %mul3A_111 = arith.constant 2 : i32
        %mul3A_112 = arith.muli %scan3A_110, %mul3A_111 : i32
        %add3A_113 = arith.constant 1 : i32
        %add3A_114 = arith.addi %mul3A_112, %add3A_113 : i32
        %dma_start3A_115 = arith.constant 0 : i32
        %dma_start3A_116 = tpu.memref_slice %arg9[%add3A_114, %dma_start3A_115] : memref<16x128xi32, #tpu.memory_space<vmem>> -> memref<1x128xi32, #tpu.memory_space<vmem>>
        %dma_start3A_117 = tpu.memref_squeeze %dma_start3A_116 : memref<1x128xi32, #tpu.memory_space<vmem>> -> memref<128xi32, #tpu.memory_space<vmem>>
        %dma_start3A_118 = arith.constant 0 : i32
        %dma_start3A_119 = tpu.memref_slice %arg17[%dma_start3A_118] : memref<40960xf32, #tpu.memory_space<vmem_shared>> -> memref<40960xf32, #tpu.memory_space<vmem_shared>>
        tpu.enqueue_indirect_dma source(%dma_start3A_119 : memref<40960xf32, #tpu.memory_space<vmem_shared>>) target(%arg13 : memref<128xf32, #tpu.memory_space<vmem>>) offsets(%dma_start3A_117 : memref<128xi32, #tpu.memory_space<vmem>>) semaphore(%arg23 : memref<!tpu.dma_semaphore, #tpu.memory_space<semaphore_mem>>)
        %dma_start3A_120 = arith.constant 0 : i32
        %dma_start3A_121 = tpu.memref_slice %arg10[%add3A_114, %dma_start3A_120] : memref<16x128xi32, #tpu.memory_space<vmem>> -> memref<1x128xi32, #tpu.memory_space<vmem>>
        %dma_start3A_122 = tpu.memref_squeeze %dma_start3A_121 : memref<1x128xi32, #tpu.memory_space<vmem>> -> memref<128xi32, #tpu.memory_space<vmem>>
        %dma_start3A_123 = arith.constant 0 : i32
        %dma_start3A_124 = arith.constant 0 : i32
        %dma_start3A_125 = tpu.memref_slice %arg2[%dma_start3A_123, %dma_start3A_124] : memref<10000x128xf32, #tpu.memory_space<hbm>> -> memref<10000x128xf32, #tpu.memory_space<hbm>>
        tpu.enqueue_indirect_dma source(%dma_start3A_125 : memref<10000x128xf32, #tpu.memory_space<hbm>>) target(%arg16 : memref<128x128xf32, #tpu.memory_space<vmem>>) offsets(%dma_start3A_122 : memref<128xi32, #tpu.memory_space<vmem>>) semaphore(%arg21 : memref<!tpu.dma_semaphore, #tpu.memory_space<semaphore_mem>>)
        %dma_wait3A = arith.constant 0 : i32
        %dma_wait3A_126 = arith.constant 0 : i32
        %dma_wait3A_127 = tpu.memref_slice %arg2[%dma_wait3A, %dma_wait3A_126] : memref<10000x128xf32, #tpu.memory_space<hbm>> -> memref<128x128xf32, #tpu.memory_space<hbm>>
        %dma_wait3A_128 = arith.constant 0 : i32
        %dma_wait3A_129 = arith.constant 0 : i32
        %dma_wait3A_130 = tpu.memref_slice %arg2[%dma_wait3A_128, %dma_wait3A_129] : memref<10000x128xf32, #tpu.memory_space<hbm>> -> memref<128x128xf32, #tpu.memory_space<hbm>>
        tpu.wait_dma2 semaphore(%arg20 : memref<!tpu.dma_semaphore, #tpu.memory_space<semaphore_mem>>) src(%dma_wait3A_130 : memref<128x128xf32, #tpu.memory_space<hbm>>) dst(%arg15 : memref<128x128xf32, #tpu.memory_space<vmem>>)
        %dma_wait3A_131 = arith.constant 0 : i32
        %dma_wait3A_132 = arith.constant 0 : i32
        %dma_wait3A_133 = tpu.memref_slice %arg2[%dma_wait3A_131, %dma_wait3A_132] : memref<10000x128xf32, #tpu.memory_space<hbm>> -> memref<1x128xf32, #tpu.memory_space<hbm>>
        %dma_wait3A_134 = tpu.memref_squeeze %dma_wait3A_133 : memref<1x128xf32, #tpu.memory_space<hbm>> -> memref<128xf32, #tpu.memory_space<hbm>>
        %dma_wait3A_135 = arith.constant 0 : i32
        %dma_wait3A_136 = tpu.memref_slice %arg2[%dma_wait3A_131, %dma_wait3A_135] : memref<10000x128xf32, #tpu.memory_space<hbm>> -> memref<1x128xf32, #tpu.memory_space<hbm>>
        %dma_wait3A_137 = tpu.memref_squeeze %dma_wait3A_136 : memref<1x128xf32, #tpu.memory_space<hbm>> -> memref<128xf32, #tpu.memory_space<hbm>>
        tpu.wait_dma2 semaphore(%arg22 : memref<!tpu.dma_semaphore, #tpu.memory_space<semaphore_mem>>) src(%dma_wait3A_137 : memref<128xf32, #tpu.memory_space<hbm>>) dst(%arg12 : memref<128xf32, #tpu.memory_space<vmem>>)
        %scan3A_138 = arith.constant 0 : i32
        %scan3A_139 = arith.constant 128 : i32
        %scan3A_140 = arith.addi %scan3A_138, %scan3A_139 : i32
        %scan3A_141 = arith.constant 1 : i32
        scf.for %scan3A_167 = %scan3A_138 to %scan3A_140 step %scan3A_141  : i32 {
          %broadcast_in_dim3A = vector.broadcast %scan3A_167 : i32 to vector<16xi32>
          %gather3A = tpu.vector_load_idx %arg12[%broadcast_in_dim3A] : memref<128xf32, #tpu.memory_space<vmem>>[vector<16xi32>], vector<16xf32>,
          %get3A = arith.index_cast %scan3A_167 : i32 to index
          %get3A_168 = arith.constant 0 : index
          %get3A_169 = tpu.vector_load %arg15[%get3A, %get3A_168] {strides = array<i32>} : memref<128x128xf32, #tpu.memory_space<vmem>>, vector<16xf32>,
          %mul3A_170 = arith.mulf %get3A_169, %gather3A : vector<16xf32>
          %swap3A = arith.index_cast %scan3A_167 : i32 to index
          %swap3A_171 = arith.constant 0 : index
          %swap3A_172 = tpu.vector_load %arg15[%swap3A, %swap3A_171] {strides = array<i32>} : memref<128x128xf32, #tpu.memory_space<vmem>>, vector<16xf32>,
          tpu.vector_store %arg15[%swap3A, %swap3A_171], %mul3A_170 {strides = array<i32>} : memref<128x128xf32, #tpu.memory_space<vmem>>, vector<16xf32>,
          %get3A_173 = arith.index_cast %scan3A_167 : i32 to index
          %get3A_174 = arith.constant 16 : index
          %get3A_175 = tpu.vector_load %arg15[%get3A_173, %get3A_174] {strides = array<i32>} : memref<128x128xf32, #tpu.memory_space<vmem>>, vector<16xf32>,
          %mul3A_176 = arith.mulf %get3A_175, %gather3A : vector<16xf32>
          %swap3A_177 = arith.index_cast %scan3A_167 : i32 to index
          %swap3A_178 = arith.constant 16 : index
          %swap3A_179 = tpu.vector_load %arg15[%swap3A_177, %swap3A_178] {strides = array<i32>} : memref<128x128xf32, #tpu.memory_space<vmem>>, vector<16xf32>,
          tpu.vector_store %arg15[%swap3A_177, %swap3A_178], %mul3A_176 {strides = array<i32>} : memref<128x128xf32, #tpu.memory_space<vmem>>, vector<16xf32>,
          %get3A_180 = arith.index_cast %scan3A_167 : i32 to index
          %get3A_181 = arith.constant 32 : index
          %get3A_182 = tpu.vector_load %arg15[%get3A_180, %get3A_181] {strides = array<i32>} : memref<128x128xf32, #tpu.memory_space<vmem>>, vector<16xf32>,
          %mul3A_183 = arith.mulf %get3A_182, %gather3A : vector<16xf32>
          %swap3A_184 = arith.index_cast %scan3A_167 : i32 to index
          %swap3A_185 = arith.constant 32 : index
          %swap3A_186 = tpu.vector_load %arg15[%swap3A_184, %swap3A_185] {strides = array<i32>} : memref<128x128xf32, #tpu.memory_space<vmem>>, vector<16xf32>,
          tpu.vector_store %arg15[%swap3A_184, %swap3A_185], %mul3A_183 {strides = array<i32>} : memref<128x128xf32, #tpu.memory_space<vmem>>, vector<16xf32>,
          %get3A_187 = arith.index_cast %scan3A_167 : i32 to index
          %get3A_188 = arith.constant 48 : index
          %get3A_189 = tpu.vector_load %arg15[%get3A_187, %get3A_188] {strides = array<i32>} : memref<128x128xf32, #tpu.memory_space<vmem>>, vector<16xf32>,
          %mul3A_190 = arith.mulf %get3A_189, %gather3A : vector<16xf32>
          %swap3A_191 = arith.index_cast %scan3A_167 : i32 to index
          %swap3A_192 = arith.constant 48 : index
          %swap3A_193 = tpu.vector_load %arg15[%swap3A_191, %swap3A_192] {strides = array<i32>} : memref<128x128xf32, #tpu.memory_space<vmem>>, vector<16xf32>,
          tpu.vector_store %arg15[%swap3A_191, %swap3A_192], %mul3A_190 {strides = array<i32>} : memref<128x128xf32, #tpu.memory_space<vmem>>, vector<16xf32>,
          %get3A_194 = arith.index_cast %scan3A_167 : i32 to index
          %get3A_195 = arith.constant 64 : index
          %get3A_196 = tpu.vector_load %arg15[%get3A_194, %get3A_195] {strides = array<i32>} : memref<128x128xf32, #tpu.memory_space<vmem>>, vector<16xf32>,
          %mul3A_197 = arith.mulf %get3A_196, %gather3A : vector<16xf32>
          %swap3A_198 = arith.index_cast %scan3A_167 : i32 to index
          %swap3A_199 = arith.constant 64 : index
          %swap3A_200 = tpu.vector_load %arg15[%swap3A_198, %swap3A_199] {strides = array<i32>} : memref<128x128xf32, #tpu.memory_space<vmem>>, vector<16xf32>,
          tpu.vector_store %arg15[%swap3A_198, %swap3A_199], %mul3A_197 {strides = array<i32>} : memref<128x128xf32, #tpu.memory_space<vmem>>, vector<16xf32>,
          %get3A_201 = arith.index_cast %scan3A_167 : i32 to index
          %get3A_202 = arith.constant 80 : index
          %get3A_203 = tpu.vector_load %arg15[%get3A_201, %get3A_202] {strides = array<i32>} : memref<128x128xf32, #tpu.memory_space<vmem>>, vector<16xf32>,
          %mul3A_204 = arith.mulf %get3A_203, %gather3A : vector<16xf32>
          %swap3A_205 = arith.index_cast %scan3A_167 : i32 to index
          %swap3A_206 = arith.constant 80 : index
          %swap3A_207 = tpu.vector_load %arg15[%swap3A_205, %swap3A_206] {strides = array<i32>} : memref<128x128xf32, #tpu.memory_space<vmem>>, vector<16xf32>,
          tpu.vector_store %arg15[%swap3A_205, %swap3A_206], %mul3A_204 {strides = array<i32>} : memref<128x128xf32, #tpu.memory_space<vmem>>, vector<16xf32>,
          %get3A_208 = arith.index_cast %scan3A_167 : i32 to index
          %get3A_209 = arith.constant 96 : index
          %get3A_210 = tpu.vector_load %arg15[%get3A_208, %get3A_209] {strides = array<i32>} : memref<128x128xf32, #tpu.memory_space<vmem>>, vector<16xf32>,
          %mul3A_211 = arith.mulf %get3A_210, %gather3A : vector<16xf32>
          %swap3A_212 = arith.index_cast %scan3A_167 : i32 to index
          %swap3A_213 = arith.constant 96 : index
          %swap3A_214 = tpu.vector_load %arg15[%swap3A_212, %swap3A_213] {strides = array<i32>} : memref<128x128xf32, #tpu.memory_space<vmem>>, vector<16xf32>,
          tpu.vector_store %arg15[%swap3A_212, %swap3A_213], %mul3A_211 {strides = array<i32>} : memref<128x128xf32, #tpu.memory_space<vmem>>, vector<16xf32>,
          %get3A_215 = arith.index_cast %scan3A_167 : i32 to index
          %get3A_216 = arith.constant 112 : index
          %get3A_217 = tpu.vector_load %arg15[%get3A_215, %get3A_216] {strides = array<i32>} : memref<128x128xf32, #tpu.memory_space<vmem>>, vector<16xf32>,
          %mul3A_218 = arith.mulf %get3A_217, %gather3A : vector<16xf32>
          %swap3A_219 = arith.index_cast %scan3A_167 : i32 to index
          %swap3A_220 = arith.constant 112 : index
          %swap3A_221 = tpu.vector_load %arg15[%swap3A_219, %swap3A_220] {strides = array<i32>} : memref<128x128xf32, #tpu.memory_space<vmem>>, vector<16xf32>,
          tpu.vector_store %arg15[%swap3A_219, %swap3A_220], %mul3A_218 {strides = array<i32>} : memref<128x128xf32, #tpu.memory_space<vmem>>, vector<16xf32>,
        }
        %scan3A_142 = arith.constant 128 : i32
        "tpu.region"() ({
          %run_scoped3A = tpu.sem_alloc : memref<!tpu.dma_semaphore, #tpu.memory_space<semaphore_mem>>
          %dma_start3A_167 = arith.constant 0 : i32
          %dma_start3A_168 = tpu.memref_slice %arg7[%mul3A_112, %dma_start3A_167] : memref<16x128xi32, #tpu.memory_space<vmem>> -> memref<1x128xi32, #tpu.memory_space<vmem>>
          %dma_start3A_169 = tpu.memref_squeeze %dma_start3A_168 : memref<1x128xi32, #tpu.memory_space<vmem>> -> memref<128xi32, #tpu.memory_space<vmem>>
          %dma_start3A_170 = arith.constant 0 : i32
          %dma_start3A_171 = arith.constant 0 : i32
          %dma_start3A_172 = tpu.memref_slice %arg18[%dma_start3A_170, %dma_start3A_171] : memref<10240x128xf32, #tpu.memory_space<vmem_shared>> -> memref<10240x128xf32, #tpu.memory_space<vmem_shared>>
          tpu.enqueue_indirect_dma source(%arg15 : memref<128x128xf32, #tpu.memory_space<vmem>>) target(%dma_start3A_172 : memref<10240x128xf32, #tpu.memory_space<vmem_shared>>) offsets(%dma_start3A_169 : memref<128xi32, #tpu.memory_space<vmem>>) semaphore(%run_scoped3A : memref<!tpu.dma_semaphore, #tpu.memory_space<semaphore_mem>>) {add = true}
          %dma_wait3A_173 = arith.constant 0 : i32
          %dma_wait3A_174 = tpu.memref_slice %arg7[%mul3A_112, %dma_wait3A_173] : memref<16x128xi32, #tpu.memory_space<vmem>> -> memref<1x128xi32, #tpu.memory_space<vmem>>
          %dma_wait3A_175 = tpu.memref_squeeze %dma_wait3A_174 : memref<1x128xi32, #tpu.memory_space<vmem>> -> memref<128xi32, #tpu.memory_space<vmem>>
          %dma_wait3A_176 = arith.constant 0 : i32
          %dma_wait3A_177 = arith.constant 0 : i32
          %dma_wait3A_178 = tpu.memref_slice %arg18[%dma_wait3A_176, %dma_wait3A_177] : memref<10240x128xf32, #tpu.memory_space<vmem_shared>> -> memref<10240x128xf32, #tpu.memory_space<vmem_shared>>
          tpu.wait_indirect_dma semaphore(%run_scoped3A : memref<!tpu.dma_semaphore, #tpu.memory_space<semaphore_mem>>) src(%arg15 : memref<128x128xf32, #tpu.memory_space<vmem>>) dst(%dma_wait3A_178 : memref<10240x128xf32, #tpu.memory_space<vmem_shared>>)
          tpu.yield
        }) : () -> ()
        %add3A_143 = arith.constant 2 : i32
        %add3A_144 = arith.addi %mul3A_112, %add3A_143 : i32
        %lt3A = arith.constant 16 : i32
        %lt3A_145 = arith.cmpi slt, %add3A_144, %lt3A : i32
        %convert_element_type3A = arith.extui %lt3A_145 : i1 to i32
        %cond3A = arith.constant 0 : i32
        %cond3A_146 = arith.cmpi ne, %convert_element_type3A, %cond3A : i32
        scf.if %cond3A_146 {
          %add3A_167 = arith.constant 2 : i32
          %add3A_168 = arith.addi %mul3A_112, %add3A_167 : i32
          %dma_start3A_169 = arith.constant 0 : i32
          %dma_start3A_170 = tpu.memref_slice %arg9[%add3A_168, %dma_start3A_169] : memref<16x128xi32, #tpu.memory_space<vmem>> -> memref<1x128xi32, #tpu.memory_space<vmem>>
          %dma_start3A_171 = tpu.memref_squeeze %dma_start3A_170 : memref<1x128xi32, #tpu.memory_space<vmem>> -> memref<128xi32, #tpu.memory_space<vmem>>
          %dma_start3A_172 = arith.constant 0 : i32
          %dma_start3A_173 = tpu.memref_slice %arg17[%dma_start3A_172] : memref<40960xf32, #tpu.memory_space<vmem_shared>> -> memref<40960xf32, #tpu.memory_space<vmem_shared>>
          tpu.enqueue_indirect_dma source(%dma_start3A_173 : memref<40960xf32, #tpu.memory_space<vmem_shared>>) target(%arg12 : memref<128xf32, #tpu.memory_space<vmem>>) offsets(%dma_start3A_171 : memref<128xi32, #tpu.memory_space<vmem>>) semaphore(%arg22 : memref<!tpu.dma_semaphore, #tpu.memory_space<semaphore_mem>>)
          %dma_start3A_174 = arith.constant 0 : i32
          %dma_start3A_175 = tpu.memref_slice %arg10[%add3A_168, %dma_start3A_174] : memref<16x128xi32, #tpu.memory_space<vmem>> -> memref<1x128xi32, #tpu.memory_space<vmem>>
          %dma_start3A_176 = tpu.memref_squeeze %dma_start3A_175 : memref<1x128xi32, #tpu.memory_space<vmem>> -> memref<128xi32, #tpu.memory_space<vmem>>
          %dma_start3A_177 = arith.constant 0 : i32
          %dma_start3A_178 = arith.constant 0 : i32
          %dma_start3A_179 = tpu.memref_slice %arg2[%dma_start3A_177, %dma_start3A_178] : memref<10000x128xf32, #tpu.memory_space<hbm>> -> memref<10000x128xf32, #tpu.memory_space<hbm>>
          tpu.enqueue_indirect_dma source(%dma_start3A_179 : memref<10000x128xf32, #tpu.memory_space<hbm>>) target(%arg15 : memref<128x128xf32, #tpu.memory_space<vmem>>) offsets(%dma_start3A_176 : memref<128xi32, #tpu.memory_space<vmem>>) semaphore(%arg20 : memref<!tpu.dma_semaphore, #tpu.memory_space<semaphore_mem>>)
        } else {
        }
        %dma_wait3A_147 = arith.constant 0 : i32
        %dma_wait3A_148 = arith.constant 0 : i32
        %dma_wait3A_149 = tpu.memref_slice %arg2[%dma_wait3A_147, %dma_wait3A_148] : memref<10000x128xf32, #tpu.memory_space<hbm>> -> memref<128x128xf32, #tpu.memory_space<hbm>>
        %dma_wait3A_150 = arith.constant 0 : i32
        %dma_wait3A_151 = arith.constant 0 : i32
        %dma_wait3A_152 = tpu.memref_slice %arg2[%dma_wait3A_150, %dma_wait3A_151] : memref<10000x128xf32, #tpu.memory_space<hbm>> -> memref<128x128xf32, #tpu.memory_space<hbm>>
        tpu.wait_dma2 semaphore(%arg21 : memref<!tpu.dma_semaphore, #tpu.memory_space<semaphore_mem>>) src(%dma_wait3A_152 : memref<128x128xf32, #tpu.memory_space<hbm>>) dst(%arg16 : memref<128x128xf32, #tpu.memory_space<vmem>>)
        %dma_wait3A_153 = arith.constant 0 : i32
        %dma_wait3A_154 = arith.constant 0 : i32
        %dma_wait3A_155 = tpu.memref_slice %arg2[%dma_wait3A_153, %dma_wait3A_154] : memref<10000x128xf32, #tpu.memory_space<hbm>> -> memref<1x128xf32, #tpu.memory_space<hbm>>
        %dma_wait3A_156 = tpu.memref_squeeze %dma_wait3A_155 : memref<1x128xf32, #tpu.memory_space<hbm>> -> memref<128xf32, #tpu.memory_space<hbm>>
        %dma_wait3A_157 = arith.constant 0 : i32
        %dma_wait3A_158 = tpu.memref_slice %arg2[%dma_wait3A_153, %dma_wait3A_157] : memref<10000x128xf32, #tpu.memory_space<hbm>> -> memref<1x128xf32, #tpu.memory_space<hbm>>
        %dma_wait3A_159 = tpu.memref_squeeze %dma_wait3A_158 : memref<1x128xf32, #tpu.memory_space<hbm>> -> memref<128xf32, #tpu.memory_space<hbm>>
        tpu.wait_dma2 semaphore(%arg23 : memref<!tpu.dma_semaphore, #tpu.memory_space<semaphore_mem>>) src(%dma_wait3A_159 : memref<128xf32, #tpu.memory_space<hbm>>) dst(%arg13 : memref<128xf32, #tpu.memory_space<vmem>>)
        %add3A_160 = arith.constant 1 : i32
        %add3A_161 = arith.addi %mul3A_112, %add3A_160 : i32
        %scan3A_162 = arith.constant 0 : i32
        %scan3A_163 = arith.constant 128 : i32
        %scan3A_164 = arith.addi %scan3A_162, %scan3A_163 : i32
        %scan3A_165 = arith.constant 1 : i32
        scf.for %scan3A_167 = %scan3A_162 to %scan3A_164 step %scan3A_165  : i32 {
          %broadcast_in_dim3A = vector.broadcast %scan3A_167 : i32 to vector<16xi32>
          %gather3A = tpu.vector_load_idx %arg13[%broadcast_in_dim3A] : memref<128xf32, #tpu.memory_space<vmem>>[vector<16xi32>], vector<16xf32>,
          %get3A = arith.index_cast %scan3A_167 : i32 to index
          %get3A_168 = arith.constant 0 : index
          %get3A_169 = tpu.vector_load %arg16[%get3A, %get3A_168] {strides = array<i32>} : memref<128x128xf32, #tpu.memory_space<vmem>>, vector<16xf32>,
          %mul3A_170 = arith.mulf %get3A_169, %gather3A : vector<16xf32>
          %swap3A = arith.index_cast %scan3A_167 : i32 to index
          %swap3A_171 = arith.constant 0 : index
          %swap3A_172 = tpu.vector_load %arg16[%swap3A, %swap3A_171] {strides = array<i32>} : memref<128x128xf32, #tpu.memory_space<vmem>>, vector<16xf32>,
          tpu.vector_store %arg16[%swap3A, %swap3A_171], %mul3A_170 {strides = array<i32>} : memref<128x128xf32, #tpu.memory_space<vmem>>, vector<16xf32>,
          %get3A_173 = arith.index_cast %scan3A_167 : i32 to index
          %get3A_174 = arith.constant 16 : index
          %get3A_175 = tpu.vector_load %arg16[%get3A_173, %get3A_174] {strides = array<i32>} : memref<128x128xf32, #tpu.memory_space<vmem>>, vector<16xf32>,
          %mul3A_176 = arith.mulf %get3A_175, %gather3A : vector<16xf32>
          %swap3A_177 = arith.index_cast %scan3A_167 : i32 to index
          %swap3A_178 = arith.constant 16 : index
          %swap3A_179 = tpu.vector_load %arg16[%swap3A_177, %swap3A_178] {strides = array<i32>} : memref<128x128xf32, #tpu.memory_space<vmem>>, vector<16xf32>,
          tpu.vector_store %arg16[%swap3A_177, %swap3A_178], %mul3A_176 {strides = array<i32>} : memref<128x128xf32, #tpu.memory_space<vmem>>, vector<16xf32>,
          %get3A_180 = arith.index_cast %scan3A_167 : i32 to index
          %get3A_181 = arith.constant 32 : index
          %get3A_182 = tpu.vector_load %arg16[%get3A_180, %get3A_181] {strides = array<i32>} : memref<128x128xf32, #tpu.memory_space<vmem>>, vector<16xf32>,
          %mul3A_183 = arith.mulf %get3A_182, %gather3A : vector<16xf32>
          %swap3A_184 = arith.index_cast %scan3A_167 : i32 to index
          %swap3A_185 = arith.constant 32 : index
          %swap3A_186 = tpu.vector_load %arg16[%swap3A_184, %swap3A_185] {strides = array<i32>} : memref<128x128xf32, #tpu.memory_space<vmem>>, vector<16xf32>,
          tpu.vector_store %arg16[%swap3A_184, %swap3A_185], %mul3A_183 {strides = array<i32>} : memref<128x128xf32, #tpu.memory_space<vmem>>, vector<16xf32>,
          %get3A_187 = arith.index_cast %scan3A_167 : i32 to index
          %get3A_188 = arith.constant 48 : index
          %get3A_189 = tpu.vector_load %arg16[%get3A_187, %get3A_188] {strides = array<i32>} : memref<128x128xf32, #tpu.memory_space<vmem>>, vector<16xf32>,
          %mul3A_190 = arith.mulf %get3A_189, %gather3A : vector<16xf32>
          %swap3A_191 = arith.index_cast %scan3A_167 : i32 to index
          %swap3A_192 = arith.constant 48 : index
          %swap3A_193 = tpu.vector_load %arg16[%swap3A_191, %swap3A_192] {strides = array<i32>} : memref<128x128xf32, #tpu.memory_space<vmem>>, vector<16xf32>,
          tpu.vector_store %arg16[%swap3A_191, %swap3A_192], %mul3A_190 {strides = array<i32>} : memref<128x128xf32, #tpu.memory_space<vmem>>, vector<16xf32>,
          %get3A_194 = arith.index_cast %scan3A_167 : i32 to index
          %get3A_195 = arith.constant 64 : index
          %get3A_196 = tpu.vector_load %arg16[%get3A_194, %get3A_195] {strides = array<i32>} : memref<128x128xf32, #tpu.memory_space<vmem>>, vector<16xf32>,
          %mul3A_197 = arith.mulf %get3A_196, %gather3A : vector<16xf32>
          %swap3A_198 = arith.index_cast %scan3A_167 : i32 to index
          %swap3A_199 = arith.constant 64 : index
          %swap3A_200 = tpu.vector_load %arg16[%swap3A_198, %swap3A_199] {strides = array<i32>} : memref<128x128xf32, #tpu.memory_space<vmem>>, vector<16xf32>,
          tpu.vector_store %arg16[%swap3A_198, %swap3A_199], %mul3A_197 {strides = array<i32>} : memref<128x128xf32, #tpu.memory_space<vmem>>, vector<16xf32>,
          %get3A_201 = arith.index_cast %scan3A_167 : i32 to index
          %get3A_202 = arith.constant 80 : index
          %get3A_203 = tpu.vector_load %arg16[%get3A_201, %get3A_202] {strides = array<i32>} : memref<128x128xf32, #tpu.memory_space<vmem>>, vector<16xf32>,
          %mul3A_204 = arith.mulf %get3A_203, %gather3A : vector<16xf32>
          %swap3A_205 = arith.index_cast %scan3A_167 : i32 to index
          %swap3A_206 = arith.constant 80 : index
          %swap3A_207 = tpu.vector_load %arg16[%swap3A_205, %swap3A_206] {strides = array<i32>} : memref<128x128xf32, #tpu.memory_space<vmem>>, vector<16xf32>,
          tpu.vector_store %arg16[%swap3A_205, %swap3A_206], %mul3A_204 {strides = array<i32>} : memref<128x128xf32, #tpu.memory_space<vmem>>, vector<16xf32>,
          %get3A_208 = arith.index_cast %scan3A_167 : i32 to index
          %get3A_209 = arith.constant 96 : index
          %get3A_210 = tpu.vector_load %arg16[%get3A_208, %get3A_209] {strides = array<i32>} : memref<128x128xf32, #tpu.memory_space<vmem>>, vector<16xf32>,
          %mul3A_211 = arith.mulf %get3A_210, %gather3A : vector<16xf32>
          %swap3A_212 = arith.index_cast %scan3A_167 : i32 to index
          %swap3A_213 = arith.constant 96 : index
          %swap3A_214 = tpu.vector_load %arg16[%swap3A_212, %swap3A_213] {strides = array<i32>} : memref<128x128xf32, #tpu.memory_space<vmem>>, vector<16xf32>,
          tpu.vector_store %arg16[%swap3A_212, %swap3A_213], %mul3A_211 {strides = array<i32>} : memref<128x128xf32, #tpu.memory_space<vmem>>, vector<16xf32>,
          %get3A_215 = arith.index_cast %scan3A_167 : i32 to index
          %get3A_216 = arith.constant 112 : index
          %get3A_217 = tpu.vector_load %arg16[%get3A_215, %get3A_216] {strides = array<i32>} : memref<128x128xf32, #tpu.memory_space<vmem>>, vector<16xf32>,
          %mul3A_218 = arith.mulf %get3A_217, %gather3A : vector<16xf32>
          %swap3A_219 = arith.index_cast %scan3A_167 : i32 to index
          %swap3A_220 = arith.constant 112 : index
          %swap3A_221 = tpu.vector_load %arg16[%swap3A_219, %swap3A_220] {strides = array<i32>} : memref<128x128xf32, #tpu.memory_space<vmem>>, vector<16xf32>,
          tpu.vector_store %arg16[%swap3A_219, %swap3A_220], %mul3A_218 {strides = array<i32>} : memref<128x128xf32, #tpu.memory_space<vmem>>, vector<16xf32>,
        }
        %scan3A_166 = arith.constant 128 : i32
        "tpu.region"() ({
          %run_scoped3A = tpu.sem_alloc : memref<!tpu.dma_semaphore, #tpu.memory_space<semaphore_mem>>
          %dma_start3A_167 = arith.constant 0 : i32
          %dma_start3A_168 = tpu.memref_slice %arg7[%add3A_161, %dma_start3A_167] : memref<16x128xi32, #tpu.memory_space<vmem>> -> memref<1x128xi32, #tpu.memory_space<vmem>>
          %dma_start3A_169 = tpu.memref_squeeze %dma_start3A_168 : memref<1x128xi32, #tpu.memory_space<vmem>> -> memref<128xi32, #tpu.memory_space<vmem>>
          %dma_start3A_170 = arith.constant 0 : i32
          %dma_start3A_171 = arith.constant 0 : i32
          %dma_start3A_172 = tpu.memref_slice %arg18[%dma_start3A_170, %dma_start3A_171] : memref<10240x128xf32, #tpu.memory_space<vmem_shared>> -> memref<10240x128xf32, #tpu.memory_space<vmem_shared>>
          tpu.enqueue_indirect_dma source(%arg16 : memref<128x128xf32, #tpu.memory_space<vmem>>) target(%dma_start3A_172 : memref<10240x128xf32, #tpu.memory_space<vmem_shared>>) offsets(%dma_start3A_169 : memref<128xi32, #tpu.memory_space<vmem>>) semaphore(%run_scoped3A : memref<!tpu.dma_semaphore, #tpu.memory_space<semaphore_mem>>) {add = true}
          %dma_wait3A_173 = arith.constant 0 : i32
          %dma_wait3A_174 = tpu.memref_slice %arg7[%add3A_161, %dma_wait3A_173] : memref<16x128xi32, #tpu.memory_space<vmem>> -> memref<1x128xi32, #tpu.memory_space<vmem>>
          %dma_wait3A_175 = tpu.memref_squeeze %dma_wait3A_174 : memref<1x128xi32, #tpu.memory_space<vmem>> -> memref<128xi32, #tpu.memory_space<vmem>>
          %dma_wait3A_176 = arith.constant 0 : i32
          %dma_wait3A_177 = arith.constant 0 : i32
          %dma_wait3A_178 = tpu.memref_slice %arg18[%dma_wait3A_176, %dma_wait3A_177] : memref<10240x128xf32, #tpu.memory_space<vmem_shared>> -> memref<10240x128xf32, #tpu.memory_space<vmem_shared>>
          tpu.wait_indirect_dma semaphore(%run_scoped3A : memref<!tpu.dma_semaphore, #tpu.memory_space<semaphore_mem>>) src(%arg16 : memref<128x128xf32, #tpu.memory_space<vmem>>) dst(%dma_wait3A_178 : memref<10240x128xf32, #tpu.memory_space<vmem_shared>>)
          tpu.yield
        }) : () -> ()
      }
      %scan3A_109 = arith.constant 8 : i32
    }
    %while3A_60 = arith.constant 1 : i32
    scf.for %while3A_84 = %while3A_58 to %while3A_54 step %while3A_60  : i32 {
      %mul3A_85 = arith.constant 16 : i32
      %mul3A_86 = arith.muli %while3A_84, %mul3A_85 : i32
      %add3A_87 = arith.addi %select_n3A, %mul3A_86 : i32
      "tpu.region"() ({
        %run_scoped3A = tpu.sem_alloc : memref<!tpu.dma_semaphore, #tpu.memory_space<semaphore_mem>>
        %dma_start3A_110 = arith.constant 0 : i32
        %dma_start3A_111 = tpu.memref_slice %arg3[%add3A_87, %dma_start3A_110] : memref<2560x128xi32, #tpu.memory_space<hbm>> -> memref<16x128xi32, #tpu.memory_space<hbm>>
        %dma_start3A_112 = arith.constant 0 : i32
        %dma_start3A_113 = tpu.memref_slice %arg3[%add3A_87, %dma_start3A_112] : memref<2560x128xi32, #tpu.memory_space<hbm>> -> memref<16x128xi32, #tpu.memory_space<hbm>>
        tpu.enqueue_dma source(%dma_start3A_113 : memref<16x128xi32, #tpu.memory_space<hbm>>) target(%arg10 : memref<16x128xi32, #tpu.memory_space<vmem>>) target_semaphore(%run_scoped3A : memref<!tpu.dma_semaphore, #tpu.memory_space<semaphore_mem>>)
        %dma_wait3A = arith.constant 0 : i32
        %dma_wait3A_114 = tpu.memref_slice %arg3[%add3A_87, %dma_wait3A] : memref<2560x128xi32, #tpu.memory_space<hbm>> -> memref<16x128xi32, #tpu.memory_space<hbm>>
        %dma_wait3A_115 = arith.constant 0 : i32
        %dma_wait3A_116 = tpu.memref_slice %arg3[%add3A_87, %dma_wait3A_115] : memref<2560x128xi32, #tpu.memory_space<hbm>> -> memref<16x128xi32, #tpu.memory_space<hbm>>
        tpu.wait_dma2 semaphore(%run_scoped3A : memref<!tpu.dma_semaphore, #tpu.memory_space<semaphore_mem>>) src(%dma_wait3A_116 : memref<16x128xi32, #tpu.memory_space<hbm>>) dst(%arg10 : memref<16x128xi32, #tpu.memory_space<vmem>>)
        tpu.yield
      }) : () -> ()
      "tpu.region"() ({
        %run_scoped3A = tpu.sem_alloc : memref<!tpu.dma_semaphore, #tpu.memory_space<semaphore_mem>>
        %dma_start3A_110 = arith.constant 0 : i32
        %dma_start3A_111 = tpu.memref_slice %arg4[%add3A_87, %dma_start3A_110] : memref<2560x128xi32, #tpu.memory_space<hbm>> -> memref<16x128xi32, #tpu.memory_space<hbm>>
        %dma_start3A_112 = arith.constant 0 : i32
        %dma_start3A_113 = tpu.memref_slice %arg4[%add3A_87, %dma_start3A_112] : memref<2560x128xi32, #tpu.memory_space<hbm>> -> memref<16x128xi32, #tpu.memory_space<hbm>>
        tpu.enqueue_dma source(%dma_start3A_113 : memref<16x128xi32, #tpu.memory_space<hbm>>) target(%arg7 : memref<16x128xi32, #tpu.memory_space<vmem>>) target_semaphore(%run_scoped3A : memref<!tpu.dma_semaphore, #tpu.memory_space<semaphore_mem>>)
        %dma_wait3A = arith.constant 0 : i32
        %dma_wait3A_114 = tpu.memref_slice %arg4[%add3A_87, %dma_wait3A] : memref<2560x128xi32, #tpu.memory_space<hbm>> -> memref<16x128xi32, #tpu.memory_space<hbm>>
        %dma_wait3A_115 = arith.constant 0 : i32
        %dma_wait3A_116 = tpu.memref_slice %arg4[%add3A_87, %dma_wait3A_115] : memref<2560x128xi32, #tpu.memory_space<hbm>> -> memref<16x128xi32, #tpu.memory_space<hbm>>
        tpu.wait_dma2 semaphore(%run_scoped3A : memref<!tpu.dma_semaphore, #tpu.memory_space<semaphore_mem>>) src(%dma_wait3A_116 : memref<16x128xi32, #tpu.memory_space<hbm>>) dst(%arg7 : memref<16x128xi32, #tpu.memory_space<vmem>>)
        tpu.yield
      }) : () -> ()
      "tpu.region"() ({
        %run_scoped3A = tpu.sem_alloc : memref<!tpu.dma_semaphore, #tpu.memory_space<semaphore_mem>>
        %dma_start3A_110 = arith.constant 0 : i32
        %dma_start3A_111 = tpu.memref_slice %arg5[%add3A_87, %dma_start3A_110] : memref<2560x128xi32, #tpu.memory_space<hbm>> -> memref<16x128xi32, #tpu.memory_space<hbm>>
        %dma_start3A_112 = arith.constant 0 : i32
        %dma_start3A_113 = tpu.memref_slice %arg5[%add3A_87, %dma_start3A_112] : memref<2560x128xi32, #tpu.memory_space<hbm>> -> memref<16x128xi32, #tpu.memory_space<hbm>>
        tpu.enqueue_dma source(%dma_start3A_113 : memref<16x128xi32, #tpu.memory_space<hbm>>) target(%arg8 : memref<16x128xi32, #tpu.memory_space<vmem>>) target_semaphore(%run_scoped3A : memref<!tpu.dma_semaphore, #tpu.memory_space<semaphore_mem>>)
        %dma_wait3A = arith.constant 0 : i32
        %dma_wait3A_114 = tpu.memref_slice %arg5[%add3A_87, %dma_wait3A] : memref<2560x128xi32, #tpu.memory_space<hbm>> -> memref<16x128xi32, #tpu.memory_space<hbm>>
        %dma_wait3A_115 = arith.constant 0 : i32
        %dma_wait3A_116 = tpu.memref_slice %arg5[%add3A_87, %dma_wait3A_115] : memref<2560x128xi32, #tpu.memory_space<hbm>> -> memref<16x128xi32, #tpu.memory_space<hbm>>
        tpu.wait_dma2 semaphore(%run_scoped3A : memref<!tpu.dma_semaphore, #tpu.memory_space<semaphore_mem>>) src(%dma_wait3A_116 : memref<16x128xi32, #tpu.memory_space<hbm>>) dst(%arg8 : memref<16x128xi32, #tpu.memory_space<vmem>>)
        tpu.yield
      }) : () -> ()
      %scan3A_88 = arith.constant 0 : i32
      %scan3A_89 = arith.constant 16 : i32
      %scan3A_90 = arith.addi %scan3A_88, %scan3A_89 : i32
      %scan3A_91 = arith.constant 1 : i32
      scf.for %scan3A_110 = %scan3A_88 to %scan3A_90 step %scan3A_91  : i32 {
        %get3A = arith.index_cast %scan3A_110 : i32 to index
        %get3A_111 = arith.constant 0 : index
        %get3A_112 = tpu.vector_load %arg7[%get3A, %get3A_111] {strides = array<i32>} : memref<16x128xi32, #tpu.memory_space<vmem>>, vector<16xi32>,
        %get3A_113 = arith.index_cast %scan3A_110 : i32 to index
        %get3A_114 = arith.constant 0 : index
        %get3A_115 = tpu.vector_load %arg8[%get3A_113, %get3A_114] {strides = array<i32>} : memref<16x128xi32, #tpu.memory_space<vmem>>, vector<16xi32>,
        %mul3A_116 = arith.constant 4 : i32
        %mul3A_117 = vector.broadcast %mul3A_116 : i32 to vector<16xi32>
        %mul3A_118 = arith.muli %get3A_112, %mul3A_117 : vector<16xi32>
        %add3A_119 = arith.addi %mul3A_118, %get3A_115 : vector<16xi32>
        %swap3A = arith.index_cast %scan3A_110 : i32 to index
        %swap3A_120 = arith.constant 0 : index
        %swap3A_121 = tpu.vector_load %arg9[%swap3A, %swap3A_120] {strides = array<i32>} : memref<16x128xi32, #tpu.memory_space<vmem>>, vector<16xi32>,
        tpu.vector_store %arg9[%swap3A, %swap3A_120], %add3A_119 {strides = array<i32>} : memref<16x128xi32, #tpu.memory_space<vmem>>, vector<16xi32>,
        %get3A_122 = arith.index_cast %scan3A_110 : i32 to index
        %get3A_123 = arith.constant 16 : index
        %get3A_124 = tpu.vector_load %arg7[%get3A_122, %get3A_123] {strides = array<i32>} : memref<16x128xi32, #tpu.memory_space<vmem>>, vector<16xi32>,
        %get3A_125 = arith.index_cast %scan3A_110 : i32 to index
        %get3A_126 = arith.constant 16 : index
        %get3A_127 = tpu.vector_load %arg8[%get3A_125, %get3A_126] {strides = array<i32>} : memref<16x128xi32, #tpu.memory_space<vmem>>, vector<16xi32>,
        %mul3A_128 = arith.constant 4 : i32
        %mul3A_129 = vector.broadcast %mul3A_128 : i32 to vector<16xi32>
        %mul3A_130 = arith.muli %get3A_124, %mul3A_129 : vector<16xi32>
        %add3A_131 = arith.addi %mul3A_130, %get3A_127 : vector<16xi32>
        %swap3A_132 = arith.index_cast %scan3A_110 : i32 to index
        %swap3A_133 = arith.constant 16 : index
        %swap3A_134 = tpu.vector_load %arg9[%swap3A_132, %swap3A_133] {strides = array<i32>} : memref<16x128xi32, #tpu.memory_space<vmem>>, vector<16xi32>,
        tpu.vector_store %arg9[%swap3A_132, %swap3A_133], %add3A_131 {strides = array<i32>} : memref<16x128xi32, #tpu.memory_space<vmem>>, vector<16xi32>,
        %get3A_135 = arith.index_cast %scan3A_110 : i32 to index
        %get3A_136 = arith.constant 32 : index
        %get3A_137 = tpu.vector_load %arg7[%get3A_135, %get3A_136] {strides = array<i32>} : memref<16x128xi32, #tpu.memory_space<vmem>>, vector<16xi32>,
        %get3A_138 = arith.index_cast %scan3A_110 : i32 to index
        %get3A_139 = arith.constant 32 : index
        %get3A_140 = tpu.vector_load %arg8[%get3A_138, %get3A_139] {strides = array<i32>} : memref<16x128xi32, #tpu.memory_space<vmem>>, vector<16xi32>,
        %mul3A_141 = arith.constant 4 : i32
        %mul3A_142 = vector.broadcast %mul3A_141 : i32 to vector<16xi32>
        %mul3A_143 = arith.muli %get3A_137, %mul3A_142 : vector<16xi32>
        %add3A_144 = arith.addi %mul3A_143, %get3A_140 : vector<16xi32>
        %swap3A_145 = arith.index_cast %scan3A_110 : i32 to index
        %swap3A_146 = arith.constant 32 : index
        %swap3A_147 = tpu.vector_load %arg9[%swap3A_145, %swap3A_146] {strides = array<i32>} : memref<16x128xi32, #tpu.memory_space<vmem>>, vector<16xi32>,
        tpu.vector_store %arg9[%swap3A_145, %swap3A_146], %add3A_144 {strides = array<i32>} : memref<16x128xi32, #tpu.memory_space<vmem>>, vector<16xi32>,
        %get3A_148 = arith.index_cast %scan3A_110 : i32 to index
        %get3A_149 = arith.constant 48 : index
        %get3A_150 = tpu.vector_load %arg7[%get3A_148, %get3A_149] {strides = array<i32>} : memref<16x128xi32, #tpu.memory_space<vmem>>, vector<16xi32>,
        %get3A_151 = arith.index_cast %scan3A_110 : i32 to index
        %get3A_152 = arith.constant 48 : index
        %get3A_153 = tpu.vector_load %arg8[%get3A_151, %get3A_152] {strides = array<i32>} : memref<16x128xi32, #tpu.memory_space<vmem>>, vector<16xi32>,
        %mul3A_154 = arith.constant 4 : i32
        %mul3A_155 = vector.broadcast %mul3A_154 : i32 to vector<16xi32>
        %mul3A_156 = arith.muli %get3A_150, %mul3A_155 : vector<16xi32>
        %add3A_157 = arith.addi %mul3A_156, %get3A_153 : vector<16xi32>
        %swap3A_158 = arith.index_cast %scan3A_110 : i32 to index
        %swap3A_159 = arith.constant 48 : index
        %swap3A_160 = tpu.vector_load %arg9[%swap3A_158, %swap3A_159] {strides = array<i32>} : memref<16x128xi32, #tpu.memory_space<vmem>>, vector<16xi32>,
        tpu.vector_store %arg9[%swap3A_158, %swap3A_159], %add3A_157 {strides = array<i32>} : memref<16x128xi32, #tpu.memory_space<vmem>>, vector<16xi32>,
        %get3A_161 = arith.index_cast %scan3A_110 : i32 to index
        %get3A_162 = arith.constant 64 : index
        %get3A_163 = tpu.vector_load %arg7[%get3A_161, %get3A_162] {strides = array<i32>} : memref<16x128xi32, #tpu.memory_space<vmem>>, vector<16xi32>,
        %get3A_164 = arith.index_cast %scan3A_110 : i32 to index
        %get3A_165 = arith.constant 64 : index
        %get3A_166 = tpu.vector_load %arg8[%get3A_164, %get3A_165] {strides = array<i32>} : memref<16x128xi32, #tpu.memory_space<vmem>>, vector<16xi32>,
        %mul3A_167 = arith.constant 4 : i32
        %mul3A_168 = vector.broadcast %mul3A_167 : i32 to vector<16xi32>
        %mul3A_169 = arith.muli %get3A_163, %mul3A_168 : vector<16xi32>
        %add3A_170 = arith.addi %mul3A_169, %get3A_166 : vector<16xi32>
        %swap3A_171 = arith.index_cast %scan3A_110 : i32 to index
        %swap3A_172 = arith.constant 64 : index
        %swap3A_173 = tpu.vector_load %arg9[%swap3A_171, %swap3A_172] {strides = array<i32>} : memref<16x128xi32, #tpu.memory_space<vmem>>, vector<16xi32>,
        tpu.vector_store %arg9[%swap3A_171, %swap3A_172], %add3A_170 {strides = array<i32>} : memref<16x128xi32, #tpu.memory_space<vmem>>, vector<16xi32>,
        %get3A_174 = arith.index_cast %scan3A_110 : i32 to index
        %get3A_175 = arith.constant 80 : index
        %get3A_176 = tpu.vector_load %arg7[%get3A_174, %get3A_175] {strides = array<i32>} : memref<16x128xi32, #tpu.memory_space<vmem>>, vector<16xi32>,
        %get3A_177 = arith.index_cast %scan3A_110 : i32 to index
        %get3A_178 = arith.constant 80 : index
        %get3A_179 = tpu.vector_load %arg8[%get3A_177, %get3A_178] {strides = array<i32>} : memref<16x128xi32, #tpu.memory_space<vmem>>, vector<16xi32>,
        %mul3A_180 = arith.constant 4 : i32
        %mul3A_181 = vector.broadcast %mul3A_180 : i32 to vector<16xi32>
        %mul3A_182 = arith.muli %get3A_176, %mul3A_181 : vector<16xi32>
        %add3A_183 = arith.addi %mul3A_182, %get3A_179 : vector<16xi32>
        %swap3A_184 = arith.index_cast %scan3A_110 : i32 to index
        %swap3A_185 = arith.constant 80 : index
        %swap3A_186 = tpu.vector_load %arg9[%swap3A_184, %swap3A_185] {strides = array<i32>} : memref<16x128xi32, #tpu.memory_space<vmem>>, vector<16xi32>,
        tpu.vector_store %arg9[%swap3A_184, %swap3A_185], %add3A_183 {strides = array<i32>} : memref<16x128xi32, #tpu.memory_space<vmem>>, vector<16xi32>,
        %get3A_187 = arith.index_cast %scan3A_110 : i32 to index
        %get3A_188 = arith.constant 96 : index
        %get3A_189 = tpu.vector_load %arg7[%get3A_187, %get3A_188] {strides = array<i32>} : memref<16x128xi32, #tpu.memory_space<vmem>>, vector<16xi32>,
        %get3A_190 = arith.index_cast %scan3A_110 : i32 to index
        %get3A_191 = arith.constant 96 : index
        %get3A_192 = tpu.vector_load %arg8[%get3A_190, %get3A_191] {strides = array<i32>} : memref<16x128xi32, #tpu.memory_space<vmem>>, vector<16xi32>,
        %mul3A_193 = arith.constant 4 : i32
        %mul3A_194 = vector.broadcast %mul3A_193 : i32 to vector<16xi32>
        %mul3A_195 = arith.muli %get3A_189, %mul3A_194 : vector<16xi32>
        %add3A_196 = arith.addi %mul3A_195, %get3A_192 : vector<16xi32>
        %swap3A_197 = arith.index_cast %scan3A_110 : i32 to index
        %swap3A_198 = arith.constant 96 : index
        %swap3A_199 = tpu.vector_load %arg9[%swap3A_197, %swap3A_198] {strides = array<i32>} : memref<16x128xi32, #tpu.memory_space<vmem>>, vector<16xi32>,
        tpu.vector_store %arg9[%swap3A_197, %swap3A_198], %add3A_196 {strides = array<i32>} : memref<16x128xi32, #tpu.memory_space<vmem>>, vector<16xi32>,
        %get3A_200 = arith.index_cast %scan3A_110 : i32 to index
        %get3A_201 = arith.constant 112 : index
        %get3A_202 = tpu.vector_load %arg7[%get3A_200, %get3A_201] {strides = array<i32>} : memref<16x128xi32, #tpu.memory_space<vmem>>, vector<16xi32>,
        %get3A_203 = arith.index_cast %scan3A_110 : i32 to index
        %get3A_204 = arith.constant 112 : index
        %get3A_205 = tpu.vector_load %arg8[%get3A_203, %get3A_204] {strides = array<i32>} : memref<16x128xi32, #tpu.memory_space<vmem>>, vector<16xi32>,
        %mul3A_206 = arith.constant 4 : i32
        %mul3A_207 = vector.broadcast %mul3A_206 : i32 to vector<16xi32>
        %mul3A_208 = arith.muli %get3A_202, %mul3A_207 : vector<16xi32>
        %add3A_209 = arith.addi %mul3A_208, %get3A_205 : vector<16xi32>
        %swap3A_210 = arith.index_cast %scan3A_110 : i32 to index
        %swap3A_211 = arith.constant 112 : index
        %swap3A_212 = tpu.vector_load %arg9[%swap3A_210, %swap3A_211] {strides = array<i32>} : memref<16x128xi32, #tpu.memory_space<vmem>>, vector<16xi32>,
        tpu.vector_store %arg9[%swap3A_210, %swap3A_211], %add3A_209 {strides = array<i32>} : memref<16x128xi32, #tpu.memory_space<vmem>>, vector<16xi32>,
      }
      %scan3A_92 = arith.constant 16 : i32
      %dma_start3A = arith.constant 0 : i32
      %dma_start3A_93 = arith.constant 0 : i32
      %dma_start3A_94 = tpu.memref_slice %arg9[%dma_start3A, %dma_start3A_93] : memref<16x128xi32, #tpu.memory_space<vmem>> -> memref<1x128xi32, #tpu.memory_space<vmem>>
      %dma_start3A_95 = tpu.memref_squeeze %dma_start3A_94 : memref<1x128xi32, #tpu.memory_space<vmem>> -> memref<128xi32, #tpu.memory_space<vmem>>
      %dma_start3A_96 = arith.constant 0 : i32
      %dma_start3A_97 = tpu.memref_slice %arg17[%dma_start3A_96] : memref<40960xf32, #tpu.memory_space<vmem_shared>> -> memref<40960xf32, #tpu.memory_space<vmem_shared>>
      tpu.enqueue_indirect_dma source(%dma_start3A_97 : memref<40960xf32, #tpu.memory_space<vmem_shared>>) target(%arg12 : memref<128xf32, #tpu.memory_space<vmem>>) offsets(%dma_start3A_95 : memref<128xi32, #tpu.memory_space<vmem>>) semaphore(%arg22 : memref<!tpu.dma_semaphore, #tpu.memory_space<semaphore_mem>>)
      %dma_start3A_98 = arith.constant 0 : i32
      %dma_start3A_99 = arith.constant 0 : i32
      %dma_start3A_100 = tpu.memref_slice %arg10[%dma_start3A_98, %dma_start3A_99] : memref<16x128xi32, #tpu.memory_space<vmem>> -> memref<1x128xi32, #tpu.memory_space<vmem>>
      %dma_start3A_101 = tpu.memref_squeeze %dma_start3A_100 : memref<1x128xi32, #tpu.memory_space<vmem>> -> memref<128xi32, #tpu.memory_space<vmem>>
      %dma_start3A_102 = arith.constant 0 : i32
      %dma_start3A_103 = arith.constant 0 : i32
      %dma_start3A_104 = tpu.memref_slice %arg2[%dma_start3A_102, %dma_start3A_103] : memref<10000x128xf32, #tpu.memory_space<hbm>> -> memref<10000x128xf32, #tpu.memory_space<hbm>>
      tpu.enqueue_indirect_dma source(%dma_start3A_104 : memref<10000x128xf32, #tpu.memory_space<hbm>>) target(%arg15 : memref<128x128xf32, #tpu.memory_space<vmem>>) offsets(%dma_start3A_101 : memref<128xi32, #tpu.memory_space<vmem>>) semaphore(%arg20 : memref<!tpu.dma_semaphore, #tpu.memory_space<semaphore_mem>>)
      %scan3A_105 = arith.constant 0 : i32
      %scan3A_106 = arith.constant 8 : i32
      %scan3A_107 = arith.addi %scan3A_105, %scan3A_106 : i32
      %scan3A_108 = arith.constant 1 : i32
      scf.for %scan3A_110 = %scan3A_105 to %scan3A_107 step %scan3A_108  : i32 {
        %mul3A_111 = arith.constant 2 : i32
        %mul3A_112 = arith.muli %scan3A_110, %mul3A_111 : i32
        %add3A_113 = arith.constant 1 : i32
        %add3A_114 = arith.addi %mul3A_112, %add3A_113 : i32
        %dma_start3A_115 = arith.constant 0 : i32
        %dma_start3A_116 = tpu.memref_slice %arg9[%add3A_114, %dma_start3A_115] : memref<16x128xi32, #tpu.memory_space<vmem>> -> memref<1x128xi32, #tpu.memory_space<vmem>>
        %dma_start3A_117 = tpu.memref_squeeze %dma_start3A_116 : memref<1x128xi32, #tpu.memory_space<vmem>> -> memref<128xi32, #tpu.memory_space<vmem>>
        %dma_start3A_118 = arith.constant 0 : i32
        %dma_start3A_119 = tpu.memref_slice %arg17[%dma_start3A_118] : memref<40960xf32, #tpu.memory_space<vmem_shared>> -> memref<40960xf32, #tpu.memory_space<vmem_shared>>
        tpu.enqueue_indirect_dma source(%dma_start3A_119 : memref<40960xf32, #tpu.memory_space<vmem_shared>>) target(%arg13 : memref<128xf32, #tpu.memory_space<vmem>>) offsets(%dma_start3A_117 : memref<128xi32, #tpu.memory_space<vmem>>) semaphore(%arg23 : memref<!tpu.dma_semaphore, #tpu.memory_space<semaphore_mem>>)
        %dma_start3A_120 = arith.constant 0 : i32
        %dma_start3A_121 = tpu.memref_slice %arg10[%add3A_114, %dma_start3A_120] : memref<16x128xi32, #tpu.memory_space<vmem>> -> memref<1x128xi32, #tpu.memory_space<vmem>>
        %dma_start3A_122 = tpu.memref_squeeze %dma_start3A_121 : memref<1x128xi32, #tpu.memory_space<vmem>> -> memref<128xi32, #tpu.memory_space<vmem>>
        %dma_start3A_123 = arith.constant 0 : i32
        %dma_start3A_124 = arith.constant 0 : i32
        %dma_start3A_125 = tpu.memref_slice %arg2[%dma_start3A_123, %dma_start3A_124] : memref<10000x128xf32, #tpu.memory_space<hbm>> -> memref<10000x128xf32, #tpu.memory_space<hbm>>
        tpu.enqueue_indirect_dma source(%dma_start3A_125 : memref<10000x128xf32, #tpu.memory_space<hbm>>) target(%arg16 : memref<128x128xf32, #tpu.memory_space<vmem>>) offsets(%dma_start3A_122 : memref<128xi32, #tpu.memory_space<vmem>>) semaphore(%arg21 : memref<!tpu.dma_semaphore, #tpu.memory_space<semaphore_mem>>)
        %dma_wait3A = arith.constant 0 : i32
        %dma_wait3A_126 = arith.constant 0 : i32
        %dma_wait3A_127 = tpu.memref_slice %arg2[%dma_wait3A, %dma_wait3A_126] : memref<10000x128xf32, #tpu.memory_space<hbm>> -> memref<128x128xf32, #tpu.memory_space<hbm>>
        %dma_wait3A_128 = arith.constant 0 : i32
        %dma_wait3A_129 = arith.constant 0 : i32
        %dma_wait3A_130 = tpu.memref_slice %arg2[%dma_wait3A_128, %dma_wait3A_129] : memref<10000x128xf32, #tpu.memory_space<hbm>> -> memref<128x128xf32, #tpu.memory_space<hbm>>
        tpu.wait_dma2 semaphore(%arg20 : memref<!tpu.dma_semaphore, #tpu.memory_space<semaphore_mem>>) src(%dma_wait3A_130 : memref<128x128xf32, #tpu.memory_space<hbm>>) dst(%arg15 : memref<128x128xf32, #tpu.memory_space<vmem>>)
        %dma_wait3A_131 = arith.constant 0 : i32
        %dma_wait3A_132 = arith.constant 0 : i32
        %dma_wait3A_133 = tpu.memref_slice %arg2[%dma_wait3A_131, %dma_wait3A_132] : memref<10000x128xf32, #tpu.memory_space<hbm>> -> memref<1x128xf32, #tpu.memory_space<hbm>>
        %dma_wait3A_134 = tpu.memref_squeeze %dma_wait3A_133 : memref<1x128xf32, #tpu.memory_space<hbm>> -> memref<128xf32, #tpu.memory_space<hbm>>
        %dma_wait3A_135 = arith.constant 0 : i32
        %dma_wait3A_136 = tpu.memref_slice %arg2[%dma_wait3A_131, %dma_wait3A_135] : memref<10000x128xf32, #tpu.memory_space<hbm>> -> memref<1x128xf32, #tpu.memory_space<hbm>>
        %dma_wait3A_137 = tpu.memref_squeeze %dma_wait3A_136 : memref<1x128xf32, #tpu.memory_space<hbm>> -> memref<128xf32, #tpu.memory_space<hbm>>
        tpu.wait_dma2 semaphore(%arg22 : memref<!tpu.dma_semaphore, #tpu.memory_space<semaphore_mem>>) src(%dma_wait3A_137 : memref<128xf32, #tpu.memory_space<hbm>>) dst(%arg12 : memref<128xf32, #tpu.memory_space<vmem>>)
        %scan3A_138 = arith.constant 0 : i32
        %scan3A_139 = arith.constant 128 : i32
        %scan3A_140 = arith.addi %scan3A_138, %scan3A_139 : i32
        %scan3A_141 = arith.constant 1 : i32
        scf.for %scan3A_167 = %scan3A_138 to %scan3A_140 step %scan3A_141  : i32 {
          %broadcast_in_dim3A = vector.broadcast %scan3A_167 : i32 to vector<16xi32>
          %gather3A = tpu.vector_load_idx %arg12[%broadcast_in_dim3A] : memref<128xf32, #tpu.memory_space<vmem>>[vector<16xi32>], vector<16xf32>,
          %get3A = arith.index_cast %scan3A_167 : i32 to index
          %get3A_168 = arith.constant 0 : index
          %get3A_169 = tpu.vector_load %arg15[%get3A, %get3A_168] {strides = array<i32>} : memref<128x128xf32, #tpu.memory_space<vmem>>, vector<16xf32>,
          %mul3A_170 = arith.mulf %get3A_169, %gather3A : vector<16xf32>
          %swap3A = arith.index_cast %scan3A_167 : i32 to index
          %swap3A_171 = arith.constant 0 : index
          %swap3A_172 = tpu.vector_load %arg15[%swap3A, %swap3A_171] {strides = array<i32>} : memref<128x128xf32, #tpu.memory_space<vmem>>, vector<16xf32>,
          tpu.vector_store %arg15[%swap3A, %swap3A_171], %mul3A_170 {strides = array<i32>} : memref<128x128xf32, #tpu.memory_space<vmem>>, vector<16xf32>,
          %get3A_173 = arith.index_cast %scan3A_167 : i32 to index
          %get3A_174 = arith.constant 16 : index
          %get3A_175 = tpu.vector_load %arg15[%get3A_173, %get3A_174] {strides = array<i32>} : memref<128x128xf32, #tpu.memory_space<vmem>>, vector<16xf32>,
          %mul3A_176 = arith.mulf %get3A_175, %gather3A : vector<16xf32>
          %swap3A_177 = arith.index_cast %scan3A_167 : i32 to index
          %swap3A_178 = arith.constant 16 : index
          %swap3A_179 = tpu.vector_load %arg15[%swap3A_177, %swap3A_178] {strides = array<i32>} : memref<128x128xf32, #tpu.memory_space<vmem>>, vector<16xf32>,
          tpu.vector_store %arg15[%swap3A_177, %swap3A_178], %mul3A_176 {strides = array<i32>} : memref<128x128xf32, #tpu.memory_space<vmem>>, vector<16xf32>,
          %get3A_180 = arith.index_cast %scan3A_167 : i32 to index
          %get3A_181 = arith.constant 32 : index
          %get3A_182 = tpu.vector_load %arg15[%get3A_180, %get3A_181] {strides = array<i32>} : memref<128x128xf32, #tpu.memory_space<vmem>>, vector<16xf32>,
          %mul3A_183 = arith.mulf %get3A_182, %gather3A : vector<16xf32>
          %swap3A_184 = arith.index_cast %scan3A_167 : i32 to index
          %swap3A_185 = arith.constant 32 : index
          %swap3A_186 = tpu.vector_load %arg15[%swap3A_184, %swap3A_185] {strides = array<i32>} : memref<128x128xf32, #tpu.memory_space<vmem>>, vector<16xf32>,
          tpu.vector_store %arg15[%swap3A_184, %swap3A_185], %mul3A_183 {strides = array<i32>} : memref<128x128xf32, #tpu.memory_space<vmem>>, vector<16xf32>,
          %get3A_187 = arith.index_cast %scan3A_167 : i32 to index
          %get3A_188 = arith.constant 48 : index
          %get3A_189 = tpu.vector_load %arg15[%get3A_187, %get3A_188] {strides = array<i32>} : memref<128x128xf32, #tpu.memory_space<vmem>>, vector<16xf32>,
          %mul3A_190 = arith.mulf %get3A_189, %gather3A : vector<16xf32>
          %swap3A_191 = arith.index_cast %scan3A_167 : i32 to index
          %swap3A_192 = arith.constant 48 : index
          %swap3A_193 = tpu.vector_load %arg15[%swap3A_191, %swap3A_192] {strides = array<i32>} : memref<128x128xf32, #tpu.memory_space<vmem>>, vector<16xf32>,
          tpu.vector_store %arg15[%swap3A_191, %swap3A_192], %mul3A_190 {strides = array<i32>} : memref<128x128xf32, #tpu.memory_space<vmem>>, vector<16xf32>,
          %get3A_194 = arith.index_cast %scan3A_167 : i32 to index
          %get3A_195 = arith.constant 64 : index
          %get3A_196 = tpu.vector_load %arg15[%get3A_194, %get3A_195] {strides = array<i32>} : memref<128x128xf32, #tpu.memory_space<vmem>>, vector<16xf32>,
          %mul3A_197 = arith.mulf %get3A_196, %gather3A : vector<16xf32>
          %swap3A_198 = arith.index_cast %scan3A_167 : i32 to index
          %swap3A_199 = arith.constant 64 : index
          %swap3A_200 = tpu.vector_load %arg15[%swap3A_198, %swap3A_199] {strides = array<i32>} : memref<128x128xf32, #tpu.memory_space<vmem>>, vector<16xf32>,
          tpu.vector_store %arg15[%swap3A_198, %swap3A_199], %mul3A_197 {strides = array<i32>} : memref<128x128xf32, #tpu.memory_space<vmem>>, vector<16xf32>,
          %get3A_201 = arith.index_cast %scan3A_167 : i32 to index
          %get3A_202 = arith.constant 80 : index
          %get3A_203 = tpu.vector_load %arg15[%get3A_201, %get3A_202] {strides = array<i32>} : memref<128x128xf32, #tpu.memory_space<vmem>>, vector<16xf32>,
          %mul3A_204 = arith.mulf %get3A_203, %gather3A : vector<16xf32>
          %swap3A_205 = arith.index_cast %scan3A_167 : i32 to index
          %swap3A_206 = arith.constant 80 : index
          %swap3A_207 = tpu.vector_load %arg15[%swap3A_205, %swap3A_206] {strides = array<i32>} : memref<128x128xf32, #tpu.memory_space<vmem>>, vector<16xf32>,
          tpu.vector_store %arg15[%swap3A_205, %swap3A_206], %mul3A_204 {strides = array<i32>} : memref<128x128xf32, #tpu.memory_space<vmem>>, vector<16xf32>,
          %get3A_208 = arith.index_cast %scan3A_167 : i32 to index
          %get3A_209 = arith.constant 96 : index
          %get3A_210 = tpu.vector_load %arg15[%get3A_208, %get3A_209] {strides = array<i32>} : memref<128x128xf32, #tpu.memory_space<vmem>>, vector<16xf32>,
          %mul3A_211 = arith.mulf %get3A_210, %gather3A : vector<16xf32>
          %swap3A_212 = arith.index_cast %scan3A_167 : i32 to index
          %swap3A_213 = arith.constant 96 : index
          %swap3A_214 = tpu.vector_load %arg15[%swap3A_212, %swap3A_213] {strides = array<i32>} : memref<128x128xf32, #tpu.memory_space<vmem>>, vector<16xf32>,
          tpu.vector_store %arg15[%swap3A_212, %swap3A_213], %mul3A_211 {strides = array<i32>} : memref<128x128xf32, #tpu.memory_space<vmem>>, vector<16xf32>,
          %get3A_215 = arith.index_cast %scan3A_167 : i32 to index
          %get3A_216 = arith.constant 112 : index
          %get3A_217 = tpu.vector_load %arg15[%get3A_215, %get3A_216] {strides = array<i32>} : memref<128x128xf32, #tpu.memory_space<vmem>>, vector<16xf32>,
          %mul3A_218 = arith.mulf %get3A_217, %gather3A : vector<16xf32>
          %swap3A_219 = arith.index_cast %scan3A_167 : i32 to index
          %swap3A_220 = arith.constant 112 : index
          %swap3A_221 = tpu.vector_load %arg15[%swap3A_219, %swap3A_220] {strides = array<i32>} : memref<128x128xf32, #tpu.memory_space<vmem>>, vector<16xf32>,
          tpu.vector_store %arg15[%swap3A_219, %swap3A_220], %mul3A_218 {strides = array<i32>} : memref<128x128xf32, #tpu.memory_space<vmem>>, vector<16xf32>,
        }
        %scan3A_142 = arith.constant 128 : i32
        "tpu.region"() ({
          %run_scoped3A = tpu.sem_alloc : memref<!tpu.dma_semaphore, #tpu.memory_space<semaphore_mem>>
          %dma_start3A_167 = arith.constant 0 : i32
          %dma_start3A_168 = tpu.memref_slice %arg7[%mul3A_112, %dma_start3A_167] : memref<16x128xi32, #tpu.memory_space<vmem>> -> memref<1x128xi32, #tpu.memory_space<vmem>>
          %dma_start3A_169 = tpu.memref_squeeze %dma_start3A_168 : memref<1x128xi32, #tpu.memory_space<vmem>> -> memref<128xi32, #tpu.memory_space<vmem>>
          %dma_start3A_170 = arith.constant 0 : i32
          %dma_start3A_171 = arith.constant 0 : i32
          %dma_start3A_172 = tpu.memref_slice %arg18[%dma_start3A_170, %dma_start3A_171] : memref<10240x128xf32, #tpu.memory_space<vmem_shared>> -> memref<10240x128xf32, #tpu.memory_space<vmem_shared>>
          tpu.enqueue_indirect_dma source(%arg15 : memref<128x128xf32, #tpu.memory_space<vmem>>) target(%dma_start3A_172 : memref<10240x128xf32, #tpu.memory_space<vmem_shared>>) offsets(%dma_start3A_169 : memref<128xi32, #tpu.memory_space<vmem>>) semaphore(%run_scoped3A : memref<!tpu.dma_semaphore, #tpu.memory_space<semaphore_mem>>) {add = true}
          %dma_wait3A_173 = arith.constant 0 : i32
          %dma_wait3A_174 = tpu.memref_slice %arg7[%mul3A_112, %dma_wait3A_173] : memref<16x128xi32, #tpu.memory_space<vmem>> -> memref<1x128xi32, #tpu.memory_space<vmem>>
          %dma_wait3A_175 = tpu.memref_squeeze %dma_wait3A_174 : memref<1x128xi32, #tpu.memory_space<vmem>> -> memref<128xi32, #tpu.memory_space<vmem>>
          %dma_wait3A_176 = arith.constant 0 : i32
          %dma_wait3A_177 = arith.constant 0 : i32
          %dma_wait3A_178 = tpu.memref_slice %arg18[%dma_wait3A_176, %dma_wait3A_177] : memref<10240x128xf32, #tpu.memory_space<vmem_shared>> -> memref<10240x128xf32, #tpu.memory_space<vmem_shared>>
          tpu.wait_indirect_dma semaphore(%run_scoped3A : memref<!tpu.dma_semaphore, #tpu.memory_space<semaphore_mem>>) src(%arg15 : memref<128x128xf32, #tpu.memory_space<vmem>>) dst(%dma_wait3A_178 : memref<10240x128xf32, #tpu.memory_space<vmem_shared>>)
          tpu.yield
        }) : () -> ()
        %add3A_143 = arith.constant 2 : i32
        %add3A_144 = arith.addi %mul3A_112, %add3A_143 : i32
        %lt3A = arith.constant 16 : i32
        %lt3A_145 = arith.cmpi slt, %add3A_144, %lt3A : i32
        %convert_element_type3A = arith.extui %lt3A_145 : i1 to i32
        %cond3A = arith.constant 0 : i32
        %cond3A_146 = arith.cmpi ne, %convert_element_type3A, %cond3A : i32
        scf.if %cond3A_146 {
          %add3A_167 = arith.constant 2 : i32
          %add3A_168 = arith.addi %mul3A_112, %add3A_167 : i32
          %dma_start3A_169 = arith.constant 0 : i32
          %dma_start3A_170 = tpu.memref_slice %arg9[%add3A_168, %dma_start3A_169] : memref<16x128xi32, #tpu.memory_space<vmem>> -> memref<1x128xi32, #tpu.memory_space<vmem>>
          %dma_start3A_171 = tpu.memref_squeeze %dma_start3A_170 : memref<1x128xi32, #tpu.memory_space<vmem>> -> memref<128xi32, #tpu.memory_space<vmem>>
          %dma_start3A_172 = arith.constant 0 : i32
          %dma_start3A_173 = tpu.memref_slice %arg17[%dma_start3A_172] : memref<40960xf32, #tpu.memory_space<vmem_shared>> -> memref<40960xf32, #tpu.memory_space<vmem_shared>>
          tpu.enqueue_indirect_dma source(%dma_start3A_173 : memref<40960xf32, #tpu.memory_space<vmem_shared>>) target(%arg12 : memref<128xf32, #tpu.memory_space<vmem>>) offsets(%dma_start3A_171 : memref<128xi32, #tpu.memory_space<vmem>>) semaphore(%arg22 : memref<!tpu.dma_semaphore, #tpu.memory_space<semaphore_mem>>)
          %dma_start3A_174 = arith.constant 0 : i32
          %dma_start3A_175 = tpu.memref_slice %arg10[%add3A_168, %dma_start3A_174] : memref<16x128xi32, #tpu.memory_space<vmem>> -> memref<1x128xi32, #tpu.memory_space<vmem>>
          %dma_start3A_176 = tpu.memref_squeeze %dma_start3A_175 : memref<1x128xi32, #tpu.memory_space<vmem>> -> memref<128xi32, #tpu.memory_space<vmem>>
          %dma_start3A_177 = arith.constant 0 : i32
          %dma_start3A_178 = arith.constant 0 : i32
          %dma_start3A_179 = tpu.memref_slice %arg2[%dma_start3A_177, %dma_start3A_178] : memref<10000x128xf32, #tpu.memory_space<hbm>> -> memref<10000x128xf32, #tpu.memory_space<hbm>>
          tpu.enqueue_indirect_dma source(%dma_start3A_179 : memref<10000x128xf32, #tpu.memory_space<hbm>>) target(%arg15 : memref<128x128xf32, #tpu.memory_space<vmem>>) offsets(%dma_start3A_176 : memref<128xi32, #tpu.memory_space<vmem>>) semaphore(%arg20 : memref<!tpu.dma_semaphore, #tpu.memory_space<semaphore_mem>>)
        } else {
        }
        %dma_wait3A_147 = arith.constant 0 : i32
        %dma_wait3A_148 = arith.constant 0 : i32
        %dma_wait3A_149 = tpu.memref_slice %arg2[%dma_wait3A_147, %dma_wait3A_148] : memref<10000x128xf32, #tpu.memory_space<hbm>> -> memref<128x128xf32, #tpu.memory_space<hbm>>
        %dma_wait3A_150 = arith.constant 0 : i32
        %dma_wait3A_151 = arith.constant 0 : i32
        %dma_wait3A_152 = tpu.memref_slice %arg2[%dma_wait3A_150, %dma_wait3A_151] : memref<10000x128xf32, #tpu.memory_space<hbm>> -> memref<128x128xf32, #tpu.memory_space<hbm>>
        tpu.wait_dma2 semaphore(%arg21 : memref<!tpu.dma_semaphore, #tpu.memory_space<semaphore_mem>>) src(%dma_wait3A_152 : memref<128x128xf32, #tpu.memory_space<hbm>>) dst(%arg16 : memref<128x128xf32, #tpu.memory_space<vmem>>)
        %dma_wait3A_153 = arith.constant 0 : i32
        %dma_wait3A_154 = arith.constant 0 : i32
        %dma_wait3A_155 = tpu.memref_slice %arg2[%dma_wait3A_153, %dma_wait3A_154] : memref<10000x128xf32, #tpu.memory_space<hbm>> -> memref<1x128xf32, #tpu.memory_space<hbm>>
        %dma_wait3A_156 = tpu.memref_squeeze %dma_wait3A_155 : memref<1x128xf32, #tpu.memory_space<hbm>> -> memref<128xf32, #tpu.memory_space<hbm>>
        %dma_wait3A_157 = arith.constant 0 : i32
        %dma_wait3A_158 = tpu.memref_slice %arg2[%dma_wait3A_153, %dma_wait3A_157] : memref<10000x128xf32, #tpu.memory_space<hbm>> -> memref<1x128xf32, #tpu.memory_space<hbm>>
        %dma_wait3A_159 = tpu.memref_squeeze %dma_wait3A_158 : memref<1x128xf32, #tpu.memory_space<hbm>> -> memref<128xf32, #tpu.memory_space<hbm>>
        tpu.wait_dma2 semaphore(%arg23 : memref<!tpu.dma_semaphore, #tpu.memory_space<semaphore_mem>>) src(%dma_wait3A_159 : memref<128xf32, #tpu.memory_space<hbm>>) dst(%arg13 : memref<128xf32, #tpu.memory_space<vmem>>)
        %add3A_160 = arith.constant 1 : i32
        %add3A_161 = arith.addi %mul3A_112, %add3A_160 : i32
        %scan3A_162 = arith.constant 0 : i32
        %scan3A_163 = arith.constant 128 : i32
        %scan3A_164 = arith.addi %scan3A_162, %scan3A_163 : i32
        %scan3A_165 = arith.constant 1 : i32
        scf.for %scan3A_167 = %scan3A_162 to %scan3A_164 step %scan3A_165  : i32 {
          %broadcast_in_dim3A = vector.broadcast %scan3A_167 : i32 to vector<16xi32>
          %gather3A = tpu.vector_load_idx %arg13[%broadcast_in_dim3A] : memref<128xf32, #tpu.memory_space<vmem>>[vector<16xi32>], vector<16xf32>,
          %get3A = arith.index_cast %scan3A_167 : i32 to index
          %get3A_168 = arith.constant 0 : index
          %get3A_169 = tpu.vector_load %arg16[%get3A, %get3A_168] {strides = array<i32>} : memref<128x128xf32, #tpu.memory_space<vmem>>, vector<16xf32>,
          %mul3A_170 = arith.mulf %get3A_169, %gather3A : vector<16xf32>
          %swap3A = arith.index_cast %scan3A_167 : i32 to index
          %swap3A_171 = arith.constant 0 : index
          %swap3A_172 = tpu.vector_load %arg16[%swap3A, %swap3A_171] {strides = array<i32>} : memref<128x128xf32, #tpu.memory_space<vmem>>, vector<16xf32>,
          tpu.vector_store %arg16[%swap3A, %swap3A_171], %mul3A_170 {strides = array<i32>} : memref<128x128xf32, #tpu.memory_space<vmem>>, vector<16xf32>,
          %get3A_173 = arith.index_cast %scan3A_167 : i32 to index
          %get3A_174 = arith.constant 16 : index
          %get3A_175 = tpu.vector_load %arg16[%get3A_173, %get3A_174] {strides = array<i32>} : memref<128x128xf32, #tpu.memory_space<vmem>>, vector<16xf32>,
          %mul3A_176 = arith.mulf %get3A_175, %gather3A : vector<16xf32>
          %swap3A_177 = arith.index_cast %scan3A_167 : i32 to index
          %swap3A_178 = arith.constant 16 : index
          %swap3A_179 = tpu.vector_load %arg16[%swap3A_177, %swap3A_178] {strides = array<i32>} : memref<128x128xf32, #tpu.memory_space<vmem>>, vector<16xf32>,
          tpu.vector_store %arg16[%swap3A_177, %swap3A_178], %mul3A_176 {strides = array<i32>} : memref<128x128xf32, #tpu.memory_space<vmem>>, vector<16xf32>,
          %get3A_180 = arith.index_cast %scan3A_167 : i32 to index
          %get3A_181 = arith.constant 32 : index
          %get3A_182 = tpu.vector_load %arg16[%get3A_180, %get3A_181] {strides = array<i32>} : memref<128x128xf32, #tpu.memory_space<vmem>>, vector<16xf32>,
          %mul3A_183 = arith.mulf %get3A_182, %gather3A : vector<16xf32>
          %swap3A_184 = arith.index_cast %scan3A_167 : i32 to index
          %swap3A_185 = arith.constant 32 : index
          %swap3A_186 = tpu.vector_load %arg16[%swap3A_184, %swap3A_185] {strides = array<i32>} : memref<128x128xf32, #tpu.memory_space<vmem>>, vector<16xf32>,
          tpu.vector_store %arg16[%swap3A_184, %swap3A_185], %mul3A_183 {strides = array<i32>} : memref<128x128xf32, #tpu.memory_space<vmem>>, vector<16xf32>,
          %get3A_187 = arith.index_cast %scan3A_167 : i32 to index
          %get3A_188 = arith.constant 48 : index
          %get3A_189 = tpu.vector_load %arg16[%get3A_187, %get3A_188] {strides = array<i32>} : memref<128x128xf32, #tpu.memory_space<vmem>>, vector<16xf32>,
          %mul3A_190 = arith.mulf %get3A_189, %gather3A : vector<16xf32>
          %swap3A_191 = arith.index_cast %scan3A_167 : i32 to index
          %swap3A_192 = arith.constant 48 : index
          %swap3A_193 = tpu.vector_load %arg16[%swap3A_191, %swap3A_192] {strides = array<i32>} : memref<128x128xf32, #tpu.memory_space<vmem>>, vector<16xf32>,
          tpu.vector_store %arg16[%swap3A_191, %swap3A_192], %mul3A_190 {strides = array<i32>} : memref<128x128xf32, #tpu.memory_space<vmem>>, vector<16xf32>,
          %get3A_194 = arith.index_cast %scan3A_167 : i32 to index
          %get3A_195 = arith.constant 64 : index
          %get3A_196 = tpu.vector_load %arg16[%get3A_194, %get3A_195] {strides = array<i32>} : memref<128x128xf32, #tpu.memory_space<vmem>>, vector<16xf32>,
          %mul3A_197 = arith.mulf %get3A_196, %gather3A : vector<16xf32>
          %swap3A_198 = arith.index_cast %scan3A_167 : i32 to index
          %swap3A_199 = arith.constant 64 : index
          %swap3A_200 = tpu.vector_load %arg16[%swap3A_198, %swap3A_199] {strides = array<i32>} : memref<128x128xf32, #tpu.memory_space<vmem>>, vector<16xf32>,
          tpu.vector_store %arg16[%swap3A_198, %swap3A_199], %mul3A_197 {strides = array<i32>} : memref<128x128xf32, #tpu.memory_space<vmem>>, vector<16xf32>,
          %get3A_201 = arith.index_cast %scan3A_167 : i32 to index
          %get3A_202 = arith.constant 80 : index
          %get3A_203 = tpu.vector_load %arg16[%get3A_201, %get3A_202] {strides = array<i32>} : memref<128x128xf32, #tpu.memory_space<vmem>>, vector<16xf32>,
          %mul3A_204 = arith.mulf %get3A_203, %gather3A : vector<16xf32>
          %swap3A_205 = arith.index_cast %scan3A_167 : i32 to index
          %swap3A_206 = arith.constant 80 : index
          %swap3A_207 = tpu.vector_load %arg16[%swap3A_205, %swap3A_206] {strides = array<i32>} : memref<128x128xf32, #tpu.memory_space<vmem>>, vector<16xf32>,
          tpu.vector_store %arg16[%swap3A_205, %swap3A_206], %mul3A_204 {strides = array<i32>} : memref<128x128xf32, #tpu.memory_space<vmem>>, vector<16xf32>,
          %get3A_208 = arith.index_cast %scan3A_167 : i32 to index
          %get3A_209 = arith.constant 96 : index
          %get3A_210 = tpu.vector_load %arg16[%get3A_208, %get3A_209] {strides = array<i32>} : memref<128x128xf32, #tpu.memory_space<vmem>>, vector<16xf32>,
          %mul3A_211 = arith.mulf %get3A_210, %gather3A : vector<16xf32>
          %swap3A_212 = arith.index_cast %scan3A_167 : i32 to index
          %swap3A_213 = arith.constant 96 : index
          %swap3A_214 = tpu.vector_load %arg16[%swap3A_212, %swap3A_213] {strides = array<i32>} : memref<128x128xf32, #tpu.memory_space<vmem>>, vector<16xf32>,
          tpu.vector_store %arg16[%swap3A_212, %swap3A_213], %mul3A_211 {strides = array<i32>} : memref<128x128xf32, #tpu.memory_space<vmem>>, vector<16xf32>,
          %get3A_215 = arith.index_cast %scan3A_167 : i32 to index
          %get3A_216 = arith.constant 112 : index
          %get3A_217 = tpu.vector_load %arg16[%get3A_215, %get3A_216] {strides = array<i32>} : memref<128x128xf32, #tpu.memory_space<vmem>>, vector<16xf32>,
          %mul3A_218 = arith.mulf %get3A_217, %gather3A : vector<16xf32>
          %swap3A_219 = arith.index_cast %scan3A_167 : i32 to index
          %swap3A_220 = arith.constant 112 : index
          %swap3A_221 = tpu.vector_load %arg16[%swap3A_219, %swap3A_220] {strides = array<i32>} : memref<128x128xf32, #tpu.memory_space<vmem>>, vector<16xf32>,
          tpu.vector_store %arg16[%swap3A_219, %swap3A_220], %mul3A_218 {strides = array<i32>} : memref<128x128xf32, #tpu.memory_space<vmem>>, vector<16xf32>,
        }
        %scan3A_166 = arith.constant 128 : i32
        "tpu.region"() ({
          %run_scoped3A = tpu.sem_alloc : memref<!tpu.dma_semaphore, #tpu.memory_space<semaphore_mem>>
          %dma_start3A_167 = arith.constant 0 : i32
          %dma_start3A_168 = tpu.memref_slice %arg7[%add3A_161, %dma_start3A_167] : memref<16x128xi32, #tpu.memory_space<vmem>> -> memref<1x128xi32, #tpu.memory_space<vmem>>
          %dma_start3A_169 = tpu.memref_squeeze %dma_start3A_168 : memref<1x128xi32, #tpu.memory_space<vmem>> -> memref<128xi32, #tpu.memory_space<vmem>>
          %dma_start3A_170 = arith.constant 0 : i32
          %dma_start3A_171 = arith.constant 0 : i32
          %dma_start3A_172 = tpu.memref_slice %arg18[%dma_start3A_170, %dma_start3A_171] : memref<10240x128xf32, #tpu.memory_space<vmem_shared>> -> memref<10240x128xf32, #tpu.memory_space<vmem_shared>>
          tpu.enqueue_indirect_dma source(%arg16 : memref<128x128xf32, #tpu.memory_space<vmem>>) target(%dma_start3A_172 : memref<10240x128xf32, #tpu.memory_space<vmem_shared>>) offsets(%dma_start3A_169 : memref<128xi32, #tpu.memory_space<vmem>>) semaphore(%run_scoped3A : memref<!tpu.dma_semaphore, #tpu.memory_space<semaphore_mem>>) {add = true}
          %dma_wait3A_173 = arith.constant 0 : i32
          %dma_wait3A_174 = tpu.memref_slice %arg7[%add3A_161, %dma_wait3A_173] : memref<16x128xi32, #tpu.memory_space<vmem>> -> memref<1x128xi32, #tpu.memory_space<vmem>>
          %dma_wait3A_175 = tpu.memref_squeeze %dma_wait3A_174 : memref<1x128xi32, #tpu.memory_space<vmem>> -> memref<128xi32, #tpu.memory_space<vmem>>
          %dma_wait3A_176 = arith.constant 0 : i32
          %dma_wait3A_177 = arith.constant 0 : i32
          %dma_wait3A_178 = tpu.memref_slice %arg18[%dma_wait3A_176, %dma_wait3A_177] : memref<10240x128xf32, #tpu.memory_space<vmem_shared>> -> memref<10240x128xf32, #tpu.memory_space<vmem_shared>>
          tpu.wait_indirect_dma semaphore(%run_scoped3A : memref<!tpu.dma_semaphore, #tpu.memory_space<semaphore_mem>>) src(%arg16 : memref<128x128xf32, #tpu.memory_space<vmem>>) dst(%dma_wait3A_178 : memref<10240x128xf32, #tpu.memory_space<vmem_shared>>)
          tpu.yield
        }) : () -> ()
      }
      %scan3A_109 = arith.constant 8 : i32
    }
    %barrier3A_61 = arith.constant 0 : index
    tpu.barrier barrier_id(%barrier3A_61)
    "tpu.trace_stop"() : () -> ()
    "tpu.trace_start"() <{level = 10 : i32, message = "pD"}> : () -> ()
    %mul3A_62 = arith.constant 640 : i32
    %mul3A_63 = arith.muli %arg1, %mul3A_62 : i32
    %add3A_64 = arith.constant 0 : i32
    %add3A_65 = arith.addi %mul3A_63, %add3A_64 : i32
    "tpu.region"() ({
      %run_scoped3A = tpu.sem_alloc : memref<!tpu.dma_semaphore, #tpu.memory_space<semaphore_mem>>
      %dma_start3A = arith.constant 0 : i32
      %dma_start3A_84 = tpu.memref_slice %arg18[%add3A_65, %dma_start3A] : memref<10240x128xf32, #tpu.memory_space<vmem_shared>> -> memref<128x128xf32, #tpu.memory_space<vmem_shared>>
      %dma_start3A_85 = arith.constant 0 : i32
      %dma_start3A_86 = tpu.memref_slice %arg18[%add3A_65, %dma_start3A_85] : memref<10240x128xf32, #tpu.memory_space<vmem_shared>> -> memref<128x128xf32, #tpu.memory_space<vmem_shared>>
      tpu.enqueue_dma source(%dma_start3A_86 : memref<128x128xf32, #tpu.memory_space<vmem_shared>>) target(%arg15 : memref<128x128xf32, #tpu.memory_space<vmem>>) target_semaphore(%run_scoped3A : memref<!tpu.dma_semaphore, #tpu.memory_space<semaphore_mem>>)
      %dma_wait3A = arith.constant 0 : i32
      %dma_wait3A_87 = tpu.memref_slice %arg18[%add3A_65, %dma_wait3A] : memref<10240x128xf32, #tpu.memory_space<vmem_shared>> -> memref<128x128xf32, #tpu.memory_space<vmem_shared>>
      %dma_wait3A_88 = arith.constant 0 : i32
      %dma_wait3A_89 = tpu.memref_slice %arg18[%add3A_65, %dma_wait3A_88] : memref<10240x128xf32, #tpu.memory_space<vmem_shared>> -> memref<128x128xf32, #tpu.memory_space<vmem_shared>>
      tpu.wait_dma2 semaphore(%run_scoped3A : memref<!tpu.dma_semaphore, #tpu.memory_space<semaphore_mem>>) src(%dma_wait3A_89 : memref<128x128xf32, #tpu.memory_space<vmem_shared>>) dst(%arg15 : memref<128x128xf32, #tpu.memory_space<vmem>>)
      tpu.yield
    }) : () -> ()
    %add3A_66 = arith.constant 0 : i32
    %add3A_67 = arith.addi %mul3A_63, %add3A_66 : i32
    "tpu.region"() ({
      %run_scoped3A = tpu.sem_alloc : memref<!tpu.dma_semaphore, #tpu.memory_space<semaphore_mem>>
      %dma_start3A = arith.constant 0 : i32
      %dma_start3A_84 = tpu.memref_slice %arg6[%arg0, %add3A_67, %dma_start3A] : memref<2x10240x128xf32, #tpu.memory_space<hbm>> -> memref<1x128x128xf32, #tpu.memory_space<hbm>>
      %dma_start3A_85 = tpu.memref_squeeze %dma_start3A_84 : memref<1x128x128xf32, #tpu.memory_space<hbm>> -> memref<128x128xf32, #tpu.memory_space<hbm>>
      %dma_start3A_86 = arith.constant 0 : i32
      %dma_start3A_87 = tpu.memref_slice %arg6[%arg0, %add3A_67, %dma_start3A_86] : memref<2x10240x128xf32, #tpu.memory_space<hbm>> -> memref<1x128x128xf32, #tpu.memory_space<hbm>>
      %dma_start3A_88 = tpu.memref_squeeze %dma_start3A_87 : memref<1x128x128xf32, #tpu.memory_space<hbm>> -> memref<128x128xf32, #tpu.memory_space<hbm>>
      tpu.enqueue_dma source(%arg15 : memref<128x128xf32, #tpu.memory_space<vmem>>) target(%dma_start3A_88 : memref<128x128xf32, #tpu.memory_space<hbm>>) target_semaphore(%run_scoped3A : memref<!tpu.dma_semaphore, #tpu.memory_space<semaphore_mem>>)
      %dma_wait3A = arith.constant 0 : i32
      %dma_wait3A_89 = tpu.memref_slice %arg6[%arg0, %add3A_67, %dma_wait3A] : memref<2x10240x128xf32, #tpu.memory_space<hbm>> -> memref<1x128x128xf32, #tpu.memory_space<hbm>>
      %dma_wait3A_90 = tpu.memref_squeeze %dma_wait3A_89 : memref<1x128x128xf32, #tpu.memory_space<hbm>> -> memref<128x128xf32, #tpu.memory_space<hbm>>
      %dma_wait3A_91 = arith.constant 0 : i32
      %dma_wait3A_92 = tpu.memref_slice %arg6[%arg0, %add3A_67, %dma_wait3A_91] : memref<2x10240x128xf32, #tpu.memory_space<hbm>> -> memref<1x128x128xf32, #tpu.memory_space<hbm>>
      %dma_wait3A_93 = tpu.memref_squeeze %dma_wait3A_92 : memref<1x128x128xf32, #tpu.memory_space<hbm>> -> memref<128x128xf32, #tpu.memory_space<hbm>>
      tpu.wait_dma2 semaphore(%run_scoped3A : memref<!tpu.dma_semaphore, #tpu.memory_space<semaphore_mem>>) src(%arg15 : memref<128x128xf32, #tpu.memory_space<vmem>>) dst(%dma_wait3A_93 : memref<128x128xf32, #tpu.memory_space<hbm>>)
      tpu.yield
    }) : () -> ()
    %add3A_68 = arith.constant 128 : i32
    %add3A_69 = arith.addi %mul3A_63, %add3A_68 : i32
    "tpu.region"() ({
      %run_scoped3A = tpu.sem_alloc : memref<!tpu.dma_semaphore, #tpu.memory_space<semaphore_mem>>
      %dma_start3A = arith.constant 0 : i32
      %dma_start3A_84 = tpu.memref_slice %arg18[%add3A_69, %dma_start3A] : memref<10240x128xf32, #tpu.memory_space<vmem_shared>> -> memref<128x128xf32, #tpu.memory_space<vmem_shared>>
      %dma_start3A_85 = arith.constant 0 : i32
      %dma_start3A_86 = tpu.memref_slice %arg18[%add3A_69, %dma_start3A_85] : memref<10240x128xf32, #tpu.memory_space<vmem_shared>> -> memref<128x128xf32, #tpu.memory_space<vmem_shared>>
      tpu.enqueue_dma source(%dma_start3A_86 : memref<128x128xf32, #tpu.memory_space<vmem_shared>>) target(%arg15 : memref<128x128xf32, #tpu.memory_space<vmem>>) target_semaphore(%run_scoped3A : memref<!tpu.dma_semaphore, #tpu.memory_space<semaphore_mem>>)
      %dma_wait3A = arith.constant 0 : i32
      %dma_wait3A_87 = tpu.memref_slice %arg18[%add3A_69, %dma_wait3A] : memref<10240x128xf32, #tpu.memory_space<vmem_shared>> -> memref<128x128xf32, #tpu.memory_space<vmem_shared>>
      %dma_wait3A_88 = arith.constant 0 : i32
      %dma_wait3A_89 = tpu.memref_slice %arg18[%add3A_69, %dma_wait3A_88] : memref<10240x128xf32, #tpu.memory_space<vmem_shared>> -> memref<128x128xf32, #tpu.memory_space<vmem_shared>>
      tpu.wait_dma2 semaphore(%run_scoped3A : memref<!tpu.dma_semaphore, #tpu.memory_space<semaphore_mem>>) src(%dma_wait3A_89 : memref<128x128xf32, #tpu.memory_space<vmem_shared>>) dst(%arg15 : memref<128x128xf32, #tpu.memory_space<vmem>>)
      tpu.yield
    }) : () -> ()
    %add3A_70 = arith.constant 128 : i32
    %add3A_71 = arith.addi %mul3A_63, %add3A_70 : i32
    "tpu.region"() ({
      %run_scoped3A = tpu.sem_alloc : memref<!tpu.dma_semaphore, #tpu.memory_space<semaphore_mem>>
      %dma_start3A = arith.constant 0 : i32
      %dma_start3A_84 = tpu.memref_slice %arg6[%arg0, %add3A_71, %dma_start3A] : memref<2x10240x128xf32, #tpu.memory_space<hbm>> -> memref<1x128x128xf32, #tpu.memory_space<hbm>>
      %dma_start3A_85 = tpu.memref_squeeze %dma_start3A_84 : memref<1x128x128xf32, #tpu.memory_space<hbm>> -> memref<128x128xf32, #tpu.memory_space<hbm>>
      %dma_start3A_86 = arith.constant 0 : i32
      %dma_start3A_87 = tpu.memref_slice %arg6[%arg0, %add3A_71, %dma_start3A_86] : memref<2x10240x128xf32, #tpu.memory_space<hbm>> -> memref<1x128x128xf32, #tpu.memory_space<hbm>>
      %dma_start3A_88 = tpu.memref_squeeze %dma_start3A_87 : memref<1x128x128xf32, #tpu.memory_space<hbm>> -> memref<128x128xf32, #tpu.memory_space<hbm>>
      tpu.enqueue_dma source(%arg15 : memref<128x128xf32, #tpu.memory_space<vmem>>) target(%dma_start3A_88 : memref<128x128xf32, #tpu.memory_space<hbm>>) target_semaphore(%run_scoped3A : memref<!tpu.dma_semaphore, #tpu.memory_space<semaphore_mem>>)
      %dma_wait3A = arith.constant 0 : i32
      %dma_wait3A_89 = tpu.memref_slice %arg6[%arg0, %add3A_71, %dma_wait3A] : memref<2x10240x128xf32, #tpu.memory_space<hbm>> -> memref<1x128x128xf32, #tpu.memory_space<hbm>>
      %dma_wait3A_90 = tpu.memref_squeeze %dma_wait3A_89 : memref<1x128x128xf32, #tpu.memory_space<hbm>> -> memref<128x128xf32, #tpu.memory_space<hbm>>
      %dma_wait3A_91 = arith.constant 0 : i32
      %dma_wait3A_92 = tpu.memref_slice %arg6[%arg0, %add3A_71, %dma_wait3A_91] : memref<2x10240x128xf32, #tpu.memory_space<hbm>> -> memref<1x128x128xf32, #tpu.memory_space<hbm>>
      %dma_wait3A_93 = tpu.memref_squeeze %dma_wait3A_92 : memref<1x128x128xf32, #tpu.memory_space<hbm>> -> memref<128x128xf32, #tpu.memory_space<hbm>>
      tpu.wait_dma2 semaphore(%run_scoped3A : memref<!tpu.dma_semaphore, #tpu.memory_space<semaphore_mem>>) src(%arg15 : memref<128x128xf32, #tpu.memory_space<vmem>>) dst(%dma_wait3A_93 : memref<128x128xf32, #tpu.memory_space<hbm>>)
      tpu.yield
    }) : () -> ()
    %add3A_72 = arith.constant 256 : i32
    %add3A_73 = arith.addi %mul3A_63, %add3A_72 : i32
    "tpu.region"() ({
      %run_scoped3A = tpu.sem_alloc : memref<!tpu.dma_semaphore, #tpu.memory_space<semaphore_mem>>
      %dma_start3A = arith.constant 0 : i32
      %dma_start3A_84 = tpu.memref_slice %arg18[%add3A_73, %dma_start3A] : memref<10240x128xf32, #tpu.memory_space<vmem_shared>> -> memref<128x128xf32, #tpu.memory_space<vmem_shared>>
      %dma_start3A_85 = arith.constant 0 : i32
      %dma_start3A_86 = tpu.memref_slice %arg18[%add3A_73, %dma_start3A_85] : memref<10240x128xf32, #tpu.memory_space<vmem_shared>> -> memref<128x128xf32, #tpu.memory_space<vmem_shared>>
      tpu.enqueue_dma source(%dma_start3A_86 : memref<128x128xf32, #tpu.memory_space<vmem_shared>>) target(%arg15 : memref<128x128xf32, #tpu.memory_space<vmem>>) target_semaphore(%run_scoped3A : memref<!tpu.dma_semaphore, #tpu.memory_space<semaphore_mem>>)
      %dma_wait3A = arith.constant 0 : i32
      %dma_wait3A_87 = tpu.memref_slice %arg18[%add3A_73, %dma_wait3A] : memref<10240x128xf32, #tpu.memory_space<vmem_shared>> -> memref<128x128xf32, #tpu.memory_space<vmem_shared>>
      %dma_wait3A_88 = arith.constant 0 : i32
      %dma_wait3A_89 = tpu.memref_slice %arg18[%add3A_73, %dma_wait3A_88] : memref<10240x128xf32, #tpu.memory_space<vmem_shared>> -> memref<128x128xf32, #tpu.memory_space<vmem_shared>>
      tpu.wait_dma2 semaphore(%run_scoped3A : memref<!tpu.dma_semaphore, #tpu.memory_space<semaphore_mem>>) src(%dma_wait3A_89 : memref<128x128xf32, #tpu.memory_space<vmem_shared>>) dst(%arg15 : memref<128x128xf32, #tpu.memory_space<vmem>>)
      tpu.yield
    }) : () -> ()
    %add3A_74 = arith.constant 256 : i32
    %add3A_75 = arith.addi %mul3A_63, %add3A_74 : i32
    "tpu.region"() ({
      %run_scoped3A = tpu.sem_alloc : memref<!tpu.dma_semaphore, #tpu.memory_space<semaphore_mem>>
      %dma_start3A = arith.constant 0 : i32
      %dma_start3A_84 = tpu.memref_slice %arg6[%arg0, %add3A_75, %dma_start3A] : memref<2x10240x128xf32, #tpu.memory_space<hbm>> -> memref<1x128x128xf32, #tpu.memory_space<hbm>>
      %dma_start3A_85 = tpu.memref_squeeze %dma_start3A_84 : memref<1x128x128xf32, #tpu.memory_space<hbm>> -> memref<128x128xf32, #tpu.memory_space<hbm>>
      %dma_start3A_86 = arith.constant 0 : i32
      %dma_start3A_87 = tpu.memref_slice %arg6[%arg0, %add3A_75, %dma_start3A_86] : memref<2x10240x128xf32, #tpu.memory_space<hbm>> -> memref<1x128x128xf32, #tpu.memory_space<hbm>>
      %dma_start3A_88 = tpu.memref_squeeze %dma_start3A_87 : memref<1x128x128xf32, #tpu.memory_space<hbm>> -> memref<128x128xf32, #tpu.memory_space<hbm>>
      tpu.enqueue_dma source(%arg15 : memref<128x128xf32, #tpu.memory_space<vmem>>) target(%dma_start3A_88 : memref<128x128xf32, #tpu.memory_space<hbm>>) target_semaphore(%run_scoped3A : memref<!tpu.dma_semaphore, #tpu.memory_space<semaphore_mem>>)
      %dma_wait3A = arith.constant 0 : i32
      %dma_wait3A_89 = tpu.memref_slice %arg6[%arg0, %add3A_75, %dma_wait3A] : memref<2x10240x128xf32, #tpu.memory_space<hbm>> -> memref<1x128x128xf32, #tpu.memory_space<hbm>>
      %dma_wait3A_90 = tpu.memref_squeeze %dma_wait3A_89 : memref<1x128x128xf32, #tpu.memory_space<hbm>> -> memref<128x128xf32, #tpu.memory_space<hbm>>
      %dma_wait3A_91 = arith.constant 0 : i32
      %dma_wait3A_92 = tpu.memref_slice %arg6[%arg0, %add3A_75, %dma_wait3A_91] : memref<2x10240x128xf32, #tpu.memory_space<hbm>> -> memref<1x128x128xf32, #tpu.memory_space<hbm>>
      %dma_wait3A_93 = tpu.memref_squeeze %dma_wait3A_92 : memref<1x128x128xf32, #tpu.memory_space<hbm>> -> memref<128x128xf32, #tpu.memory_space<hbm>>
      tpu.wait_dma2 semaphore(%run_scoped3A : memref<!tpu.dma_semaphore, #tpu.memory_space<semaphore_mem>>) src(%arg15 : memref<128x128xf32, #tpu.memory_space<vmem>>) dst(%dma_wait3A_93 : memref<128x128xf32, #tpu.memory_space<hbm>>)
      tpu.yield
    }) : () -> ()
    %add3A_76 = arith.constant 384 : i32
    %add3A_77 = arith.addi %mul3A_63, %add3A_76 : i32
    "tpu.region"() ({
      %run_scoped3A = tpu.sem_alloc : memref<!tpu.dma_semaphore, #tpu.memory_space<semaphore_mem>>
      %dma_start3A = arith.constant 0 : i32
      %dma_start3A_84 = tpu.memref_slice %arg18[%add3A_77, %dma_start3A] : memref<10240x128xf32, #tpu.memory_space<vmem_shared>> -> memref<128x128xf32, #tpu.memory_space<vmem_shared>>
      %dma_start3A_85 = arith.constant 0 : i32
      %dma_start3A_86 = tpu.memref_slice %arg18[%add3A_77, %dma_start3A_85] : memref<10240x128xf32, #tpu.memory_space<vmem_shared>> -> memref<128x128xf32, #tpu.memory_space<vmem_shared>>
      tpu.enqueue_dma source(%dma_start3A_86 : memref<128x128xf32, #tpu.memory_space<vmem_shared>>) target(%arg15 : memref<128x128xf32, #tpu.memory_space<vmem>>) target_semaphore(%run_scoped3A : memref<!tpu.dma_semaphore, #tpu.memory_space<semaphore_mem>>)
      %dma_wait3A = arith.constant 0 : i32
      %dma_wait3A_87 = tpu.memref_slice %arg18[%add3A_77, %dma_wait3A] : memref<10240x128xf32, #tpu.memory_space<vmem_shared>> -> memref<128x128xf32, #tpu.memory_space<vmem_shared>>
      %dma_wait3A_88 = arith.constant 0 : i32
      %dma_wait3A_89 = tpu.memref_slice %arg18[%add3A_77, %dma_wait3A_88] : memref<10240x128xf32, #tpu.memory_space<vmem_shared>> -> memref<128x128xf32, #tpu.memory_space<vmem_shared>>
      tpu.wait_dma2 semaphore(%run_scoped3A : memref<!tpu.dma_semaphore, #tpu.memory_space<semaphore_mem>>) src(%dma_wait3A_89 : memref<128x128xf32, #tpu.memory_space<vmem_shared>>) dst(%arg15 : memref<128x128xf32, #tpu.memory_space<vmem>>)
      tpu.yield
    }) : () -> ()
    %add3A_78 = arith.constant 384 : i32
    %add3A_79 = arith.addi %mul3A_63, %add3A_78 : i32
    "tpu.region"() ({
      %run_scoped3A = tpu.sem_alloc : memref<!tpu.dma_semaphore, #tpu.memory_space<semaphore_mem>>
      %dma_start3A = arith.constant 0 : i32
      %dma_start3A_84 = tpu.memref_slice %arg6[%arg0, %add3A_79, %dma_start3A] : memref<2x10240x128xf32, #tpu.memory_space<hbm>> -> memref<1x128x128xf32, #tpu.memory_space<hbm>>
      %dma_start3A_85 = tpu.memref_squeeze %dma_start3A_84 : memref<1x128x128xf32, #tpu.memory_space<hbm>> -> memref<128x128xf32, #tpu.memory_space<hbm>>
      %dma_start3A_86 = arith.constant 0 : i32
      %dma_start3A_87 = tpu.memref_slice %arg6[%arg0, %add3A_79, %dma_start3A_86] : memref<2x10240x128xf32, #tpu.memory_space<hbm>> -> memref<1x128x128xf32, #tpu.memory_space<hbm>>
      %dma_start3A_88 = tpu.memref_squeeze %dma_start3A_87 : memref<1x128x128xf32, #tpu.memory_space<hbm>> -> memref<128x128xf32, #tpu.memory_space<hbm>>
      tpu.enqueue_dma source(%arg15 : memref<128x128xf32, #tpu.memory_space<vmem>>) target(%dma_start3A_88 : memref<128x128xf32, #tpu.memory_space<hbm>>) target_semaphore(%run_scoped3A : memref<!tpu.dma_semaphore, #tpu.memory_space<semaphore_mem>>)
      %dma_wait3A = arith.constant 0 : i32
      %dma_wait3A_89 = tpu.memref_slice %arg6[%arg0, %add3A_79, %dma_wait3A] : memref<2x10240x128xf32, #tpu.memory_space<hbm>> -> memref<1x128x128xf32, #tpu.memory_space<hbm>>
      %dma_wait3A_90 = tpu.memref_squeeze %dma_wait3A_89 : memref<1x128x128xf32, #tpu.memory_space<hbm>> -> memref<128x128xf32, #tpu.memory_space<hbm>>
      %dma_wait3A_91 = arith.constant 0 : i32
      %dma_wait3A_92 = tpu.memref_slice %arg6[%arg0, %add3A_79, %dma_wait3A_91] : memref<2x10240x128xf32, #tpu.memory_space<hbm>> -> memref<1x128x128xf32, #tpu.memory_space<hbm>>
      %dma_wait3A_93 = tpu.memref_squeeze %dma_wait3A_92 : memref<1x128x128xf32, #tpu.memory_space<hbm>> -> memref<128x128xf32, #tpu.memory_space<hbm>>
      tpu.wait_dma2 semaphore(%run_scoped3A : memref<!tpu.dma_semaphore, #tpu.memory_space<semaphore_mem>>) src(%arg15 : memref<128x128xf32, #tpu.memory_space<vmem>>) dst(%dma_wait3A_93 : memref<128x128xf32, #tpu.memory_space<hbm>>)
      tpu.yield
    }) : () -> ()
    %add3A_80 = arith.constant 512 : i32
    %add3A_81 = arith.addi %mul3A_63, %add3A_80 : i32
    "tpu.region"() ({
      %run_scoped3A = tpu.sem_alloc : memref<!tpu.dma_semaphore, #tpu.memory_space<semaphore_mem>>
      %dma_start3A = arith.constant 0 : i32
      %dma_start3A_84 = tpu.memref_slice %arg18[%add3A_81, %dma_start3A] : memref<10240x128xf32, #tpu.memory_space<vmem_shared>> -> memref<128x128xf32, #tpu.memory_space<vmem_shared>>
      %dma_start3A_85 = arith.constant 0 : i32
      %dma_start3A_86 = tpu.memref_slice %arg18[%add3A_81, %dma_start3A_85] : memref<10240x128xf32, #tpu.memory_space<vmem_shared>> -> memref<128x128xf32, #tpu.memory_space<vmem_shared>>
      tpu.enqueue_dma source(%dma_start3A_86 : memref<128x128xf32, #tpu.memory_space<vmem_shared>>) target(%arg15 : memref<128x128xf32, #tpu.memory_space<vmem>>) target_semaphore(%run_scoped3A : memref<!tpu.dma_semaphore, #tpu.memory_space<semaphore_mem>>)
      %dma_wait3A = arith.constant 0 : i32
      %dma_wait3A_87 = tpu.memref_slice %arg18[%add3A_81, %dma_wait3A] : memref<10240x128xf32, #tpu.memory_space<vmem_shared>> -> memref<128x128xf32, #tpu.memory_space<vmem_shared>>
      %dma_wait3A_88 = arith.constant 0 : i32
      %dma_wait3A_89 = tpu.memref_slice %arg18[%add3A_81, %dma_wait3A_88] : memref<10240x128xf32, #tpu.memory_space<vmem_shared>> -> memref<128x128xf32, #tpu.memory_space<vmem_shared>>
      tpu.wait_dma2 semaphore(%run_scoped3A : memref<!tpu.dma_semaphore, #tpu.memory_space<semaphore_mem>>) src(%dma_wait3A_89 : memref<128x128xf32, #tpu.memory_space<vmem_shared>>) dst(%arg15 : memref<128x128xf32, #tpu.memory_space<vmem>>)
      tpu.yield
    }) : () -> ()
    %add3A_82 = arith.constant 512 : i32
    %add3A_83 = arith.addi %mul3A_63, %add3A_82 : i32
    "tpu.region"() ({
      %run_scoped3A = tpu.sem_alloc : memref<!tpu.dma_semaphore, #tpu.memory_space<semaphore_mem>>
      %dma_start3A = arith.constant 0 : i32
      %dma_start3A_84 = tpu.memref_slice %arg6[%arg0, %add3A_83, %dma_start3A] : memref<2x10240x128xf32, #tpu.memory_space<hbm>> -> memref<1x128x128xf32, #tpu.memory_space<hbm>>
      %dma_start3A_85 = tpu.memref_squeeze %dma_start3A_84 : memref<1x128x128xf32, #tpu.memory_space<hbm>> -> memref<128x128xf32, #tpu.memory_space<hbm>>
      %dma_start3A_86 = arith.constant 0 : i32
      %dma_start3A_87 = tpu.memref_slice %arg6[%arg0, %add3A_83, %dma_start3A_86] : memref<2x10240x128xf32, #tpu.memory_space<hbm>> -> memref<1x128x128xf32, #tpu.memory_space<hbm>>
      %dma_start3A_88 = tpu.memref_squeeze %dma_start3A_87 : memref<1x128x128xf32, #tpu.memory_space<hbm>> -> memref<128x128xf32, #tpu.memory_space<hbm>>
      tpu.enqueue_dma source(%arg15 : memref<128x128xf32, #tpu.memory_space<vmem>>) target(%dma_start3A_88 : memref<128x128xf32, #tpu.memory_space<hbm>>) target_semaphore(%run_scoped3A : memref<!tpu.dma_semaphore, #tpu.memory_space<semaphore_mem>>)
      %dma_wait3A = arith.constant 0 : i32
      %dma_wait3A_89 = tpu.memref_slice %arg6[%arg0, %add3A_83, %dma_wait3A] : memref<2x10240x128xf32, #tpu.memory_space<hbm>> -> memref<1x128x128xf32, #tpu.memory_space<hbm>>
      %dma_wait3A_90 = tpu.memref_squeeze %dma_wait3A_89 : memref<1x128x128xf32, #tpu.memory_space<hbm>> -> memref<128x128xf32, #tpu.memory_space<hbm>>
      %dma_wait3A_91 = arith.constant 0 : i32
      %dma_wait3A_92 = tpu.memref_slice %arg6[%arg0, %add3A_83, %dma_wait3A_91] : memref<2x10240x128xf32, #tpu.memory_space<hbm>> -> memref<1x128x128xf32, #tpu.memory_space<hbm>>
      %dma_wait3A_93 = tpu.memref_squeeze %dma_wait3A_92 : memref<1x128x128xf32, #tpu.memory_space<hbm>> -> memref<128x128xf32, #tpu.memory_space<hbm>>
      tpu.wait_dma2 semaphore(%run_scoped3A : memref<!tpu.dma_semaphore, #tpu.memory_space<semaphore_mem>>) src(%arg15 : memref<128x128xf32, #tpu.memory_space<vmem>>) dst(%dma_wait3A_93 : memref<128x128xf32, #tpu.memory_space<hbm>>)
      tpu.yield
    }) : () -> ()
    "tpu.trace_stop"() : () -> ()
    return
  }
}

module attributes {stable_mosaic.version = 14 : i64} {
  func.func @_tc_add_kernel(%arg0: i32, %arg1: memref<2x1000x128xf32, #tpu.memory_space<vmem>>, %arg2: memref<1000x128xf32, #tpu.memory_space<vmem>>) attributes {dimension_semantics = [#tpu.dimension_semantics<arbitrary>], iteration_bounds = array<i64: 10>, scalar_prefetch = 0 : i64, scratch_operands = 0 : i64, tpu.core_type = #tpu.core_type<tc>, window_params = [{transform_indices = @transform_0, window_bounds = array<i64: 2, 1000, 128>}, {transform_indices = @transform_1, window_bounds = array<i64: 1000, 128>}]} {
    %get3A = arith.constant 0 : index
    %get3A_0 = arith.constant 0 : index
    %get3A_1 = arith.constant 0 : index
    %get3A_2 = vector.load %arg1[%get3A, %get3A_0, %get3A_1] : memref<2x1000x128xf32, #tpu.memory_space<vmem>>, vector<1x1000x128xf32>
    %get3A_3 = vector.shape_cast %get3A_2 : vector<1x1000x128xf32> to vector<1000x128xf32>
    %get3A_4 = arith.constant 1 : index
    %get3A_5 = arith.constant 0 : index
    %get3A_6 = arith.constant 0 : index
    %get3A_7 = vector.load %arg1[%get3A_4, %get3A_5, %get3A_6] : memref<2x1000x128xf32, #tpu.memory_space<vmem>>, vector<1x1000x128xf32>
    %get3A_8 = vector.shape_cast %get3A_7 : vector<1x1000x128xf32> to vector<1000x128xf32>
    %add3A = arith.addf %get3A_3, %get3A_8 : vector<1000x128xf32>
    %swap3A = arith.constant 0 : index
    %swap3A_9 = arith.constant 0 : index
    %swap3A_10 = vector.load %arg2[%swap3A, %swap3A_9] : memref<1000x128xf32, #tpu.memory_space<vmem>>, vector<1000x128xf32>
    tpu.vector_store %arg2[%swap3A, %swap3A_9], %add3A {strides = array<i32>} : memref<1000x128xf32, #tpu.memory_space<vmem>>, vector<1000x128xf32>,
    return
  }
  func.func @transform_0(%arg0: i32) -> (i32, i32, i32) {
    %c0_i32 = arith.constant 0 : i32
    %c0_i32_0 = arith.constant 0 : i32
    %c0_i32_1 = arith.constant 0 : i32
    return %c0_i32, %arg0, %c0_i32_0 : i32, i32, i32
  }
  func.func @transform_1(%arg0: i32) -> (i32, i32) {
    %c0_i32 = arith.constant 0 : i32
    %c0_i32_0 = arith.constant 0 : i32
    return %arg0, %c0_i32 : i32, i32
  }
}

module attributes {stable_mosaic.version = 14 : i64} {
  func.func @_tc_prep_kernel(%arg0: memref<2x320000xi32, #tpu.memory_space<vmem>>, %arg1: memref<320000xi32, #tpu.memory_space<vmem>>, %arg2: memref<327680xi32, #tpu.memory_space<vmem>>, %arg3: memref<327680xi32, #tpu.memory_space<vmem>>, %arg4: memref<327680xi32, #tpu.memory_space<vmem>>) attributes {dimension_semantics = [], scalar_prefetch = 0 : i64, scratch_operands = 0 : i64, tpu.core_type = #tpu.core_type<tc>} {
    %get3A = arith.constant 0 : index
    %get3A_0 = arith.constant 0 : index
    %get3A_1 = vector.load %arg0[%get3A, %get3A_0] : memref<2x320000xi32, #tpu.memory_space<vmem>>, vector<1x320000xi32>
    %get3A_2 = vector.shape_cast %get3A_1 : vector<1x320000xi32> to vector<320000xi32>
    %swap3A = arith.constant 0 : index
    %swap3A_3 = vector.load %arg2[%swap3A] : memref<327680xi32, #tpu.memory_space<vmem>>, vector<320000xi32>
    tpu.vector_store %arg2[%swap3A], %get3A_2 {strides = array<i32>} : memref<327680xi32, #tpu.memory_space<vmem>>, vector<320000xi32>,
    %broadcast_in_dim3A = arith.constant 0 : i32
    %broadcast_in_dim3A_4 = vector.broadcast %broadcast_in_dim3A : i32 to vector<7680xi32>
    %swap3A_5 = arith.constant 320000 : index
    %swap3A_6 = vector.load %arg2[%swap3A_5] : memref<327680xi32, #tpu.memory_space<vmem>>, vector<7680xi32>
    tpu.vector_store %arg2[%swap3A_5], %broadcast_in_dim3A_4 {strides = array<i32>} : memref<327680xi32, #tpu.memory_space<vmem>>, vector<7680xi32>,
    %get3A_7 = arith.constant 1 : index
    %get3A_8 = arith.constant 0 : index
    %get3A_9 = vector.load %arg0[%get3A_7, %get3A_8] : memref<2x320000xi32, #tpu.memory_space<vmem>>, vector<1x320000xi32>
    %get3A_10 = vector.shape_cast %get3A_9 : vector<1x320000xi32> to vector<320000xi32>
    %swap3A_11 = arith.constant 0 : index
    %swap3A_12 = vector.load %arg3[%swap3A_11] : memref<327680xi32, #tpu.memory_space<vmem>>, vector<320000xi32>
    tpu.vector_store %arg3[%swap3A_11], %get3A_10 {strides = array<i32>} : memref<327680xi32, #tpu.memory_space<vmem>>, vector<320000xi32>,
    %broadcast_in_dim3A_13 = arith.constant 10000 : i32
    %broadcast_in_dim3A_14 = vector.broadcast %broadcast_in_dim3A_13 : i32 to vector<7680xi32>
    %swap3A_15 = arith.constant 320000 : index
    %swap3A_16 = vector.load %arg3[%swap3A_15] : memref<327680xi32, #tpu.memory_space<vmem>>, vector<7680xi32>
    tpu.vector_store %arg3[%swap3A_15], %broadcast_in_dim3A_14 {strides = array<i32>} : memref<327680xi32, #tpu.memory_space<vmem>>, vector<7680xi32>,
    %get3A_17 = arith.constant 0 : index
    %get3A_18 = vector.load %arg1[%get3A_17] : memref<320000xi32, #tpu.memory_space<vmem>>, vector<320000xi32>
    %swap3A_19 = arith.constant 0 : index
    %swap3A_20 = vector.load %arg4[%swap3A_19] : memref<327680xi32, #tpu.memory_space<vmem>>, vector<320000xi32>
    tpu.vector_store %arg4[%swap3A_19], %get3A_18 {strides = array<i32>} : memref<327680xi32, #tpu.memory_space<vmem>>, vector<320000xi32>,
    %broadcast_in_dim3A_21 = arith.constant 0 : i32
    %broadcast_in_dim3A_22 = vector.broadcast %broadcast_in_dim3A_21 : i32 to vector<7680xi32>
    %swap3A_23 = arith.constant 320000 : index
    %swap3A_24 = vector.load %arg4[%swap3A_23] : memref<327680xi32, #tpu.memory_space<vmem>>, vector<7680xi32>
    tpu.vector_store %arg4[%swap3A_23], %broadcast_in_dim3A_22 {strides = array<i32>} : memref<327680xi32, #tpu.memory_space<vmem>>, vector<7680xi32>,
    return
  }
}

</mosaic_0001>

<sc_bundles>
// kernel: kernel.5.cloned.1.call-start
scs
__scs_entry_jumppad:
0x0: {  	(pc) =	sbr.rel $0x88, $3  }
0x1: {  	(tag) =	ssettag $0x0;
	lr =	simm.s32 $0x1  }
0x2: {  	[smem:$0x3F9E] =	sst lr;
	_ =	strace $0xD0000000  }
0x3: {  	_ = 	snop  }
0x4: {  	_ = 	snop  }
0x5: {  	_ = 	snop  }
0x6: {  	_ = 	snop  }
0x7: {  	_ = 	snop  }
__scs_overlays_trampoline_lowered:
0x8: {  	[smem:$0x3FAD] =	sst s0  }
0x9: {  	[smem:$0x3FAE] =	sst s1  }
0xa: {  	[smem:$0x3FAF] =	sst s2  }
0xb: {  	[smem:$0x3FB0] =	sst s3  }
0xc: {  	[smem:$0x3FB1] =	sst s4  }
0xd: {  	[smem:$0x3FB2] =	sst s5  }
0xe: {  	[smem:$0x3FB3] =	sst s6  }
0xf: {  	[smem:$0x3FB4] =	sst s7  }
0x10: {  	[smem:$0x3FB5] =	sst s8  }
0x11: {  	[smem:$0x3FB6] =	sst s9;
	s0 =	simm.s32 @!p0 $0x0  }
0x12: {  	s1 =	sld [smem:$0x3F9C];
	s0 =	simm.s32 @p0 $0x1  }
0x13: {  	[smem:$0x3FB7] =	sst s0;
	s0 =	simm.s32 @!p1 $0x0  }
0x14: {  	s2 =	sld [smem:$0x3F9B];
	s0 =	simm.s32 @p1 $0x1  }
0x15: {  	[smem:$0x3FB8] =	sst s0;
	s0 =	simm.s32 @!p2 $0x0  }
0x16: {  	s3 =	sld [smem:$0x3FDB];
	s0 =	simm.s32 @p2 $0x1  }
0x17: {  	s4 =	simm.s32 $0x1BF5;
	[smem:$0x3FBA] =	sst s0  }
0x18: {  	s0 =	sld [smem:$0x3F9D];
	_ =	swait.ge [sflag:s4], $0x0  }
0x19: {  	s7 =	sld [smem:$0x3F9E]  }
0x1a: {  	s8 =	sadd.s32 $0xFFFFE003, lr  }
0x1b: {  	s9 =	sadd.s32 $0xFFFFFEF7, lr;
	s5 =	simm.s32 $0xFFFFFFFF;
	p2 =	slt.u32 s8, $0xFFFFF086  }
0x1c: {  	p1 =	slt.u32 s9, $0xF7A;
	s5 =	simm.s32 @!p2 $0x0  }
0x1d: {  	s5 =	simm.s32 @p1 $0x1;
	p0 =	seq.s32 s7, s2  }
0x1e: {  	s7 =	smul.u32 @!p0 $0xF7A, s2;
	p2 =	seq.s32 @!p0 s5, $0x0  }
0x1f: {  	s9 =	smul.u32 $0xF7A, s1;
	s8 =	simm.s32 @!p0 $0x1BF5;
	p2 =	por !p2, p0  }
0x20: {  	[sflag:s8] =	ssyncset.s32 @!p0 $0xFFFFF086;
	s6 =	sadd.s32 @!p0 s3, s7;
	s7 =	simm.s32 @!p0 $0x108  }
0x21: {  	s3 =	sadd.s32 s3, s9;
	s6 =	sadd.s32 @!p0 $0x88, s6;
	s7 =	simm.s32 @p2 $0x1082  }
0x22: {  	[simem:s7], [sflag:s8] =	dma.local @!p0 [hbm:s6], $0xF7A  }
0x23: {  	s9 =	sor.u32 $0xD0000000, s2;
	s6 =	simm.s32 $0x108;
	_ =	swait.ge @!p0 [sflag:s8], $0x0  }
0x24: {  	s3 =	sadd.s32 $0x88, s3;
	s6 =	simm.s32 @!p1 $0x1082;
	[sflag:s4] =	ssyncset.s32 $0xFFFFF086  }
0x25: {  	[simem:s6], [sflag:s4] =	dma.local [hbm:s3], $0xF7A  }
0x26: {  	[smem:$0x3F9E] =	sst s1;
	(tag) =	ssettag s2;
	_ =	strace s9  }
0x27: {  	s1 =	sld [smem:$0x3FAE]  }
0x28: {  	s2 =	sld [smem:$0x3FAF]  }
0x29: {  	s4 =	sld [smem:$0x3FB1]  }
0x2a: {  	p0 =	seq.s32 s5, $0x0;
	s5 =	sld [smem:$0x3FB2]  }
0x2b: {  	s6 =	sld [smem:$0x3FB3]  }
0x2c: {  	s7 =	sld [smem:$0x3FB4]  }
0x2d: {  	s3 =	simm.s32 $0x108;
	s8 =	sld [smem:$0x3FB5]  }
0x2e: {  	s3 =	simm.s32 @!p0 $0x1082;
	s9 =	sld [smem:$0x3FB6]  }
0x2f: {  	lr =	sadd.s32 s0, s3;
	s0 =	sld [smem:$0x3FAD]  }
0x30: {  	s3 =	sld [smem:$0x3FB0]  }
0x31: {  	[smem:$0x3FB9] =	sst s10  }
0x32: {  	s10 =	sld [smem:$0x3FB7];
	_ =	sdelay $0x3  }
0x33: {  	p0 =	seq.s32 s10, $0x1;
	s10 =	sld [smem:$0x3FB9];
	_ =	sdelay $0x3  }
0x34: {  	[smem:$0x3FB9] =	sst s10  }
0x35: {  	s10 =	sld [smem:$0x3FB8];
	_ =	sdelay $0x3  }
0x36: {  	p1 =	seq.s32 s10, $0x1;
	s10 =	sld [smem:$0x3FB9];
	_ =	sdelay $0x3  }
0x37: {  	[smem:$0x3FB9] =	sst s10  }
0x38: {  	s10 =	sld [smem:$0x3FBA]  }
0x39: {  	_ = 	snop;
	(pc) =	sbr.ind lr, $3  }
0x3a: {  	_ = 	snop  }
0x3b: {  	_ = 	snop  }
0x3c: {  	p2 =	seq.s32 s10, $0x1;
	s10 =	sld [smem:$0x3FB9]  }
0x3d: {  	_ =	shalt  }
0x3e: {  	_ =	shalt  }
0x3f: {  	_ =	shalt  }
0x40: {  	_ =	shalt  }
0x41: {  	_ =	shalt  }
0x42: {  	_ =	shalt  }
0x43: {  	_ =	shalt  }
0x44: {  	_ =	shalt  }
0x45: {  	_ =	shalt  }
0x46: {  	_ =	shalt  }
0x47: {  	_ =	shalt  }
0x48: {  	_ =	shalt  }
0x49: {  	_ =	shalt  }
0x4a: {  	_ =	shalt  }
0x4b: {  	_ =	shalt  }
0x4c: {  	_ =	shalt  }
0x4d: {  	_ =	shalt  }
0x4e: {  	_ =	shalt  }
0x4f: {  	_ =	shalt  }
0x50: {  	_ =	shalt  }
0x51: {  	_ =	shalt  }
0x52: {  	_ =	shalt  }
0x53: {  	_ =	shalt  }
0x54: {  	_ =	shalt  }
0x55: {  	_ =	shalt  }
0x56: {  	_ =	shalt  }
0x57: {  	_ =	shalt  }
0x58: {  	_ =	shalt  }
0x59: {  	_ =	shalt  }
0x5a: {  	_ =	shalt  }
0x5b: {  	_ =	shalt  }
0x5c: {  	_ =	shalt  }
0x5d: {  	_ =	shalt  }
0x5e: {  	_ =	shalt  }
0x5f: {  	_ =	shalt  }
0x60: {  	_ =	shalt  }
0x61: {  	_ =	shalt  }
0x62: {  	_ =	shalt  }
0x63: {  	_ =	shalt  }
0x64: {  	_ =	shalt  }
0x65: {  	_ =	shalt  }
0x66: {  	_ =	shalt  }
0x67: {  	_ =	shalt  }
0x68: {  	_ =	shalt  }
0x69: {  	_ =	shalt  }
0x6a: {  	_ =	shalt  }
0x6b: {  	_ =	shalt  }
0x6c: {  	_ =	shalt  }
0x6d: {  	_ =	shalt  }
0x6e: {  	_ =	shalt  }
0x6f: {  	_ =	shalt  }
0x70: {  	_ =	shalt  }
0x71: {  	_ =	shalt  }
0x72: {  	_ =	shalt  }
0x73: {  	_ =	shalt  }
0x74: {  	_ =	shalt  }
0x75: {  	_ =	shalt  }
0x76: {  	_ =	shalt  }
0x77: {  	_ =	shalt  }
0x78: {  	_ =	shalt  }
0x79: {  	_ =	shalt  }
0x7a: {  	_ =	shalt  }
0x7b: {  	_ =	shalt  }
0x7c: {  	_ =	shalt  }
0x7d: {  	_ =	shalt  }
0x7e: {  	_ =	shalt  }
0x7f: {  	_ =	shalt  }
0x80: {  	_ =	shalt  }
0x81: {  	_ =	shalt  }
0x82: {  	_ =	shalt  }
0x83: {  	_ =	shalt  }
0x84: {  	_ =	shalt  }
0x85: {  	_ =	shalt  }
0x86: {  	_ =	shalt  }
0x87: {  	_ =	shalt  }
.Lfunc_end0:
.L_simem_size_0:
called_computation_lowered:
.L_overlay_start_0:
0x88: {  	s2 =	sld [smem:$0x3FD9]  }
0x89: {  	s3 =	sld [smem:$0x3FFE];
	_ =	sdelay $0x1  }
0x8a: {  	s1 =	srdreg.scid  }
0x8b: {  	s0 =	sand.u32 $0x1, s1  }
0x8c: {  	s17 =	sshll.u32 s0, $0xA;
	s2 =	sadd.s32 s3, s2  }
0x8d: {  	s2 =	sadd.s32 s2, s17  }
0x8e: {  	[smem:$0x3FC5] =	sst s2  }
0x8f: {  	_ = 	snop  }
0x90: {  	s2 =	sld [smem:$0x3FC9]  }
0x91: {  	s18 =	sld [smem:$0x3FD0];
	(tm) =	ssettm $0x1  }
0x92: {  	s4 =	sld [smem:$0x3FFB];
	_ =	sdelay $0x3  }
0x93: {  	_ =	strace s4  }
0x94: {  	s4 =	sld [smem:$0x3FFC];
	_ =	sdelay $0x3  }
0x95: {  	_ =	strace s4  }
0x96: {  	s4 =	sld [smem:$0x3FFD];
	_ =	sdelay $0x3  }
0x97: {  	_ =	strace s4  }
0x98: {  	_ =	strace $0x8FFFFFFF  }
0x99: {  	s19 =	sld [smem:$0x3FDB];
	_ =	sdelay $0x1  }
0x9a: {  	s5 =	simm.s32 $_scs_section_size  }
0x9b: {  	s6 =	simm.s32 $_size__tile_overlayer_lowered;
	s7 =	simm.s32 $_tile_overlayer_lowered  }
0x9c: {  	s22 =	simm.s32 $0x1BFF;
	s21 =	sshll.u32 s7, $0x1;
	s4 =	sadd.s32 s5, s19  }
0x9d: {  	s8 =	simm.s32 $0x0;
	s20 =	sshll.u32 s6, $0x1;
	s6 =	sadd.s32 s21, s4  }
0x9e: {  	[timem:s8], [sflag:s22] =	dma.local [hbm:s6], s20  }
0x9f: {  	_ =	swait.ge [sflag:s22], s20  }
0xa0: {  	s5 =	ssub.s32 $0x0, s20;
	[sflag:s22] =	ssyncset.done $0x0  }
0xa1: {  	[sflag:s22] =	ssyncadd.s32 s5;
	_ =	sdelay $0x1  }
0xa2: {  	s23 =	simm.s32 $0x1B8B  }
0xa3: {  	_ =	swait.ge [sflag:s23], $0x1  }
0xa4: {  	[sflag:s23] =	ssyncset.done $0x0  }
0xa5: {  	s25 =	simm.s32 $0x1B8E;
	s24 =	sld [smem:$0x3FFE];
	[sflag:s23] =	ssyncadd.s32 $0xFFFFFFFF  }
0xa6: {  	s26 =	simm.s32 $execute0_lowered;
	[smem:$0x3FD2] =	sst s25  }
0xa7: {  	s6 =	sshll.u32 s26, $0x1;
	_ =	strace $0x80000046;
	[dreg:$0x1] =	wrdreg $0xFFFFFFFF  }
0xa8: {  	s28 =	simm.s32 $_size_execute0_lowered;
	s4 =	sadd.s32 s4, s6;
	[dreg:$0x0] =	wrdreg $0x0  }
0xa9: {  	s6 =	sshll.u32 s28, $0x1;
	[dreg:$0x2] =	wrdreg s4  }
0xaa: {  	[dreg:$0x3] =	wrdreg s6  }
0xab: {  	[dreg:$0x4] =	wrdreg $0xC0  }
0xac: {  	_ =	task [dreg:s8], $0x5FFFF  }
0xad: {  	[dreg:$0x1] =	wrdreg $0xFFFFFFFF  }
0xae: {  	[dreg:$0x0] =	wrdreg $0x60  }
0xaf: {  	[dreg:$0x2] =	wrdreg s2  }
0xb0: {  	[dreg:$0x3] =	wrdreg s18  }
0xb1: {  	[dreg:$0x4] =	wrdreg s24  }
0xb2: {  	[dreg:$0x5] =	wrdreg $0xB5800  }
0xb3: {  	[dreg:$0x6] =	wrdreg $0xAB800  }
0xb4: {  	[dreg:$0x7] =	wrdreg $0x9  }
0xb5: {  	_ =	task.clear_ibuf [dreg:s8], $0x8FFFF;
	_ =	strace $0x90000046  }
0xb6: {  	s29 =	simm.s32 $0x9;
	_ =	strace $0x8000004D  }
0xb7: {  	_ =	swait.ge [sflag:s29], $0x1  }
0xb8: {  	[sflag:s29] =	ssyncadd.s32 $0xFFFFFFFF  }
0xb9: {  	_ =	strace $0x9000004D  }
0xba: {  	_ =	sfence  }
0xbb: {  	s30 =	sld [smem:$0x0];
	_ =	sdelay $0x2  }
0xbc: {  	s31 =	sshll.u32 s1, $0xD;
	s1 =	sshrl.u32 s1, $0x2  }
0xbd: {  	s3 =	sand.u32 $0x4000, s31;
	s1 =	sadd.s32 s1, s30  }
0xbe: {  	s0 =	sor.u32 s3, s0;
	s1 =	sshll.u32 s1, $0x11  }
0xbf: {  	s0 =	sor.u32 s1, s0  }
0xc0: {  	s0 =	sadd.s32 $0x8F2B, s0  }
0xc1: {  	[sflag:s0] =	ssyncadd.remote.s32 $0x1  }
0xc2: {  	_ =	sfence.sel $0xFFFF  }
0xc3: {  	[dreg:$0x0] =	wrdreg $0xFFFFFFFF;
	(pc) =	sbr.abs _section_cstart, $3  }
0xc4: {  	[dreg:$0x1] =	wrdreg $0xFFFFFFFF  }
0xc5: {  	_ =	task.clear_ibuf [dreg:s8], $0x2FFFF;
	_ =	strace $0x9FFFFFFF  }
0xc6: {  	(tm) =	ssettm $0x7FFFFFFF  }
0xc7: {  	_ =	shalt  }
tec
execute0_lowered:
.L_overlay_start_1:
0x0: {  	(tag) =	ssettag $0x1  }
0x1: {  	s1 =	rddreg [dreg:$0x0]  }
0x2: {  	s0 =	rddreg [dreg:$0x2]  }
0x3: {  	s3 =	rddreg [dreg:$0x3]  }
0x4: {  	s4 =	rddreg [dreg:$0x4];
	s2 =	simm.s32 $0x0;
	s24 =	srdreg.scid  }
0x5: {  	s14 =	stileid.u32;
	s28 =	simm.s32 $0x80;
	s29 =	simm.s32 $0x1000  }
0x6: {  	s30 =	simm.s32 $0x2000;
	s31 =	simm.s32 $0x6B80;
	s5 =	smul.u32 $0x2800, s14  }
0x7: {  	[smem:$0x7FF] =	sst s2;
	s2 =	sand.u32 $0x1, s24;
	s9 =	smul.u32 $0x50000, s14  }
0x8: {  	s7 =	sadd.s32 $0x1200, s0;
	s8 =	sadd.s32 $0xB200, s0;
	s11 =	smul.u32 $0x14000, s14  }
0x9: {  	s0 =	sadd.s32 $0x15200, s0;
	_ =	strace $0x80000047;
	s6 =	ssub.s32 $0x2, s2  }
0xa: {  	s13 =	smul.u32 $0x140000, s2;
	p0 =	sne.s32 s2, $0x0;
	s2 =	simm.s32 $0x2080  }
0xb: {  	s10 =	sshrl.u32 s6, $0x1;
	s5 =	sshrl.u32 s5, $0x2;
	s25 =	sshrl.u32 s9, $0x2  }
0xc: {  	s26 =	sadd.s32 $0x4000, s11;
	s16 =	sadd.s32 $0xC000, s11;
	s12 =	sadd.s32 $0x10000, s11  }
0xd: {  	s6 =	ssub.s32 s6, s10;
	s22 =	sadd.s32 s5, s4;
	s19 =	sadd.s32 s25, s3  }
0xe: {  	s20 =	sadd.s32 s26, s3;
	s10 =	sadd.s32 $0x8000, s11;
	s23 =	sadd.s32 s16, s3  }
0xf: {  	s15 =	sadd.s32 s12, s3;
	s11 =	sadd.s32 s11, s13;
	s9 =	sadd.s32 s13, s26  }
0x10: {  	s17 =	sadd.s32 s13, s16;
	s18 =	sadd.s32 s13, s12;
	s12 =	simm.s32 $0x2180  }
0x11: {  	s16 =	simm.s32 $0x2100;
	[dreg:$0xb] =	wrdreg s15;
	s15 =	smul.u32 $0x5000, s14  }
0x12: {  	s21 =	sadd.s32 s10, s3;
	s14 =	smul.u32 $0x980, s14;
	[dreg:$0x6] =	wrdreg s22  }
0x13: {  	s11 =	sshrl.u32 s11, $0x3;
	s9 =	sshrl.u32 s9, $0x3;
	[dreg:$0x7] =	wrdreg s19  }
0x14: {  	s5 =	sadd.s32 s13, s10;
	s24 =	sshrl.u32 s17, $0x3;
	[dreg:$0x8] =	wrdreg s20  }
0x15: {  	s25 =	sshrl.u32 s18, $0x3;
	s26 =	smax.u32 s6, $0x1;
	[dreg:$0xa] =	wrdreg s23  }
0x16: {  	s13 =	simm.s32 $0x1080;
	s6 =	simm.s32 $0x1;
	[dreg:$0x12] =	wrdreg s26  }
0x17: {  	s17 =	simm.s32 $0x3;
	s18 =	simm.s32 $0x5;
	[dreg:$0x9] =	wrdreg s21  }
0x18: {  	s11 =	sadd.s32 s0, s11;
	s9 =	sadd.s32 s0, s9;
	[dreg:$0xc] =	wrdreg s14  }
0x19: {  	s5 =	sshrl.u32 s5, $0x3;
	s26 =	simm.s32 $0x800;
	[dreg:$0xd] =	wrdreg s11  }
.Ltmp0:
0x1a: {  	[dreg:$0xe] =	wrdreg s9;
	s5 =	sadd.s32 s0, s5;
	(pc) =	sbr.rel .LBB2_1-.Ltmp0, $4  }
0x1b: {  	s14 =	simm.s32 $0x1100;
	s9 =	simm.s32 $0x1800;
	s11 =	simm.s32 $0x0  }
0x1c: {  	[dreg:$0xf] =	wrdreg s5;
	s5 =	sadd.s32 s0, s24;
	s0 =	sadd.s32 s0, s25  }
0x1d: {  	s24 =	simm.s32 $0x6;
	s25 =	simm.s32 $0x2B80;
	[dreg:$0x10] =	wrdreg s5  }
0x1e: {  	v0 =	vimm.f32 $0.0e+00;
	v1 =	vimm.f32 $1.000000000e+00;
	[dreg:$0x11] =	wrdreg s0;
	s0 =	simm.s32 $0x2;
	s5 =	simm.s32 $0x4  }
.LBB2_21:
0x1f: {  	[bflag:$0x0] =	sbarrier.arrive $0xFFFF  }
0x20: {  	_ =	strace $0x9000004B  }
0x21: {  	_ =	strace $0x8000004C  }
0x22: {  	s19 =	rddreg [dreg:$0x7]  }
0x23: {  	[tilespmem:s25], [sflag:$0x6] =	stream.linear.gather [spmem:s19], $0x4000, $0x200038;
	[tilespmem:$0x1F580] =	vst v63  }
0x24: {  	_ =	swait.ge [sflag:s24], $0x4000  }
0x25: {  	[sflag:s24] =	ssyncset.done $0x0  }
0x26: {  	s10 =	simm.s32 $0x0;
	s11 =	rddreg [dreg:$0xd];
	[sflag:s24] =	ssyncadd.s32 $0xFFFFC000  }
0x27: {  	[hbm4b:s11+s10] =	stream.linear.scatter [tilespmem:s25], [sflag:$0x6], $0x4000, $0x200038;
	[tilespmem:$0x1F580] =	vst v63  }
0x28: {  	_ =	swait.ge [sflag:s24], $0x4000  }
0x29: {  	[sflag:s24] =	ssyncset.done $0x0  }
0x2a: {  	s20 =	rddreg [dreg:$0x8];
	[sflag:s24] =	ssyncadd.s32 $0xFFFFC000  }
0x2b: {  	[tilespmem:s25], [sflag:$0x6] =	stream.linear.gather [spmem:s20], $0x4000, $0x200038;
	[tilespmem:$0x1F580] =	vst v63  }
0x2c: {  	_ =	swait.ge [sflag:s24], $0x4000  }
0x2d: {  	[sflag:s24] =	ssyncset.done $0x0  }
0x2e: {  	s13 =	rddreg [dreg:$0xe];
	[sflag:s24] =	ssyncadd.s32 $0xFFFFC000  }
0x2f: {  	[hbm4b:s13+s10] =	stream.linear.scatter [tilespmem:s25], [sflag:$0x6], $0x4000, $0x200038;
	[tilespmem:$0x1F580] =	vst v63  }
0x30: {  	_ =	swait.ge [sflag:s24], $0x4000  }
0x31: {  	[sflag:s24] =	ssyncset.done $0x0  }
0x32: {  	s21 =	rddreg [dreg:$0x9];
	[sflag:s24] =	ssyncadd.s32 $0xFFFFC000  }
0x33: {  	[tilespmem:s25], [sflag:$0x6] =	stream.linear.gather [spmem:s21], $0x4000, $0x200038;
	[tilespmem:$0x1F580] =	vst v63  }
0x34: {  	_ =	swait.ge [sflag:s24], $0x4000  }
0x35: {  	[sflag:s24] =	ssyncset.done $0x0  }
0x36: {  	s14 =	rddreg [dreg:$0xf];
	[sflag:s24] =	ssyncadd.s32 $0xFFFFC000  }
0x37: {  	[hbm4b:s14+s10] =	stream.linear.scatter [tilespmem:s25], [sflag:$0x6], $0x4000, $0x200038;
	[tilespmem:$0x1F580] =	vst v63  }
0x38: {  	_ =	swait.ge [sflag:s24], $0x4000  }
0x39: {  	[sflag:s24] =	ssyncset.done $0x0  }
0x3a: {  	s23 =	rddreg [dreg:$0xa];
	[sflag:s24] =	ssyncadd.s32 $0xFFFFC000  }
0x3b: {  	[tilespmem:s25], [sflag:$0x6] =	stream.linear.gather [spmem:s23], $0x4000, $0x200038;
	[tilespmem:$0x1F580] =	vst v63  }
0x3c: {  	_ =	swait.ge [sflag:s24], $0x4000  }
0x3d: {  	[sflag:s24] =	ssyncset.done $0x0  }
0x3e: {  	s22 =	rddreg [dreg:$0x10];
	[sflag:s24] =	ssyncadd.s32 $0xFFFFC000  }
0x3f: {  	[hbm4b:s22+s10] =	stream.linear.scatter [tilespmem:s25], [sflag:$0x6], $0x4000, $0x200038;
	[tilespmem:$0x1F580] =	vst v63  }
0x40: {  	_ =	swait.ge [sflag:s24], $0x4000  }
0x41: {  	[sflag:s24] =	ssyncset.done $0x0  }
0x42: {  	s12 =	rddreg [dreg:$0xb];
	[sflag:s24] =	ssyncadd.s32 $0xFFFFC000  }
0x43: {  	[tilespmem:s25], [sflag:$0x6] =	stream.linear.gather [spmem:s12], $0x4000, $0x200038;
	[tilespmem:$0x1F580] =	vst v63  }
0x44: {  	_ =	swait.ge [sflag:s24], $0x4000  }
0x45: {  	[sflag:s24] =	ssyncset.done $0x0  }
0x46: {  	s13 =	rddreg [dreg:$0x11];
	[sflag:s24] =	ssyncadd.s32 $0xFFFFC000  }
0x47: {  	[hbm4b:s13+s10] =	stream.linear.scatter [tilespmem:s25], [sflag:$0x6], $0x4000, $0x200038;
	[tilespmem:$0x1F580] =	vst v63  }
0x48: {  	_ =	swait.ge [sflag:s24], $0x4000  }
0x49: {  	s14 =	rddreg [dreg:$0x13]  }
0x4a: {  	s22 =	rddreg [dreg:$0x12];
	s11 =	sadd.s32 $0x1, s14  }
0x4b: {  	p1 =	sne.s32 s11, s22  }
.Ltmp1:
0x4c: {  	_ = 	snop;
	(pc) =	sbr.rel @!p1 .LBB2_22-.Ltmp1, $4  }
0x4d: {  	[sflag:s24] =	ssyncset.done $0x0  }
0x4e: {  	[sflag:s24] =	ssyncadd.s32 $0xFFFFC000  }
0x4f: {  	s12 =	simm.s32 $0x2180;
	_ =	strace $0x9000004C  }
0x50: {  	s13 =	simm.s32 $0x1080;
	s14 =	simm.s32 $0x1100;
	s22 =	rddreg [dreg:$0x6]  }
.LBB2_1:
0x51: {  	[dreg:$0x13] =	wrdreg s11  }
0x52: {  	s10 =	simm.s32 $0x40;
	s11 =	simm.s32 $0x0;
	_ =	strace $0x80000048  }
.LBB2_2:
0x53: {  	p1 =	sne.s32 s10, $0x27C0;
	[tilespmem:s11+$0x2180] =	vst v0;
	s11 =	smov.u32 s10;
	s10 =	sadd.s32 $0x40, s10  }
.Ltmp2:
0x54: {  	(pc) =	sbr.rel @p1 .LBB2_2-.Ltmp2, $2  }
0x55: {  	_ =	sdelay $0x2  }
0x56: {  	s11 =	sshra.s32 s11, $0x2  }
0x57: {  	[tilespmem:s11+$0x2180] =	vst v0  }
0x58: {  	[spmem:s22] =	stream.linear.scatter [tilespmem:s12], [sflag:$0x6], $0xA00, $0x200038;
	[tilespmem:$0x1F580] =	vst v63  }
0x59: {  	_ =	swait.ge [sflag:s24], $0xA00  }
0x5a: {  	[sflag:s24] =	ssyncset.done $0x0  }
0x5b: {  	s10 =	simm.s32 $0x0;
	s11 =	simm.s32 $0x200;
	[sflag:s24] =	ssyncadd.s32 $0xFFFFF600  }
.LBB2_4:
0x5c: {  	p1 =	sne.s32 s11, $0xFE00;
	[tilespmem:s10+$0x2BF0] =	vst v0  }
0x5d: {  	[tilespmem:s10+$0x2B80] =	vst v0  }
0x5e: {  	[tilespmem:s10+$0x2B90] =	vst v0  }
.Ltmp3:
0x5f: {  	[tilespmem:s10+$0x2BA0] =	vst v0;
	(pc) =	sbr.rel @p1 .LBB2_4-.Ltmp3, $4  }
0x60: {  	[tilespmem:s10+$0x2BB0] =	vst v0  }
0x61: {  	[tilespmem:s10+$0x2BC0] =	vst v0  }
0x62: {  	[tilespmem:s10+$0x2BD0] =	vst v0  }
0x63: {  	[tilespmem:s10+$0x2BE0] =	vst v0;
	s10 =	sshra.s32 s11, $0x2;
	s11 =	sadd.s32 $0x200, s11  }
0x64: {  	[tilespmem:s10+$0x2BF0] =	vst v0  }
0x65: {  	[tilespmem:s10+$0x2B80] =	vst v0  }
0x66: {  	[tilespmem:s10+$0x2B90] =	vst v0  }
0x67: {  	[tilespmem:s10+$0x2BA0] =	vst v0  }
0x68: {  	[tilespmem:s10+$0x2BB0] =	vst v0  }
0x69: {  	[tilespmem:s10+$0x2BC0] =	vst v0  }
0x6a: {  	[tilespmem:s10+$0x2BD0] =	vst v0  }
0x6b: {  	[tilespmem:s10+$0x2BE0] =	vst v0  }
0x6c: {  	[spmem:s19] =	stream.linear.scatter [tilespmem:s25], [sflag:$0x6], $0x4000, $0x200038;
	[tilespmem:$0x1F580] =	vst v63  }
0x6d: {  	_ =	swait.ge [sflag:s24], $0x4000  }
0x6e: {  	[sflag:s24] =	ssyncset.done $0x0  }
0x6f: {  	[sflag:s24] =	ssyncadd.s32 $0xFFFFC000  }
0x70: {  	[spmem:s20] =	stream.linear.scatter [tilespmem:s25], [sflag:$0x6], $0x4000, $0x200038;
	[tilespmem:$0x1F580] =	vst v63  }
0x71: {  	_ =	swait.ge [sflag:s24], $0x4000  }
0x72: {  	[sflag:s24] =	ssyncset.done $0x0  }
0x73: {  	[sflag:s24] =	ssyncadd.s32 $0xFFFFC000  }
0x74: {  	[spmem:s21] =	stream.linear.scatter [tilespmem:s25], [sflag:$0x6], $0x4000, $0x200038;
	[tilespmem:$0x1F580] =	vst v63  }
0x75: {  	_ =	swait.ge [sflag:s24], $0x4000  }
0x76: {  	[sflag:s24] =	ssyncset.done $0x0  }
0x77: {  	[sflag:s24] =	ssyncadd.s32 $0xFFFFC000  }
0x78: {  	[spmem:s23] =	stream.linear.scatter [tilespmem:s25], [sflag:$0x6], $0x4000, $0x200038;
	[tilespmem:$0x1F580] =	vst v63  }
0x79: {  	_ =	swait.ge [sflag:s24], $0x4000  }
0x7a: {  	[sflag:s24] =	ssyncset.done $0x0  }
0x7b: {  	s23 =	rddreg [dreg:$0xb];
	[sflag:s24] =	ssyncadd.s32 $0xFFFFC000  }
0x7c: {  	[spmem:s23] =	stream.linear.scatter [tilespmem:s25], [sflag:$0x6], $0x4000, $0x200038;
	[tilespmem:$0x1F580] =	vst v63  }
0x7d: {  	_ =	swait.ge [sflag:s24], $0x4000  }
0x7e: {  	[sflag:s24] =	ssyncset.done $0x0  }
0x7f: {  	[sflag:s24] =	ssyncadd.s32 $0xFFFFC000  }
0x80: {  	[tilespmem:$0x2000] =	vst v1  }
0x81: {  	[tilespmem:$0x2010] =	vst v1  }
0x82: {  	[tilespmem:$0x2020] =	vst v1  }
0x83: {  	[tilespmem:$0x2030] =	vst v1  }
0x84: {  	[tilespmem:$0x2040] =	vst v1  }
0x85: {  	[tilespmem:$0x2050] =	vst v1  }
0x86: {  	[tilespmem:$0x2060] =	vst v1  }
0x87: {  	[tilespmem:$0x2070] =	vst v1  }
0x88: {  	[bflag:$0x0] =	sbarrier.arrive $0xFFFF  }
0x89: {  	_ =	strace $0x90000048  }
0x8a: {  	s19 =	simm.s32 $0x0;
	s20 =	simm.s32 $0x0;
	_ =	strace $0x80000049  }
.LBB2_6:
0x8b: {  	s10 =	sshll.u32 s20, $0xB  }
0x8c: {  	s10 =	sadd.s32 s15, s10  }
0x8d: {  	s10 =	sshrl.u32 s10, $0x3  }
0x8e: {  	s11 =	sadd.s32 s7, s10  }
0x8f: {  	[tilespmem:s19], [sflag:$0x6] =	stream.linear.gather [hbm4b:s11+s19], $0x800, $0x200038;
	[tilespmem:$0x1F580] =	vst v63  }
0x90: {  	_ =	swait.ge [sflag:s24], $0x800  }
0x91: {  	[sflag:s24] =	ssyncset.done $0x0  }
0x92: {  	s10 =	sadd.s32 s8, s10;
	[sflag:s24] =	ssyncadd.s32 $0xFFFFF800  }
0x93: {  	[tilespmem:s26], [sflag:$0x6] =	stream.linear.gather [hbm4b:s10+s19], $0x800, $0x200038;
	[tilespmem:$0x1F580] =	vst v63  }
0x94: {  	_ =	swait.ge [sflag:s24], $0x800  }
0x95: {  	[sflag:s24] =	ssyncset.done $0x0  }
0x96: {  	s21 =	simm.s32 $0x0;
	[sflag:s24] =	ssyncadd.s32 $0xFFFFF800  }
0x97: {  	v2 =	vld [tilespmem:s21+$0x70]  }
0x98: {  	v3 =	vld [tilespmem:s21+$0x870]  }
0x99: {  	v4 =	vld [tilespmem:s21+$0x0]  }
0x9a: {  	v5 =	vld [tilespmem:s21+$0x10]  }
0x9b: {  	v6 =	vld [tilespmem:s21+$0x20]  }
0x9c: {  	v8 =	vld [tilespmem:s21+$0x30]  }
0x9d: {  	v11 =	vld [tilespmem:s21+$0x40]  }
0x9e: {  	v10 =	vld [tilespmem:s21+$0x800]  }
0x9f: {  	v12 =	vld [tilespmem:s21+$0x810];
	v2 =	vshll.u32 v2, $0x2  }
0xa0: {  	v2 =	vadd.s32 v3, v2;
	v3 =	vld [tilespmem:s21+$0x50]  }
0xa1: {  	[tilespmem:s21+$0x1070] =	vst v2;
	v2 =	vld [tilespmem:s21+$0x60]  }
0xa2: {  	v9 =	vld [tilespmem:s21+$0x820]  }
0xa3: {  	v7 =	vld [tilespmem:s21+$0x830]  }
0xa4: {  	v13 =	vshll.u32 v4, $0x2;
	v4 =	vld [tilespmem:s21+$0x840];
	v14 =	vshll.u32 v5, $0x2;
	v8 =	vshll.u32 v8, $0x2  }
0xa5: {  	v5 =	vld [tilespmem:s21+$0x850];
	v13 =	vadd.s32 v10, v13;
	v10 =	vshll.u32 v6, $0x2;
	v6 =	vshll.u32 v11, $0x2  }
0xa6: {  	s11 =	simm.s32 $0x400;
	s10 =	simm.s32 $0x80;
	v12 =	vadd.s32 v12, v14;
	v11 =	vld [tilespmem:s21+$0x860];
	[tilespmem:s21+$0x1000] =	vst v13;
	v3 =	vshll.u32 v3, $0x2;
	v2 =	vshll.u32 v2, $0x2  }
.LBB2_7:
0xa7: {  	p1 =	sne.s32 s11, $0x1E00;
	v13 =	vld [tilespmem:s10+$0x70];
	[tilespmem:s21+$0x1010] =	vst v12;
	v9 =	vadd.s32 v9, v10  }
0xa8: {  	v10 =	vld [tilespmem:s10+$0x870];
	[tilespmem:s21+$0x1020] =	vst v9;
	v7 =	vadd.s32 v7, v8  }
0xa9: {  	v8 =	vld [tilespmem:s10+$0x0];
	[tilespmem:s21+$0x1030] =	vst v7;
	v4 =	vadd.s32 v4, v6  }
0xaa: {  	v6 =	vld [tilespmem:s10+$0x10];
	[tilespmem:s21+$0x1040] =	vst v4;
	v3 =	vadd.s32 v5, v3  }
0xab: {  	v4 =	vld [tilespmem:s10+$0x20];
	[tilespmem:s21+$0x1050] =	vst v3;
	v2 =	vadd.s32 v11, v2  }
0xac: {  	v3 =	vld [tilespmem:s10+$0x30];
	v5 =	vshll.u32 v13, $0x2;
	[tilespmem:s21+$0x1060] =	vst v2;
	s21 =	smov.u32 s10  }
0xad: {  	v2 =	vld [tilespmem:s21+$0x40];
	v5 =	vadd.s32 v10, v5  }
0xae: {  	v11 =	vshll.u32 v8, $0x2;
	v12 =	vld [tilespmem:s21+$0x50];
	[tilespmem:s21+$0x1070] =	vst v5  }
0xaf: {  	v13 =	vshll.u32 v6, $0x2;
	v5 =	vld [tilespmem:s21+$0x60]  }
0xb0: {  	v14 =	vld [tilespmem:s21+$0x800];
	v10 =	vshll.u32 v4, $0x2  }
0xb1: {  	v15 =	vld [tilespmem:s21+$0x810];
	v8 =	vshll.u32 v3, $0x2  }
.Ltmp4:
0xb2: {  	v9 =	vld [tilespmem:s21+$0x820];
	v6 =	vshll.u32 v2, $0x2;
	(pc) =	sbr.rel @p1 .LBB2_7-.Ltmp4, $4  }
0xb3: {  	v7 =	vld [tilespmem:s21+$0x830];
	v3 =	vshll.u32 v12, $0x2  }
0xb4: {  	v4 =	vld [tilespmem:s21+$0x840];
	v2 =	vshll.u32 v5, $0x2  }
0xb5: {  	v11 =	vadd.s32 v14, v11;
	v5 =	vld [tilespmem:s21+$0x850]  }
0xb6: {  	s10 =	sshra.s32 s11, $0x2;
	s11 =	sadd.s32 $0x200, s11;
	[tilespmem:s21+$0x1000] =	vst v11;
	v12 =	vadd.s32 v15, v13;
	v11 =	vld [tilespmem:s21+$0x860]  }
0xb7: {  	v13 =	vld [tilespmem:s10+$0x70];
	[tilespmem:s21+$0x1010] =	vst v12;
	v9 =	vadd.s32 v9, v10  }
0xb8: {  	v54 =	vld [tilespmem:s10+$0x870];
	[tilespmem:s21+$0x1020] =	vst v9;
	v7 =	vadd.s32 v7, v8  }
0xb9: {  	v55 =	vld [tilespmem:s10+$0x0];
	[tilespmem:s21+$0x1030] =	vst v7;
	v4 =	vadd.s32 v4, v6  }
0xba: {  	v56 =	vld [tilespmem:s10+$0x10];
	[tilespmem:s21+$0x1040] =	vst v4;
	v3 =	vadd.s32 v5, v3  }
0xbb: {  	v4 =	vld [tilespmem:s10+$0x20];
	[tilespmem:s21+$0x1050] =	vst v3;
	v2 =	vadd.s32 v11, v2  }
0xbc: {  	v3 =	vld [tilespmem:s10+$0x30];
	[tilespmem:s21+$0x1060] =	vst v2  }
0xbd: {  	v57 =	vld [tilespmem:s10+$0x40]  }
0xbe: {  	v7 =	vld [tilespmem:s10+$0x50]  }
0xbf: {  	v9 =	vld [tilespmem:s10+$0x800]  }
0xc0: {  	v58 =	vld [tilespmem:s10+$0x810]  }
0xc1: {  	v59 =	vld [tilespmem:s10+$0x820]  }
0xc2: {  	v12 =	vld [tilespmem:s10+$0x830]  }
0xc3: {  	v2 =	vshll.u32 v13, $0x2;
	v60 =	vld [tilespmem:s10+$0x840]  }
0xc4: {  	v2 =	vadd.s32 v54, v2;
	v61 =	vld [tilespmem:s10+$0x850];
	v8 =	vshll.u32 v55, $0x2  }
0xc5: {  	[tilespmem:s10+$0x1070] =	vst v2;
	v2 =	vld [tilespmem:s10+$0x60];
	v6 =	vshll.u32 v56, $0x2;
	v8 =	vadd.s32 v9, v8  }
0xc6: {  	v62 =	vld [tilespmem:s10+$0x860];
	v4 =	vshll.u32 v4, $0x2;
	v6 =	vadd.s32 v58, v6;
	[tilespmem:s10+$0x1000] =	vst v8  }
0xc7: {  	v3 =	vshll.u32 v3, $0x2;
	v4 =	vadd.s32 v59, v4;
	[tilespmem:s10+$0x1010] =	vst v6  }
0xc8: {  	v5 =	vshll.u32 v57, $0x2;
	v3 =	vadd.s32 v12, v3;
	[tilespmem:s10+$0x1020] =	vst v4  }
0xc9: {  	v63 =	vshll.u32 v7, $0x2;
	[tilespmem:s10+$0x1030] =	vst v3;
	v3 =	vadd.s32 v60, v5  }
0xca: {  	v2 =	vshll.u32 v2, $0x2;
	[tilespmem:s10+$0x1040] =	vst v3;
	v3 =	vadd.s32 v61, v63  }
0xcb: {  	v2 =	vadd.s32 v62, v2;
	[tilespmem:s10+$0x1050] =	vst v3  }
0xcc: {  	[tilespmem:s10+$0x1060] =	vst v2  }
0xcd: {  	[spmem:s4] =	stream.indirect.scatter.add.f32 [tilespmem:s30], [sflag:$0x1], $0x1, s29, s28, $0x2000b8;
	[tilespmem:$0x1F580] =	vst v63  }
0xce: {  	_ = 	snop  }
0xcf: {  	[spmem:s4] =	stream.indirect.scatter.add.f32 [tilespmem:s30], [sflag:$0x1], $0x1, s13, s28, $0x2000b8;
	[tilespmem:$0x1F580] =	vst v63  }
0xd0: {  	_ = 	snop  }
0xd1: {  	[spmem:s4] =	stream.indirect.scatter.add.f32 [tilespmem:s30], [sflag:$0x1], $0x1, s14, s28, $0x2000b8;
	[tilespmem:$0x1F580] =	vst v63  }
0xd2: {  	s23 =	simm.s32 $0x1180  }
0xd3: {  	[spmem:s4] =	stream.indirect.scatter.add.f32 [tilespmem:s30], [sflag:$0x1], $0x1, s23, s28, $0x2000b8;
	[tilespmem:$0x1F580] =	vst v63  }
0xd4: {  	s11 =	simm.s32 $0x1200  }
0xd5: {  	[spmem:s4] =	stream.indirect.scatter.add.f32 [tilespmem:s30], [sflag:$0x1], $0x1, s11, s28, $0x2000b8;
	[tilespmem:$0x1F580] =	vst v63  }
0xd6: {  	s21 =	simm.s32 $0x1280  }
0xd7: {  	[spmem:s4] =	stream.indirect.scatter.add.f32 [tilespmem:s30], [sflag:$0x1], $0x1, s21, s28, $0x2000b8;
	[tilespmem:$0x1F580] =	vst v63  }
0xd8: {  	s23 =	simm.s32 $0x1300  }
0xd9: {  	[spmem:s4] =	stream.indirect.scatter.add.f32 [tilespmem:s30], [sflag:$0x1], $0x1, s23, s28, $0x2000b8;
	[tilespmem:$0x1F580] =	vst v63  }
0xda: {  	s11 =	simm.s32 $0x1380  }
0xdb: {  	[spmem:s4] =	stream.indirect.scatter.add.f32 [tilespmem:s30], [sflag:$0x1], $0x1, s11, s28, $0x2000b8;
	[tilespmem:$0x1F580] =	vst v63  }
0xdc: {  	s21 =	simm.s32 $0x1400  }
0xdd: {  	[spmem:s4] =	stream.indirect.scatter.add.f32 [tilespmem:s30], [sflag:$0x1], $0x1, s21, s28, $0x2000b8;
	[tilespmem:$0x1F580] =	vst v63  }
0xde: {  	s23 =	simm.s32 $0x1480  }
0xdf: {  	[spmem:s4] =	stream.indirect.scatter.add.f32 [tilespmem:s30], [sflag:$0x1], $0x1, s23, s28, $0x2000b8;
	[tilespmem:$0x1F580] =	vst v63  }
0xe0: {  	s11 =	simm.s32 $0x1500  }
0xe1: {  	[spmem:s4] =	stream.indirect.scatter.add.f32 [tilespmem:s30], [sflag:$0x1], $0x1, s11, s28, $0x2000b8;
	[tilespmem:$0x1F580] =	vst v63  }
0xe2: {  	s21 =	simm.s32 $0x1580  }
0xe3: {  	[spmem:s4] =	stream.indirect.scatter.add.f32 [tilespmem:s30], [sflag:$0x1], $0x1, s21, s28, $0x2000b8;
	[tilespmem:$0x1F580] =	vst v63  }
0xe4: {  	s23 =	simm.s32 $0x1600  }
0xe5: {  	[spmem:s4] =	stream.indirect.scatter.add.f32 [tilespmem:s30], [sflag:$0x1], $0x1, s23, s28, $0x2000b8;
	[tilespmem:$0x1F580] =	vst v63  }
0xe6: {  	s11 =	simm.s32 $0x1680  }
0xe7: {  	[spmem:s4] =	stream.indirect.scatter.add.f32 [tilespmem:s30], [sflag:$0x1], $0x1, s11, s28, $0x2000b8;
	[tilespmem:$0x1F580] =	vst v63  }
0xe8: {  	s21 =	simm.s32 $0x1700  }
0xe9: {  	[spmem:s4] =	stream.indirect.scatter.add.f32 [tilespmem:s30], [sflag:$0x1], $0x1, s21, s28, $0x2000b8;
	[tilespmem:$0x1F580] =	vst v63  }
0xea: {  	s23 =	simm.s32 $0x1780  }
0xeb: {  	[spmem:s4] =	stream.indirect.scatter.add.f32 [tilespmem:s30], [sflag:$0x1], $0x1, s23, s28, $0x2000b8;
	[tilespmem:$0x1F580] =	vst v63  }
0xec: {  	_ =	swait.ge [sflag:s6], $0x80  }
0xed: {  	[sflag:s6] =	ssyncset.done $0x0  }
0xee: {  	[sflag:s6] =	ssyncadd.s32 $0xFFFFFF80  }
0xef: {  	_ =	swait.ge [sflag:s6], $0x80  }
0xf0: {  	[sflag:s6] =	ssyncset.done $0x0  }
0xf1: {  	[sflag:s6] =	ssyncadd.s32 $0xFFFFFF80  }
0xf2: {  	_ =	swait.ge [sflag:s6], $0x80  }
0xf3: {  	[sflag:s6] =	ssyncset.done $0x0  }
0xf4: {  	[sflag:s6] =	ssyncadd.s32 $0xFFFFFF80  }
0xf5: {  	_ =	swait.ge [sflag:s6], $0x80  }
0xf6: {  	[sflag:s6] =	ssyncset.done $0x0  }
0xf7: {  	[sflag:s6] =	ssyncadd.s32 $0xFFFFFF80  }
0xf8: {  	_ =	swait.ge [sflag:s6], $0x80  }
0xf9: {  	[sflag:s6] =	ssyncset.done $0x0  }
0xfa: {  	[sflag:s6] =	ssyncadd.s32 $0xFFFFFF80  }
0xfb: {  	_ =	swait.ge [sflag:s6], $0x80  }
0xfc: {  	[sflag:s6] =	ssyncset.done $0x0  }
0xfd: {  	[sflag:s6] =	ssyncadd.s32 $0xFFFFFF80  }
0xfe: {  	_ =	swait.ge [sflag:s6], $0x80  }
0xff: {  	[sflag:s6] =	ssyncset.done $0x0  }
0x100: {  	[sflag:s6] =	ssyncadd.s32 $0xFFFFFF80  }
0x101: {  	_ =	swait.ge [sflag:s6], $0x80  }
0x102: {  	[sflag:s6] =	ssyncset.done $0x0  }
0x103: {  	[sflag:s6] =	ssyncadd.s32 $0xFFFFFF80  }
0x104: {  	_ =	swait.ge [sflag:s6], $0x80  }
0x105: {  	[sflag:s6] =	ssyncset.done $0x0  }
0x106: {  	[sflag:s6] =	ssyncadd.s32 $0xFFFFFF80  }
0x107: {  	_ =	swait.ge [sflag:s6], $0x80  }
0x108: {  	[sflag:s6] =	ssyncset.done $0x0  }
0x109: {  	[sflag:s6] =	ssyncadd.s32 $0xFFFFFF80  }
0x10a: {  	_ =	swait.ge [sflag:s6], $0x80  }
0x10b: {  	[sflag:s6] =	ssyncset.done $0x0  }
0x10c: {  	[sflag:s6] =	ssyncadd.s32 $0xFFFFFF80  }
0x10d: {  	_ =	swait.ge [sflag:s6], $0x80  }
0x10e: {  	[sflag:s6] =	ssyncset.done $0x0  }
0x10f: {  	[sflag:s6] =	ssyncadd.s32 $0xFFFFFF80  }
0x110: {  	_ =	swait.ge [sflag:s6], $0x80  }
0x111: {  	[sflag:s6] =	ssyncset.done $0x0  }
0x112: {  	[sflag:s6] =	ssyncadd.s32 $0xFFFFFF80  }
0x113: {  	_ =	swait.ge [sflag:s6], $0x80  }
0x114: {  	[sflag:s6] =	ssyncset.done $0x0  }
0x115: {  	s20 =	sadd.s32 $0x1, s20;
	[sflag:s6] =	ssyncadd.s32 $0xFFFFFF80  }
0x116: {  	p1 =	sne.s32 s20, $0xA;
	_ =	swait.ge [sflag:s6], $0x80  }
.Ltmp5:
0x117: {  	[sflag:s6] =	ssyncset.done $0x0;
	(pc) =	sbr.rel @p1 .LBB2_6-.Ltmp5, $4  }
0x118: {  	[sflag:s6] =	ssyncadd.s32 $0xFFFFFF80  }
0x119: {  	_ =	swait.ge [sflag:s6], $0x80  }
0x11a: {  	[sflag:s6] =	ssyncset.done $0x0  }
0x11b: {  	[sflag:s6] =	ssyncadd.s32 $0xFFFFFF80  }
0x11c: {  	[bflag:$0x0] =	sbarrier.arrive $0xFFFF  }
0x11d: {  	_ =	strace $0x90000049  }
0x11e: {  	_ =	strace $0x8000004A  }
0x11f: {  	[tilespmem:s12], [sflag:$0x6] =	stream.linear.gather [spmem:s22], $0xA00, $0x200038;
	[tilespmem:$0x1F580] =	vst v63  }
0x120: {  	_ =	swait.ge [sflag:s24], $0xA00  }
0x121: {  	[sflag:s24] =	ssyncset.done $0x0  }
0x122: {  	s10 =	simm.s32 $0x0;
	s11 =	simm.s32 $0x40;
	[sflag:s24] =	ssyncadd.s32 $0xFFFFF600  }
.LBB2_10:
0x123: {  	p1 =	sne.s32 s11, $0x27C0;
	v2 =	vld [tilespmem:s10+$0x2180];
	_ =	sdelay $0x4  }
0x124: {  	v2 =	vmax.f32 v2, $1.000000000e+00  }
0x125: {  	(erf) = vrcp.f32 v2;
	_ =	sdelay $0x5  }
.Ltmp6:
0x126: {  	(pc) =	sbr.rel @p1 .LBB2_10-.Ltmp6, $3  }
0x127: {  	_ =	sdelay $0x1  }
0x128: {  	v2 =	vpop (erf)  }
0x129: {  	[tilespmem:s10+$0x2180] =	vst v2;
	s10 =	sshra.s32 s11, $0x2;
	s11 =	sadd.s32 $0x40, s11  }
0x12a: {  	v2 =	vld [tilespmem:s10+$0x2180];
	_ =	sdelay $0x4  }
0x12b: {  	v2 =	vmax.f32 v2, $1.000000000e+00  }
0x12c: {  	(erf) = vrcp.f32 v2;
	_ =	sdelay $0x8  }
0x12d: {  	v2 =	vpop (erf)  }
0x12e: {  	[tilespmem:s10+$0x2180] =	vst v2  }
0x12f: {  	[spmem:s22] =	stream.linear.scatter [tilespmem:s12], [sflag:$0x6], $0xA00, $0x200038;
	[tilespmem:$0x1F580] =	vst v63  }
0x130: {  	_ =	swait.ge [sflag:s24], $0xA00  }
.Ltmp7:
0x131: {  	[sflag:s24] =	ssyncset.done $0x0;
	(pc) =	sbr.rel @p0 .LBB2_21-.Ltmp7, $4  }
0x132: {  	[sflag:s24] =	ssyncadd.s32 $0xFFFFF600  }
0x133: {  	[bflag:$0x0] =	sbarrier.arrive $0xFFFF  }
0x134: {  	_ =	strace $0x9000004A  }
0x135: {  	s19 =	simm.s32 $0x0;
	s20 =	simm.s32 $0x0;
	_ =	strace $0x8000004B  }
.LBB2_12:
0x136: {  	s10 =	sshll.u32 s20, $0x8;
	s11 =	rddreg [dreg:$0xc]  }
0x137: {  	s22 =	rddreg [dreg:$0x1];
	s10 =	sadd.s32 s11, s10  }
0x138: {  	s11 =	sadd.s32 s22, s10  }
0x139: {  	[tilespmem:s9], [sflag:$0x6] =	stream.linear.gather [hbm4b:s11+s19], $0x800, $0x200038;
	[tilespmem:$0x1F580] =	vst v63  }
0x13a: {  	_ =	swait.ge [sflag:s24], $0x800  }
0x13b: {  	[sflag:s24] =	ssyncset.done $0x0  }
0x13c: {  	s23 =	sadd.s32 s7, s10;
	[sflag:s24] =	ssyncadd.s32 $0xFFFFF800  }
0x13d: {  	[tilespmem:s19], [sflag:$0x6] =	stream.linear.gather [hbm4b:s23+s19], $0x800, $0x200038;
	[tilespmem:$0x1F580] =	vst v63  }
0x13e: {  	_ =	swait.ge [sflag:s24], $0x800  }
0x13f: {  	[sflag:s24] =	ssyncset.done $0x0  }
0x140: {  	s10 =	sadd.s32 s8, s10;
	[sflag:s24] =	ssyncadd.s32 $0xFFFFF800  }
0x141: {  	[tilespmem:s26], [sflag:$0x6] =	stream.linear.gather [hbm4b:s10+s19], $0x800, $0x200038;
	[tilespmem:$0x1F580] =	vst v63  }
0x142: {  	_ =	swait.ge [sflag:s24], $0x800  }
0x143: {  	[sflag:s24] =	ssyncset.done $0x0  }
0x144: {  	s21 =	simm.s32 $0x0;
	[sflag:s24] =	ssyncadd.s32 $0xFFFFF800  }
0x145: {  	v2 =	vld [tilespmem:s21+$0x70]  }
0x146: {  	v3 =	vld [tilespmem:s21+$0x870]  }
0x147: {  	v4 =	vld [tilespmem:s21+$0x0]  }
0x148: {  	v5 =	vld [tilespmem:s21+$0x10]  }
0x149: {  	v6 =	vld [tilespmem:s21+$0x20]  }
0x14a: {  	v8 =	vld [tilespmem:s21+$0x30]  }
0x14b: {  	v11 =	vld [tilespmem:s21+$0x40]  }
0x14c: {  	v10 =	vld [tilespmem:s21+$0x800]  }
0x14d: {  	v12 =	vld [tilespmem:s21+$0x810];
	v2 =	vshll.u32 v2, $0x2  }
0x14e: {  	v2 =	vadd.s32 v3, v2;
	v3 =	vld [tilespmem:s21+$0x50]  }
0x14f: {  	[tilespmem:s21+$0x1070] =	vst v2;
	v2 =	vld [tilespmem:s21+$0x60]  }
0x150: {  	v9 =	vld [tilespmem:s21+$0x820]  }
0x151: {  	v7 =	vld [tilespmem:s21+$0x830]  }
0x152: {  	v13 =	vshll.u32 v4, $0x2;
	v4 =	vld [tilespmem:s21+$0x840];
	v14 =	vshll.u32 v5, $0x2;
	v8 =	vshll.u32 v8, $0x2  }
0x153: {  	v5 =	vld [tilespmem:s21+$0x850];
	v13 =	vadd.s32 v10, v13;
	v10 =	vshll.u32 v6, $0x2;
	v6 =	vshll.u32 v11, $0x2  }
0x154: {  	s11 =	simm.s32 $0x400;
	s10 =	simm.s32 $0x80;
	v12 =	vadd.s32 v12, v14;
	v11 =	vld [tilespmem:s21+$0x860];
	[tilespmem:s21+$0x1000] =	vst v13;
	v3 =	vshll.u32 v3, $0x2;
	v2 =	vshll.u32 v2, $0x2  }
.LBB2_13:
0x155: {  	p1 =	sne.s32 s11, $0x1E00;
	v13 =	vld [tilespmem:s10+$0x70];
	[tilespmem:s21+$0x1010] =	vst v12;
	v9 =	vadd.s32 v9, v10  }
0x156: {  	v10 =	vld [tilespmem:s10+$0x870];
	[tilespmem:s21+$0x1020] =	vst v9;
	v7 =	vadd.s32 v7, v8  }
0x157: {  	v8 =	vld [tilespmem:s10+$0x0];
	[tilespmem:s21+$0x1030] =	vst v7;
	v4 =	vadd.s32 v4, v6  }
0x158: {  	v6 =	vld [tilespmem:s10+$0x10];
	[tilespmem:s21+$0x1040] =	vst v4;
	v3 =	vadd.s32 v5, v3  }
0x159: {  	v4 =	vld [tilespmem:s10+$0x20];
	[tilespmem:s21+$0x1050] =	vst v3;
	v2 =	vadd.s32 v11, v2  }
0x15a: {  	v3 =	vld [tilespmem:s10+$0x30];
	v5 =	vshll.u32 v13, $0x2;
	[tilespmem:s21+$0x1060] =	vst v2;
	s21 =	smov.u32 s10  }
0x15b: {  	v2 =	vld [tilespmem:s21+$0x40];
	v5 =	vadd.s32 v10, v5  }
0x15c: {  	v11 =	vshll.u32 v8, $0x2;
	v12 =	vld [tilespmem:s21+$0x50];
	[tilespmem:s21+$0x1070] =	vst v5  }
0x15d: {  	v13 =	vshll.u32 v6, $0x2;
	v5 =	vld [tilespmem:s21+$0x60]  }
0x15e: {  	v14 =	vld [tilespmem:s21+$0x800];
	v10 =	vshll.u32 v4, $0x2  }
0x15f: {  	v15 =	vld [tilespmem:s21+$0x810];
	v8 =	vshll.u32 v3, $0x2  }
.Ltmp8:
0x160: {  	v9 =	vld [tilespmem:s21+$0x820];
	v6 =	vshll.u32 v2, $0x2;
	(pc) =	sbr.rel @p1 .LBB2_13-.Ltmp8, $4  }
0x161: {  	v7 =	vld [tilespmem:s21+$0x830];
	v3 =	vshll.u32 v12, $0x2  }
0x162: {  	v4 =	vld [tilespmem:s21+$0x840];
	v2 =	vshll.u32 v5, $0x2  }
0x163: {  	v11 =	vadd.s32 v14, v11;
	v5 =	vld [tilespmem:s21+$0x850]  }
0x164: {  	s10 =	sshra.s32 s11, $0x2;
	s11 =	sadd.s32 $0x200, s11;
	[tilespmem:s21+$0x1000] =	vst v11;
	v12 =	vadd.s32 v15, v13;
	v11 =	vld [tilespmem:s21+$0x860]  }
0x165: {  	v13 =	vld [tilespmem:s10+$0x70];
	[tilespmem:s21+$0x1010] =	vst v12;
	v9 =	vadd.s32 v9, v10  }
0x166: {  	v54 =	vld [tilespmem:s10+$0x870];
	[tilespmem:s21+$0x1020] =	vst v9;
	v7 =	vadd.s32 v7, v8  }
0x167: {  	v55 =	vld [tilespmem:s10+$0x0];
	[tilespmem:s21+$0x1030] =	vst v7;
	v4 =	vadd.s32 v4, v6  }
0x168: {  	v56 =	vld [tilespmem:s10+$0x10];
	[tilespmem:s21+$0x1040] =	vst v4;
	v3 =	vadd.s32 v5, v3  }
0x169: {  	v4 =	vld [tilespmem:s10+$0x20];
	[tilespmem:s21+$0x1050] =	vst v3;
	v2 =	vadd.s32 v11, v2  }
0x16a: {  	v3 =	vld [tilespmem:s10+$0x30];
	[tilespmem:s21+$0x1060] =	vst v2  }
0x16b: {  	v57 =	vld [tilespmem:s10+$0x40]  }
0x16c: {  	v7 =	vld [tilespmem:s10+$0x50]  }
0x16d: {  	v9 =	vld [tilespmem:s10+$0x800]  }
0x16e: {  	v58 =	vld [tilespmem:s10+$0x810]  }
0x16f: {  	v59 =	vld [tilespmem:s10+$0x820]  }
0x170: {  	v12 =	vld [tilespmem:s10+$0x830]  }
0x171: {  	v2 =	vshll.u32 v13, $0x2;
	v60 =	vld [tilespmem:s10+$0x840]  }
0x172: {  	v2 =	vadd.s32 v54, v2;
	v61 =	vld [tilespmem:s10+$0x850];
	v8 =	vshll.u32 v55, $0x2  }
0x173: {  	[tilespmem:s10+$0x1070] =	vst v2;
	v2 =	vld [tilespmem:s10+$0x60];
	v6 =	vshll.u32 v56, $0x2;
	v8 =	vadd.s32 v9, v8  }
0x174: {  	v62 =	vld [tilespmem:s10+$0x860];
	v4 =	vshll.u32 v4, $0x2;
	v6 =	vadd.s32 v58, v6;
	[tilespmem:s10+$0x1000] =	vst v8  }
0x175: {  	v3 =	vshll.u32 v3, $0x2;
	v4 =	vadd.s32 v59, v4;
	[tilespmem:s10+$0x1010] =	vst v6  }
0x176: {  	v5 =	vshll.u32 v57, $0x2;
	v3 =	vadd.s32 v12, v3;
	[tilespmem:s10+$0x1020] =	vst v4  }
0x177: {  	v63 =	vshll.u32 v7, $0x2;
	[tilespmem:s10+$0x1030] =	vst v3;
	v3 =	vadd.s32 v60, v5  }
0x178: {  	v2 =	vshll.u32 v2, $0x2;
	[tilespmem:s10+$0x1040] =	vst v3;
	v3 =	vadd.s32 v61, v63  }
0x179: {  	v2 =	vadd.s32 v62, v2;
	[tilespmem:s10+$0x1050] =	vst v3  }
0x17a: {  	[tilespmem:s10+$0x1060] =	vst v2  }
0x17b: {  	[tilespmem:s2], [sflag:$0x4] =	stream.indirect.gather [spmem:s4], $0x1, s29, s28, $0x2000b8;
	[tilespmem:$0x1F580] =	vst v63  }
0x17c: {  	s22 =	simm.s32 $0x0;
	s21 =	simm.s32 $0x0  }
0x17d: {  	[tilespmem:s25], [sflag:$0x2] =	stream.indirect.gather [hbm4b:s1+s28], $0x80, s9, s28, $0x2000b8;
	[tilespmem:$0x1F580] =	vst v63  }
.LBB2_15:
0x17e: {  	s10 =	sshll.u32 s22, $0x8  }
0x17f: {  	s11 =	sadd.s32 $0x1080, s10  }
0x180: {  	[tilespmem:s16], [sflag:$0x5] =	stream.indirect.gather [spmem:s4], $0x1, s11, s28, $0x2000b8;
	[tilespmem:$0x1F580] =	vst v63  }
0x181: {  	s23 =	sadd.s32 $0x1880, s10  }
0x182: {  	[tilespmem:s31], [sflag:$0x3] =	stream.indirect.gather [hbm4b:s1+s28], $0x80, s23, s28, $0x2000b8;
	[tilespmem:$0x1F580] =	vst v63  }
0x183: {  	_ =	swait.ge [sflag:s0], $0x4000  }
0x184: {  	[sflag:s0] =	ssyncset.done $0x0  }
0x185: {  	[sflag:s0] =	ssyncadd.s32 $0xFFFFC000  }
0x186: {  	_ =	swait.ge [sflag:s5], $0x80  }
0x187: {  	v2 =	vmov s21;
	[sflag:s5] =	ssyncset.done $0x0  }
0x188: {  	s11 =	simm.s32 $0x2BC0;
	[sflag:s5] =	ssyncadd.s32 $0xFFFFFF80  }
0x189: {  	v6 =	vld [tilespmem:s11+$0x30]  }
0x18a: {  	v9 =	vld [tilespmem:s11+$0x10]  }
0x18b: {  	v7 =	vld [tilespmem:s11+$0xFFFFFFC0]  }
0x18c: {  	v3 =	vld.idx.msk [tilespmem:v2+s2+$0x0], $0xffff  }
0x18d: {  	v11 =	vld [tilespmem:s11+$0xFFFFFFE0]  }
0x18e: {  	v2 =	vld [tilespmem:s11+$0xFFFFFFF0]  }
0x18f: {  	v4 =	vld [tilespmem:s11+$0x20]  }
0x190: {  	v5 =	vld [tilespmem:s11+$0xFFFFFFD0]  }
0x191: {  	v10 =	vmul.f32 v6, v3;
	v6 =	vld [tilespmem:s11+$0x0]  }
0x192: {  	v8 =	vmul.f32 v7, v3  }
0x193: {  	s12 =	simm.s32 $0x1;
	s13 =	simm.s32 $0x2BC0;
	s23 =	sor.u32 $0x80, s10;
	v7 =	vmul.f32 v11, v3;
	v9 =	vmul.f32 v9, v3  }
.LBB2_16:
0x194: {  	p1 =	sne.s32 s12, $0x7F  }
0x195: {  	v5 =	vmul.f32 v5, v3;
	v4 =	vmul.f32 v4, v3;
	[tilespmem:s11+$0x30] =	vst v10;
	s13 =	sadd.s32 $0x80, s13;
	s14 =	smov.u32 s12;
	s12 =	sadd.s32 $0x1, s12  }
0x196: {  	[tilespmem:s11+$0xFFFFFFC0] =	vst v8;
	v8 =	vmul.f32 v2, v3;
	v3 =	vmul.f32 v6, v3  }
0x197: {  	[tilespmem:s11+$0x10] =	vst v9  }
0x198: {  	v6 =	vmov s14;
	[tilespmem:s11+$0xFFFFFFE0] =	vst v7  }
0x199: {  	v2 =	vld [tilespmem:s13+$0xFFFFFFF0];
	[tilespmem:s11+$0xFFFFFFF0] =	vst v8  }
0x19a: {  	v7 =	vld [tilespmem:s13+$0x30];
	[tilespmem:s11+$0x0] =	vst v3  }
0x19b: {  	v9 =	vld [tilespmem:s13+$0x10];
	[tilespmem:s11+$0x20] =	vst v4  }
0x19c: {  	v8 =	vld [tilespmem:s13+$0xFFFFFFC0];
	[tilespmem:s11+$0xFFFFFFD0] =	vst v5;
	s11 =	smov.u32 s13  }
0x19d: {  	v3 =	vld.idx.msk [tilespmem:v6+s2+$0x0], $0xffff  }
0x19e: {  	v11 =	vld [tilespmem:s13+$0xFFFFFFE0]  }
0x19f: {  	v4 =	vld [tilespmem:s13+$0x20]  }
.Ltmp9:
0x1a0: {  	v5 =	vld [tilespmem:s13+$0xFFFFFFD0];
	(pc) =	sbr.rel @p1 .LBB2_16-.Ltmp9, $3  }
0x1a1: {  	v6 =	vld [tilespmem:s13+$0x0];
	_ =	sdelay $0x1  }
0x1a2: {  	v8 =	vmul.f32 v8, v3;
	v10 =	vmul.f32 v7, v3  }
0x1a3: {  	v9 =	vmul.f32 v9, v3;
	v7 =	vmul.f32 v11, v3  }
0x1a4: {  	[tilespmem:s11+$0x30] =	vst v10  }
0x1a5: {  	[tilespmem:s11+$0xFFFFFFC0] =	vst v8  }
0x1a6: {  	v2 =	vmul.f32 v2, v3;
	[tilespmem:s11+$0x10] =	vst v9  }
0x1a7: {  	v4 =	vmul.f32 v4, v3;
	[tilespmem:s11+$0xFFFFFFE0] =	vst v7  }
0x1a8: {  	v6 =	vmul.f32 v6, v3;
	[tilespmem:s11+$0xFFFFFFF0] =	vst v2  }
0x1a9: {  	v2 =	vmul.f32 v5, v3;
	[tilespmem:s11+$0x20] =	vst v4  }
0x1aa: {  	[tilespmem:s11+$0x0] =	vst v6  }
0x1ab: {  	s13 =	sand.u32 $0x3FFFFF00, s10;
	[tilespmem:s11+$0xFFFFFFD0] =	vst v2  }
0x1ac: {  	[spmem:s3] =	stream.indirect.scatter.add.f32 [tilespmem:s25], [sflag:$0x6], $0x80, s13, s28, $0x2000b8;
	[tilespmem:$0x1F580] =	vst v63  }
0x1ad: {  	p1 =	seq.s32 s22, $0x7;
	_ =	swait.ge [sflag:s24], $0x4000  }
0x1ae: {  	s12 =	simm.s32 @!p1 $0x80;
	[sflag:s24] =	ssyncset.done $0x0  }
0x1af: {  	s11 =	sadd.s32 @!p1 $0x1100, s10;
	s13 =	simm.s32 @!p1 $0x2080;
	[sflag:s24] =	ssyncadd.s32 $0xFFFFC000  }
0x1b0: {  	[tilespmem:s13], [sflag:$0x4] =	stream.indirect.gather @!p1 [spmem:s4], $0x1, s11, s12, $0x2000b8;
	[tilespmem:$0x1F580] =	vst v63  }
0x1b1: {  	s10 =	sadd.s32 @!p1 $0x1900, s10;
	s11 =	simm.s32 @!p1 $0x2B80  }
0x1b2: {  	[tilespmem:s11], [sflag:$0x2] =	stream.indirect.gather @!p1 [hbm4b:s1+s12], $0x80, s10, s12, $0x2000b8;
	[tilespmem:$0x1F580] =	vst v63  }
0x1b3: {  	_ =	swait.ge [sflag:s17], $0x4000  }
0x1b4: {  	[sflag:s17] =	ssyncset.done $0x0  }
0x1b5: {  	[sflag:s17] =	ssyncadd.s32 $0xFFFFC000  }
0x1b6: {  	s14 =	simm.s32 $0x0;
	_ =	swait.ge [sflag:s18], $0x80  }
0x1b7: {  	v2 =	vmov s14;
	[sflag:s18] =	ssyncset.done $0x0  }
0x1b8: {  	s10 =	simm.s32 $0x6BC0;
	[sflag:s18] =	ssyncadd.s32 $0xFFFFFF80  }
0x1b9: {  	v6 =	vld [tilespmem:s10+$0x30]  }
0x1ba: {  	v9 =	vld [tilespmem:s10+$0x10]  }
0x1bb: {  	v7 =	vld [tilespmem:s10+$0xFFFFFFC0]  }
0x1bc: {  	v3 =	vld.idx.msk [tilespmem:v2+s16+$0x0], $0xffff  }
0x1bd: {  	v11 =	vld [tilespmem:s10+$0xFFFFFFE0]  }
0x1be: {  	v2 =	vld [tilespmem:s10+$0xFFFFFFF0]  }
0x1bf: {  	v4 =	vld [tilespmem:s10+$0x20]  }
0x1c0: {  	v5 =	vld [tilespmem:s10+$0xFFFFFFD0]  }
0x1c1: {  	v10 =	vmul.f32 v6, v3;
	v6 =	vld [tilespmem:s10+$0x0]  }
0x1c2: {  	v8 =	vmul.f32 v7, v3  }
0x1c3: {  	s11 =	simm.s32 $0x1;
	s12 =	simm.s32 $0x6BC0;
	v7 =	vmul.f32 v11, v3;
	v9 =	vmul.f32 v9, v3  }
.LBB2_18:
0x1c4: {  	p1 =	sne.s32 s11, $0x7F  }
0x1c5: {  	v5 =	vmul.f32 v5, v3;
	v4 =	vmul.f32 v4, v3;
	[tilespmem:s10+$0x30] =	vst v10;
	s12 =	sadd.s32 $0x80, s12;
	s13 =	smov.u32 s11;
	s11 =	sadd.s32 $0x1, s11  }
0x1c6: {  	[tilespmem:s10+$0xFFFFFFC0] =	vst v8;
	v8 =	vmul.f32 v2, v3;
	v3 =	vmul.f32 v6, v3  }
0x1c7: {  	[tilespmem:s10+$0x10] =	vst v9  }
0x1c8: {  	v6 =	vmov s13;
	[tilespmem:s10+$0xFFFFFFE0] =	vst v7  }
0x1c9: {  	v2 =	vld [tilespmem:s12+$0xFFFFFFF0];
	[tilespmem:s10+$0xFFFFFFF0] =	vst v8  }
0x1ca: {  	v7 =	vld [tilespmem:s12+$0x30];
	[tilespmem:s10+$0x0] =	vst v3  }
0x1cb: {  	v9 =	vld [tilespmem:s12+$0x10];
	[tilespmem:s10+$0x20] =	vst v4  }
0x1cc: {  	v8 =	vld [tilespmem:s12+$0xFFFFFFC0];
	[tilespmem:s10+$0xFFFFFFD0] =	vst v5;
	s10 =	smov.u32 s12  }
0x1cd: {  	v3 =	vld.idx.msk [tilespmem:v6+s16+$0x0], $0xffff  }
0x1ce: {  	v11 =	vld [tilespmem:s12+$0xFFFFFFE0]  }
0x1cf: {  	v4 =	vld [tilespmem:s12+$0x20]  }
.Ltmp10:
0x1d0: {  	v5 =	vld [tilespmem:s12+$0xFFFFFFD0];
	(pc) =	sbr.rel @p1 .LBB2_18-.Ltmp10, $3  }
0x1d1: {  	v6 =	vld [tilespmem:s12+$0x0];
	_ =	sdelay $0x1  }
0x1d2: {  	v8 =	vmul.f32 v8, v3;
	v10 =	vmul.f32 v7, v3  }
0x1d3: {  	v9 =	vmul.f32 v9, v3;
	v7 =	vmul.f32 v11, v3  }
0x1d4: {  	[tilespmem:s10+$0x30] =	vst v10  }
0x1d5: {  	[tilespmem:s10+$0xFFFFFFC0] =	vst v8  }
0x1d6: {  	v2 =	vmul.f32 v2, v3;
	[tilespmem:s10+$0x10] =	vst v9  }
0x1d7: {  	v4 =	vmul.f32 v4, v3;
	[tilespmem:s10+$0xFFFFFFE0] =	vst v7  }
0x1d8: {  	v6 =	vmul.f32 v6, v3;
	[tilespmem:s10+$0xFFFFFFF0] =	vst v2  }
0x1d9: {  	s22 =	sadd.s32 $0x1, s22;
	v2 =	vmul.f32 v5, v3;
	[tilespmem:s10+$0x20] =	vst v4  }
0x1da: {  	p1 =	sne.s32 s22, $0x8;
	[tilespmem:s10+$0x0] =	vst v6  }
.Ltmp11:
0x1db: {  	[tilespmem:s10+$0xFFFFFFD0] =	vst v2;
	(pc) =	sbr.rel @p1 .LBB2_15-.Ltmp11, $4  }
0x1dc: {  	[spmem:s3] =	stream.indirect.scatter.add.f32 [tilespmem:s31], [sflag:$0x6], $0x80, s23, s28, $0x2000b8;
	[tilespmem:$0x1F580] =	vst v63  }
0x1dd: {  	_ =	swait.ge [sflag:s24], $0x4000  }
0x1de: {  	[sflag:s24] =	ssyncset.done $0x0  }
0x1df: {  	[sflag:s24] =	ssyncadd.s32 $0xFFFFC000  }
0x1e0: {  	s20 =	sadd.s32 $0x1, s20  }
0x1e1: {  	p1 =	sne.s32 s20, $0x9  }
.Ltmp12:
0x1e2: {  	_ = 	snop;
	(pc) =	sbr.rel @p1 .LBB2_12-.Ltmp12, $4  }
.Ltmp13:
0x1e3: {  	_ = 	snop;
	(pc) =	sbr.rel @!p1 .LBB2_21-.Ltmp13, $4  }
0x1e4: {  	_ = 	snop  }
0x1e5: {  	_ = 	snop  }
0x1e6: {  	_ = 	snop  }
0x1e7: {  	_ = 	snop  }
.LBB2_22:
0x1e8: {  	_ =	sfence.sel $0x180000  }
0x1e9: {  	[bflag:$0x0] =	sbarrier.arrive $0xFFFF  }
0x1ea: {  	_ =	strace $0x90000047  }
0x1eb: {  	s0 =	stileid.u32;
	[bflag:$0x2] =	sbarrier.arrive $0xFFFF  }
0x1ec: {  	p0 =	sne.s32 s0, $0x0;
	s0 =	rddreg [dreg:$0x5]  }
0x1ed: {  	s0 =	sadd.s32 @!p0 $0x100000, s0  }
0x1ee: {  	[sflag:s0] =	ssyncadd.tile.s32 @!p0 $0x1;
	_ =	shalt  }
.Lfunc_end2:
_tile_overlayer_lowered:
.L_overlay_start_2:
0x1ef: {  	(tag) =	ssettag $0x2  }
0x1f0: {  	s0 =	rddreg [dreg:$0x0];
	s2 =	stileid.u32  }
0x1f1: {  	s1 =	rddreg [dreg:$0x1];
	p0 =	sne.s32 s2, $0x0  }
0x1f2: {  	s3 =	rddreg [dreg:$0x2];
	[bflag:$0x3] =	sbarrier.arrive $0xFFFF;
	s2 =	simm.s32 @!p0 $0x1C06  }
0x1f3: {  	[timem:s3], [sflag:s2] =	dma.local @!p0 [hbm:s0], s1  }
0x1f4: {  	s0 =	simm.s32 @!p0 $0x6  }
0x1f5: {  	_ =	swait.ge @!p0 [sflag:s0], s1  }
0x1f6: {  	s1 =	ssub.s32 @!p0 $0x0, s1;
	[sflag:s0] =	ssyncset.done @!p0 $0x0  }
0x1f7: {  	[sflag:s0] =	ssyncadd.s32 @!p0 s1  }
0x1f8: {  	[bflag:$0x3] =	sbarrier.arrive $0xFFFF  }
0x1f9: {  	_ =	shalt  }

</sc_bundles>
